<compile_context>
chip_gen: v7x
topology: tpu7x:2x2x1
jax: 0.10.2.dev20260603
libtpu: 0.0.44.dev20260713+nightly
codegen_flags: <defaults>
</compile_context>

<pallas_src>
import dataclasses
import functools

import jax
import jax.numpy as jnp
from jax import lax
from jax.experimental import pallas as pl
from jax.experimental.pallas import tpu as pltpu
from jax.experimental.pallas import tpu_sc as plsc

LANES = 16
R = 4
NB_IN = 4
NB_OUT = 2
NW = 32


def kernel(x, permutation):
    batch, dim = x.shape
    perm = permutation.astype(jnp.int32)
    rows_per_w = batch // NW
    n_chunks = rows_per_w // R

    mesh = plsc.VectorSubcoreMesh(core_axis_name="c", subcore_axis_name="s")

    cp = pltpu.CompilerParams()
    if "needs_layout_passes" in pltpu.CompilerParams.__dataclass_fields__:
        cp = dataclasses.replace(cp, needs_layout_passes=False)

    @functools.partial(
        pl.kernel,
        out_type=jax.ShapeDtypeStruct((batch, dim), x.dtype),
        mesh=mesh,
        scratch_types=[
            pltpu.VMEM((dim,), jnp.int32),
            pltpu.VMEM((NB_IN, R, dim), jnp.float32),
            pltpu.VMEM((NB_OUT, R, dim), jnp.float32),
            pltpu.SemaphoreType.DMA((NB_IN,)),
            pltpu.SemaphoreType.DMA((NB_OUT,)),
        ],
        compiler_params=cp,
    )
    def permute_kernel(x_hbm, perm_hbm, out_hbm, perm_v, in_v, out_v,
                       sem_in, sem_out):
        wid = lax.axis_index("s") * 2 + lax.axis_index("c")
        base = wid * rows_per_w
        def start_in(g, b):
            pltpu.make_async_copy(
                x_hbm.at[pl.ds(base + g * R, R)], in_v.at[b],
                sem_in.at[b]).start()

        def wait_in(b):
            pltpu.make_async_copy(
                x_hbm.at[pl.ds(base, R)], in_v.at[b], sem_in.at[b]).wait()

        def start_out(g, h):
            pltpu.make_async_copy(
                out_v.at[h], out_hbm.at[pl.ds(base + g * R, R)],
                sem_out.at[h]).start()

        def wait_out(h):
            pltpu.make_async_copy(
                out_v.at[h], out_hbm.at[pl.ds(base, R)], sem_out.at[h]).wait()

        for p in range(NB_IN - 1):
            start_in(p, p)
        pltpu.sync_copy(perm_hbm, perm_v)

        @pl.loop(0, n_chunks // NB_IN)
        def _(k):
            for b in range(NB_IN):
                g = NB_IN * k + b
                wait_in(b)

                @pl.when(g + NB_IN - 1 < n_chunks)
                def _():
                    start_in(g + NB_IN - 1, (b + NB_IN - 1) % NB_IN)

                ho = b % NB_OUT

                @pl.when(g > NB_OUT - 1)
                def _():
                    wait_out(ho)

                @plsc.parallel_loop(0, dim, step=LANES, unroll=16)
                def _(c):
                    col = pl.ds(c, LANES)
                    idx = perm_v[col]
                    for r in range(R):
                        row = jnp.full((LANES,), r, jnp.int32)
                        out_v[ho, r, col] = plsc.load_gather(
                            in_v.at[b], [row, idx])

                start_out(g, ho)

        wait_out(0)
        wait_out(1)

    return permute_kernel(x, perm)

# --- scband reference (transcript-rebuilt; emitter-appended) ---
"""Pipeline reference for scband-permutation-layer-46016279610303 (READ-ONLY COPY).

The authoritative reference and input builder live on the scoring server;
editing this copy changes nothing except your own understanding.
"""

import jax, jax.numpy as jnp
import numpy as np

INPUT_DIM = 4096
BATCH = 16384

def setup_inputs(seed: int = 0) -> dict:
    key = jax.random.key(seed)
    kx, kp = jax.random.split(key)
    x = jax.random.normal(kx, (BATCH, INPUT_DIM), dtype=jnp.float32)
    # fixed random permutation (mirrors torch.randperm buffered at init)
    permutation = jax.random.permutation(kp, INPUT_DIM)
    return {"x": x, "permutation": permutation}

def reference(x, permutation):
    # forward: x[:, self.permutation]  -> feature-dim gather
    return jnp.take(x, permutation, axis=1)

if __name__ == "__main__":
    import jax
    _d = setup_inputs()
    print(jax.jit(kernel)(*tuple(_d.values())))

</pallas_src>

<mosaic_0001>
#map = affine_map<(d0, d1) -> (0, 0)>
#map1 = affine_map<(d0, d1) -> (0)>
module attributes {stable_mosaic.version = 14 : i64} {
  func.func @permute_kernel(%arg0: i32, %arg1: i32, %arg2: memref<16384x4096xf32, #tpu.memory_space<hbm>>, %arg3: memref<4096xi32, #tpu.memory_space<hbm>>, %arg4: memref<16384x4096xf32, #tpu.memory_space<hbm>>, %arg5: memref<4096xi32, #tpu.memory_space<vmem>>, %arg6: memref<4x4x4096xf32, #tpu.memory_space<vmem>>, %arg7: memref<2x4x4096xf32, #tpu.memory_space<vmem>>, %arg8: memref<4x!tpu.dma_semaphore, #tpu.memory_space<semaphore_mem>>, %arg9: memref<2x!tpu.dma_semaphore, #tpu.memory_space<semaphore_mem>>) attributes {dimension_semantics = [#tpu.dimension_semantics<core_parallel>, #tpu.dimension_semantics<subcore_parallel>], iteration_bounds = array<i64: 2, 16>, scalar_prefetch = 0 : i64, scratch_operands = 5 : i64, tpu.core_type = #tpu.core_type<sc_vector_subcore>, window_params = [{transform_indices = #map}, {transform_indices = #map1}, {transform_indices = #map}]} {
    %mul3A = arith.constant 2 : i32
    %mul3A_0 = arith.muli %arg1, %mul3A : i32
    %add3A = arith.addi %mul3A_0, %arg0 : i32
    %mul3A_1 = arith.constant 512 : i32
    %mul3A_2 = arith.muli %add3A, %mul3A_1 : i32
    %add3A_3 = arith.constant 0 : i32
    %add3A_4 = arith.addi %mul3A_2, %add3A_3 : i32
    %dma_start3A = arith.constant 0 : i32
    %dma_start3A_5 = arith.constant 0 : i32
    %dma_start3A_6 = arith.constant 0 : i32
    %dma_start3A_7 = arith.constant 0 : i32
    %dma_start3A_8 = tpu.memref_slice %arg6[%dma_start3A, %dma_start3A_6, %dma_start3A_7] : memref<4x4x4096xf32, #tpu.memory_space<vmem>> -> memref<1x4x4096xf32, #tpu.memory_space<vmem>>
    %dma_start3A_9 = tpu.memref_squeeze %dma_start3A_8 : memref<1x4x4096xf32, #tpu.memory_space<vmem>> -> memref<4x4096xf32, #tpu.memory_space<vmem>>
    %dma_start3A_10 = arith.constant 0 : i32
    %dma_start3A_11 = tpu.memref_slice %arg2[%add3A_4, %dma_start3A_10] : memref<16384x4096xf32, #tpu.memory_space<hbm>> -> memref<4x4096xf32, #tpu.memory_space<hbm>>
    %dma_start3A_12 = tpu.memref_slice %arg8[%dma_start3A_5] : memref<4x!tpu.dma_semaphore, #tpu.memory_space<semaphore_mem>> -> memref<1x!tpu.dma_semaphore, #tpu.memory_space<semaphore_mem>>
    %dma_start3A_13 = tpu.memref_squeeze %dma_start3A_12 : memref<1x!tpu.dma_semaphore, #tpu.memory_space<semaphore_mem>> -> memref<!tpu.dma_semaphore, #tpu.memory_space<semaphore_mem>>
    %dma_start3A_14 = arith.constant 0 : i32
    %dma_start3A_15 = arith.constant 0 : i32
    %dma_start3A_16 = tpu.memref_slice %arg6[%dma_start3A, %dma_start3A_14, %dma_start3A_15] : memref<4x4x4096xf32, #tpu.memory_space<vmem>> -> memref<1x4x4096xf32, #tpu.memory_space<vmem>>
    %dma_start3A_17 = tpu.memref_squeeze %dma_start3A_16 : memref<1x4x4096xf32, #tpu.memory_space<vmem>> -> memref<4x4096xf32, #tpu.memory_space<vmem>>
    %dma_start3A_18 = arith.constant 0 : i32
    %dma_start3A_19 = tpu.memref_slice %arg2[%add3A_4, %dma_start3A_18] : memref<16384x4096xf32, #tpu.memory_space<hbm>> -> memref<4x4096xf32, #tpu.memory_space<hbm>>
    tpu.enqueue_dma source(%dma_start3A_19 : memref<4x4096xf32, #tpu.memory_space<hbm>>) target(%dma_start3A_17 : memref<4x4096xf32, #tpu.memory_space<vmem>>) target_semaphore(%dma_start3A_13 : memref<!tpu.dma_semaphore, #tpu.memory_space<semaphore_mem>>)
    %add3A_20 = arith.constant 4 : i32
    %add3A_21 = arith.addi %mul3A_2, %add3A_20 : i32
    %dma_start3A_22 = arith.constant 1 : i32
    %dma_start3A_23 = arith.constant 1 : i32
    %dma_start3A_24 = arith.constant 0 : i32
    %dma_start3A_25 = arith.constant 0 : i32
    %dma_start3A_26 = tpu.memref_slice %arg6[%dma_start3A_22, %dma_start3A_24, %dma_start3A_25] : memref<4x4x4096xf32, #tpu.memory_space<vmem>> -> memref<1x4x4096xf32, #tpu.memory_space<vmem>>
    %dma_start3A_27 = tpu.memref_squeeze %dma_start3A_26 : memref<1x4x4096xf32, #tpu.memory_space<vmem>> -> memref<4x4096xf32, #tpu.memory_space<vmem>>
    %dma_start3A_28 = arith.constant 0 : i32
    %dma_start3A_29 = tpu.memref_slice %arg2[%add3A_21, %dma_start3A_28] : memref<16384x4096xf32, #tpu.memory_space<hbm>> -> memref<4x4096xf32, #tpu.memory_space<hbm>>
    %dma_start3A_30 = tpu.memref_slice %arg8[%dma_start3A_23] : memref<4x!tpu.dma_semaphore, #tpu.memory_space<semaphore_mem>> -> memref<1x!tpu.dma_semaphore, #tpu.memory_space<semaphore_mem>>
    %dma_start3A_31 = tpu.memref_squeeze %dma_start3A_30 : memref<1x!tpu.dma_semaphore, #tpu.memory_space<semaphore_mem>> -> memref<!tpu.dma_semaphore, #tpu.memory_space<semaphore_mem>>
    %dma_start3A_32 = arith.constant 0 : i32
    %dma_start3A_33 = arith.constant 0 : i32
    %dma_start3A_34 = tpu.memref_slice %arg6[%dma_start3A_22, %dma_start3A_32, %dma_start3A_33] : memref<4x4x4096xf32, #tpu.memory_space<vmem>> -> memref<1x4x4096xf32, #tpu.memory_space<vmem>>
    %dma_start3A_35 = tpu.memref_squeeze %dma_start3A_34 : memref<1x4x4096xf32, #tpu.memory_space<vmem>> -> memref<4x4096xf32, #tpu.memory_space<vmem>>
    %dma_start3A_36 = arith.constant 0 : i32
    %dma_start3A_37 = tpu.memref_slice %arg2[%add3A_21, %dma_start3A_36] : memref<16384x4096xf32, #tpu.memory_space<hbm>> -> memref<4x4096xf32, #tpu.memory_space<hbm>>
    tpu.enqueue_dma source(%dma_start3A_37 : memref<4x4096xf32, #tpu.memory_space<hbm>>) target(%dma_start3A_35 : memref<4x4096xf32, #tpu.memory_space<vmem>>) target_semaphore(%dma_start3A_31 : memref<!tpu.dma_semaphore, #tpu.memory_space<semaphore_mem>>)
    %add3A_38 = arith.constant 8 : i32
    %add3A_39 = arith.addi %mul3A_2, %add3A_38 : i32
    %dma_start3A_40 = arith.constant 2 : i32
    %dma_start3A_41 = arith.constant 2 : i32
    %dma_start3A_42 = arith.constant 0 : i32
    %dma_start3A_43 = arith.constant 0 : i32
    %dma_start3A_44 = tpu.memref_slice %arg6[%dma_start3A_40, %dma_start3A_42, %dma_start3A_43] : memref<4x4x4096xf32, #tpu.memory_space<vmem>> -> memref<1x4x4096xf32, #tpu.memory_space<vmem>>
    %dma_start3A_45 = tpu.memref_squeeze %dma_start3A_44 : memref<1x4x4096xf32, #tpu.memory_space<vmem>> -> memref<4x4096xf32, #tpu.memory_space<vmem>>
    %dma_start3A_46 = arith.constant 0 : i32
    %dma_start3A_47 = tpu.memref_slice %arg2[%add3A_39, %dma_start3A_46] : memref<16384x4096xf32, #tpu.memory_space<hbm>> -> memref<4x4096xf32, #tpu.memory_space<hbm>>
    %dma_start3A_48 = tpu.memref_slice %arg8[%dma_start3A_41] : memref<4x!tpu.dma_semaphore, #tpu.memory_space<semaphore_mem>> -> memref<1x!tpu.dma_semaphore, #tpu.memory_space<semaphore_mem>>
    %dma_start3A_49 = tpu.memref_squeeze %dma_start3A_48 : memref<1x!tpu.dma_semaphore, #tpu.memory_space<semaphore_mem>> -> memref<!tpu.dma_semaphore, #tpu.memory_space<semaphore_mem>>
    %dma_start3A_50 = arith.constant 0 : i32
    %dma_start3A_51 = arith.constant 0 : i32
    %dma_start3A_52 = tpu.memref_slice %arg6[%dma_start3A_40, %dma_start3A_50, %dma_start3A_51] : memref<4x4x4096xf32, #tpu.memory_space<vmem>> -> memref<1x4x4096xf32, #tpu.memory_space<vmem>>
    %dma_start3A_53 = tpu.memref_squeeze %dma_start3A_52 : memref<1x4x4096xf32, #tpu.memory_space<vmem>> -> memref<4x4096xf32, #tpu.memory_space<vmem>>
    %dma_start3A_54 = arith.constant 0 : i32
    %dma_start3A_55 = tpu.memref_slice %arg2[%add3A_39, %dma_start3A_54] : memref<16384x4096xf32, #tpu.memory_space<hbm>> -> memref<4x4096xf32, #tpu.memory_space<hbm>>
    tpu.enqueue_dma source(%dma_start3A_55 : memref<4x4096xf32, #tpu.memory_space<hbm>>) target(%dma_start3A_53 : memref<4x4096xf32, #tpu.memory_space<vmem>>) target_semaphore(%dma_start3A_49 : memref<!tpu.dma_semaphore, #tpu.memory_space<semaphore_mem>>)
    "tpu.region"() ({
      %run_scoped3A = tpu.sem_alloc : memref<!tpu.dma_semaphore, #tpu.memory_space<semaphore_mem>>
      tpu.enqueue_dma source(%arg3 : memref<4096xi32, #tpu.memory_space<hbm>>) target(%arg5 : memref<4096xi32, #tpu.memory_space<vmem>>) target_semaphore(%run_scoped3A : memref<!tpu.dma_semaphore, #tpu.memory_space<semaphore_mem>>)
      tpu.wait_dma2 semaphore(%run_scoped3A : memref<!tpu.dma_semaphore, #tpu.memory_space<semaphore_mem>>) src(%arg3 : memref<4096xi32, #tpu.memory_space<hbm>>) dst(%arg5 : memref<4096xi32, #tpu.memory_space<vmem>>)
      tpu.yield
    }) : () -> ()
    %scan3A = arith.constant 0 : i32
    %scan3A_56 = arith.constant 32 : i32
    %scan3A_57 = arith.addi %scan3A, %scan3A_56 : i32
    %scan3A_58 = arith.constant 1 : i32
    scf.for %scan3A_91 = %scan3A to %scan3A_57 step %scan3A_58  : i32 {
      %mul3A_92 = arith.constant 1 : i32
      %mul3A_93 = arith.muli %scan3A_91, %mul3A_92 : i32
      %add3A_94 = arith.constant 0 : i32
      %add3A_95 = arith.addi %add3A_94, %mul3A_93 : i32
      %mul3A_96 = arith.constant 4 : i32
      %mul3A_97 = arith.muli %mul3A_96, %add3A_95 : i32
      %add3A_98 = arith.constant 0 : i32
      %add3A_99 = arith.addi %mul3A_97, %add3A_98 : i32
      %dma_wait3A_100 = arith.constant 0 : i32
      %dma_wait3A_101 = arith.constant 0 : i32
      %dma_wait3A_102 = arith.constant 0 : i32
      %dma_wait3A_103 = arith.constant 0 : i32
      %dma_wait3A_104 = tpu.memref_slice %arg6[%dma_wait3A_100, %dma_wait3A_102, %dma_wait3A_103] : memref<4x4x4096xf32, #tpu.memory_space<vmem>> -> memref<1x4x4096xf32, #tpu.memory_space<vmem>>
      %dma_wait3A_105 = tpu.memref_squeeze %dma_wait3A_104 : memref<1x4x4096xf32, #tpu.memory_space<vmem>> -> memref<4x4096xf32, #tpu.memory_space<vmem>>
      %dma_wait3A_106 = arith.constant 0 : i32
      %dma_wait3A_107 = tpu.memref_slice %arg2[%mul3A_2, %dma_wait3A_106] : memref<16384x4096xf32, #tpu.memory_space<hbm>> -> memref<4x4096xf32, #tpu.memory_space<hbm>>
      %dma_wait3A_108 = tpu.memref_slice %arg8[%dma_wait3A_101] : memref<4x!tpu.dma_semaphore, #tpu.memory_space<semaphore_mem>> -> memref<1x!tpu.dma_semaphore, #tpu.memory_space<semaphore_mem>>
      %dma_wait3A_109 = tpu.memref_squeeze %dma_wait3A_108 : memref<1x!tpu.dma_semaphore, #tpu.memory_space<semaphore_mem>> -> memref<!tpu.dma_semaphore, #tpu.memory_space<semaphore_mem>>
      %dma_wait3A_110 = arith.constant 0 : i32
      %dma_wait3A_111 = arith.constant 0 : i32
      %dma_wait3A_112 = tpu.memref_slice %arg6[%dma_wait3A_100, %dma_wait3A_110, %dma_wait3A_111] : memref<4x4x4096xf32, #tpu.memory_space<vmem>> -> memref<1x4x4096xf32, #tpu.memory_space<vmem>>
      %dma_wait3A_113 = tpu.memref_squeeze %dma_wait3A_112 : memref<1x4x4096xf32, #tpu.memory_space<vmem>> -> memref<4x4096xf32, #tpu.memory_space<vmem>>
      %dma_wait3A_114 = arith.constant 0 : i32
      %dma_wait3A_115 = tpu.memref_slice %arg2[%mul3A_2, %dma_wait3A_114] : memref<16384x4096xf32, #tpu.memory_space<hbm>> -> memref<4x4096xf32, #tpu.memory_space<hbm>>
      tpu.wait_dma2 semaphore(%dma_wait3A_109 : memref<!tpu.dma_semaphore, #tpu.memory_space<semaphore_mem>>) src(%dma_wait3A_115 : memref<4x4096xf32, #tpu.memory_space<hbm>>) dst(%dma_wait3A_113 : memref<4x4096xf32, #tpu.memory_space<vmem>>)
      %add3A_116 = arith.constant 4 : i32
      %add3A_117 = arith.addi %add3A_99, %add3A_116 : i32
      %sub3A = arith.constant 1 : i32
      %sub3A_118 = arith.subi %add3A_117, %sub3A : i32
      %lt3A = arith.constant 128 : i32
      %lt3A_119 = arith.cmpi slt, %sub3A_118, %lt3A : i32
      %convert_element_type3A = arith.extui %lt3A_119 : i1 to i32
      %cond3A = arith.constant 0 : i32
      %cond3A_120 = arith.cmpi ne, %convert_element_type3A, %cond3A : i32
      scf.if %cond3A_120 {
        %add3A_314 = arith.constant 4 : i32
        %add3A_315 = arith.addi %add3A_99, %add3A_314 : i32
        %sub3A_316 = arith.constant 1 : i32
        %sub3A_317 = arith.subi %add3A_315, %sub3A_316 : i32
        %mul3A_318 = arith.constant 4 : i32
        %mul3A_319 = arith.muli %sub3A_317, %mul3A_318 : i32
        %add3A_320 = arith.addi %mul3A_2, %mul3A_319 : i32
        %dma_start3A_321 = arith.constant 3 : i32
        %dma_start3A_322 = arith.constant 3 : i32
        %dma_start3A_323 = arith.constant 0 : i32
        %dma_start3A_324 = arith.constant 0 : i32
        %dma_start3A_325 = tpu.memref_slice %arg6[%dma_start3A_321, %dma_start3A_323, %dma_start3A_324] : memref<4x4x4096xf32, #tpu.memory_space<vmem>> -> memref<1x4x4096xf32, #tpu.memory_space<vmem>>
        %dma_start3A_326 = tpu.memref_squeeze %dma_start3A_325 : memref<1x4x4096xf32, #tpu.memory_space<vmem>> -> memref<4x4096xf32, #tpu.memory_space<vmem>>
        %dma_start3A_327 = arith.constant 0 : i32
        %dma_start3A_328 = tpu.memref_slice %arg2[%add3A_320, %dma_start3A_327] : memref<16384x4096xf32, #tpu.memory_space<hbm>> -> memref<4x4096xf32, #tpu.memory_space<hbm>>
        %dma_start3A_329 = tpu.memref_slice %arg8[%dma_start3A_322] : memref<4x!tpu.dma_semaphore, #tpu.memory_space<semaphore_mem>> -> memref<1x!tpu.dma_semaphore, #tpu.memory_space<semaphore_mem>>
        %dma_start3A_330 = tpu.memref_squeeze %dma_start3A_329 : memref<1x!tpu.dma_semaphore, #tpu.memory_space<semaphore_mem>> -> memref<!tpu.dma_semaphore, #tpu.memory_space<semaphore_mem>>
        %dma_start3A_331 = arith.constant 0 : i32
        %dma_start3A_332 = arith.constant 0 : i32
        %dma_start3A_333 = tpu.memref_slice %arg6[%dma_start3A_321, %dma_start3A_331, %dma_start3A_332] : memref<4x4x4096xf32, #tpu.memory_space<vmem>> -> memref<1x4x4096xf32, #tpu.memory_space<vmem>>
        %dma_start3A_334 = tpu.memref_squeeze %dma_start3A_333 : memref<1x4x4096xf32, #tpu.memory_space<vmem>> -> memref<4x4096xf32, #tpu.memory_space<vmem>>
        %dma_start3A_335 = arith.constant 0 : i32
        %dma_start3A_336 = tpu.memref_slice %arg2[%add3A_320, %dma_start3A_335] : memref<16384x4096xf32, #tpu.memory_space<hbm>> -> memref<4x4096xf32, #tpu.memory_space<hbm>>
        tpu.enqueue_dma source(%dma_start3A_336 : memref<4x4096xf32, #tpu.memory_space<hbm>>) target(%dma_start3A_334 : memref<4x4096xf32, #tpu.memory_space<vmem>>) target_semaphore(%dma_start3A_330 : memref<!tpu.dma_semaphore, #tpu.memory_space<semaphore_mem>>)
      } else {
      }
      %gt3A = arith.constant 1 : i32
      %gt3A_121 = arith.cmpi sgt, %add3A_99, %gt3A : i32
      %convert_element_type3A_122 = arith.extui %gt3A_121 : i1 to i32
      %cond3A_123 = arith.constant 0 : i32
      %cond3A_124 = arith.cmpi ne, %convert_element_type3A_122, %cond3A_123 : i32
      scf.if %cond3A_124 {
        %dma_wait3A_314 = arith.constant 0 : i32
        %dma_wait3A_315 = arith.constant 0 : i32
        %dma_wait3A_316 = arith.constant 0 : i32
        %dma_wait3A_317 = arith.constant 0 : i32
        %dma_wait3A_318 = tpu.memref_slice %arg7[%dma_wait3A_314, %dma_wait3A_316, %dma_wait3A_317] : memref<2x4x4096xf32, #tpu.memory_space<vmem>> -> memref<1x4x4096xf32, #tpu.memory_space<vmem>>
        %dma_wait3A_319 = tpu.memref_squeeze %dma_wait3A_318 : memref<1x4x4096xf32, #tpu.memory_space<vmem>> -> memref<4x4096xf32, #tpu.memory_space<vmem>>
        %dma_wait3A_320 = arith.constant 0 : i32
        %dma_wait3A_321 = tpu.memref_slice %arg4[%mul3A_2, %dma_wait3A_320] : memref<16384x4096xf32, #tpu.memory_space<hbm>> -> memref<4x4096xf32, #tpu.memory_space<hbm>>
        %dma_wait3A_322 = tpu.memref_slice %arg9[%dma_wait3A_315] : memref<2x!tpu.dma_semaphore, #tpu.memory_space<semaphore_mem>> -> memref<1x!tpu.dma_semaphore, #tpu.memory_space<semaphore_mem>>
        %dma_wait3A_323 = tpu.memref_squeeze %dma_wait3A_322 : memref<1x!tpu.dma_semaphore, #tpu.memory_space<semaphore_mem>> -> memref<!tpu.dma_semaphore, #tpu.memory_space<semaphore_mem>>
        %dma_wait3A_324 = arith.constant 0 : i32
        %dma_wait3A_325 = tpu.memref_slice %arg4[%mul3A_2, %dma_wait3A_324] : memref<16384x4096xf32, #tpu.memory_space<hbm>> -> memref<4x4096xf32, #tpu.memory_space<hbm>>
        %dma_wait3A_326 = arith.constant 0 : i32
        %dma_wait3A_327 = arith.constant 0 : i32
        %dma_wait3A_328 = tpu.memref_slice %arg7[%dma_wait3A_314, %dma_wait3A_326, %dma_wait3A_327] : memref<2x4x4096xf32, #tpu.memory_space<vmem>> -> memref<1x4x4096xf32, #tpu.memory_space<vmem>>
        %dma_wait3A_329 = tpu.memref_squeeze %dma_wait3A_328 : memref<1x4x4096xf32, #tpu.memory_space<vmem>> -> memref<4x4096xf32, #tpu.memory_space<vmem>>
        tpu.wait_dma2 semaphore(%dma_wait3A_323 : memref<!tpu.dma_semaphore, #tpu.memory_space<semaphore_mem>>) src(%dma_wait3A_329 : memref<4x4096xf32, #tpu.memory_space<vmem>>) dst(%dma_wait3A_325 : memref<4x4096xf32, #tpu.memory_space<hbm>>)
      } else {
      }
      %parallel_loop3A = arith.constant 0 : i32
      %parallel_loop3A_125 = arith.constant 4096 : i32
      %parallel_loop3A_126 = arith.constant 16 : i32
      scf.for %parallel_loop3A_314 = %parallel_loop3A to %parallel_loop3A_125 step %parallel_loop3A_126  : i32 {
        %parallel_loop3A_315 = arith.index_cast %parallel_loop3A_314 : i32 to index
        %parallel_loop3A_316 = tpu.vector_load %arg5[%parallel_loop3A_315] {strides = array<i32>} : memref<4096xi32, #tpu.memory_space<vmem>>, vector<16xi32>,
        %parallel_loop3A_317 = arith.constant 0 : i32
        %parallel_loop3A_318 = vector.broadcast %parallel_loop3A_317 : i32 to vector<16xi32>
        %parallel_loop3A_319 = arith.constant 0 : i32
        %parallel_loop3A_320 = arith.constant 0 : i32
        %parallel_loop3A_321 = arith.constant 0 : i32
        %parallel_loop3A_322 = tpu.memref_slice %arg6[%parallel_loop3A_319, %parallel_loop3A_320, %parallel_loop3A_321] : memref<4x4x4096xf32, #tpu.memory_space<vmem>> -> memref<1x4x4096xf32, #tpu.memory_space<vmem>>
        %parallel_loop3A_323 = tpu.memref_squeeze %parallel_loop3A_322 : memref<1x4x4096xf32, #tpu.memory_space<vmem>> -> memref<4x4096xf32, #tpu.memory_space<vmem>>
        %parallel_loop3A_324 = tpu.vector_load_idx %parallel_loop3A_323[%parallel_loop3A_318, %parallel_loop3A_316] : memref<4x4096xf32, #tpu.memory_space<vmem>>[vector<16xi32>, vector<16xi32>], vector<16xf32>,
        %parallel_loop3A_325 = arith.constant 0 : i32
        %parallel_loop3A_326 = arith.constant 0 : i32
        %parallel_loop3A_327 = arith.index_cast %parallel_loop3A_325 : i32 to index
        %parallel_loop3A_328 = arith.index_cast %parallel_loop3A_326 : i32 to index
        %parallel_loop3A_329 = arith.index_cast %parallel_loop3A_314 : i32 to index
        %parallel_loop3A_330 = tpu.vector_load %arg7[%parallel_loop3A_327, %parallel_loop3A_328, %parallel_loop3A_329] {strides = array<i32>} : memref<2x4x4096xf32, #tpu.memory_space<vmem>>, vector<16xf32>,
        tpu.vector_store %arg7[%parallel_loop3A_327, %parallel_loop3A_328, %parallel_loop3A_329], %parallel_loop3A_324 {strides = array<i32>} : memref<2x4x4096xf32, #tpu.memory_space<vmem>>, vector<16xf32>,
        %parallel_loop3A_331 = arith.constant 1 : i32
        %parallel_loop3A_332 = vector.broadcast %parallel_loop3A_331 : i32 to vector<16xi32>
        %parallel_loop3A_333 = arith.constant 0 : i32
        %parallel_loop3A_334 = arith.constant 0 : i32
        %parallel_loop3A_335 = arith.constant 0 : i32
        %parallel_loop3A_336 = tpu.memref_slice %arg6[%parallel_loop3A_333, %parallel_loop3A_334, %parallel_loop3A_335] : memref<4x4x4096xf32, #tpu.memory_space<vmem>> -> memref<1x4x4096xf32, #tpu.memory_space<vmem>>
        %parallel_loop3A_337 = tpu.memref_squeeze %parallel_loop3A_336 : memref<1x4x4096xf32, #tpu.memory_space<vmem>> -> memref<4x4096xf32, #tpu.memory_space<vmem>>
        %parallel_loop3A_338 = tpu.vector_load_idx %parallel_loop3A_337[%parallel_loop3A_332, %parallel_loop3A_316] : memref<4x4096xf32, #tpu.memory_space<vmem>>[vector<16xi32>, vector<16xi32>], vector<16xf32>,
        %parallel_loop3A_339 = arith.constant 0 : i32
        %parallel_loop3A_340 = arith.constant 1 : i32
        %parallel_loop3A_341 = arith.index_cast %parallel_loop3A_339 : i32 to index
        %parallel_loop3A_342 = arith.index_cast %parallel_loop3A_340 : i32 to index
        %parallel_loop3A_343 = arith.index_cast %parallel_loop3A_314 : i32 to index
        %parallel_loop3A_344 = tpu.vector_load %arg7[%parallel_loop3A_341, %parallel_loop3A_342, %parallel_loop3A_343] {strides = array<i32>} : memref<2x4x4096xf32, #tpu.memory_space<vmem>>, vector<16xf32>,
        tpu.vector_store %arg7[%parallel_loop3A_341, %parallel_loop3A_342, %parallel_loop3A_343], %parallel_loop3A_338 {strides = array<i32>} : memref<2x4x4096xf32, #tpu.memory_space<vmem>>, vector<16xf32>,
        %parallel_loop3A_345 = arith.constant 2 : i32
        %parallel_loop3A_346 = vector.broadcast %parallel_loop3A_345 : i32 to vector<16xi32>
        %parallel_loop3A_347 = arith.constant 0 : i32
        %parallel_loop3A_348 = arith.constant 0 : i32
        %parallel_loop3A_349 = arith.constant 0 : i32
        %parallel_loop3A_350 = tpu.memref_slice %arg6[%parallel_loop3A_347, %parallel_loop3A_348, %parallel_loop3A_349] : memref<4x4x4096xf32, #tpu.memory_space<vmem>> -> memref<1x4x4096xf32, #tpu.memory_space<vmem>>
        %parallel_loop3A_351 = tpu.memref_squeeze %parallel_loop3A_350 : memref<1x4x4096xf32, #tpu.memory_space<vmem>> -> memref<4x4096xf32, #tpu.memory_space<vmem>>
        %parallel_loop3A_352 = tpu.vector_load_idx %parallel_loop3A_351[%parallel_loop3A_346, %parallel_loop3A_316] : memref<4x4096xf32, #tpu.memory_space<vmem>>[vector<16xi32>, vector<16xi32>], vector<16xf32>,
        %parallel_loop3A_353 = arith.constant 0 : i32
        %parallel_loop3A_354 = arith.constant 2 : i32
        %parallel_loop3A_355 = arith.index_cast %parallel_loop3A_353 : i32 to index
        %parallel_loop3A_356 = arith.index_cast %parallel_loop3A_354 : i32 to index
        %parallel_loop3A_357 = arith.index_cast %parallel_loop3A_314 : i32 to index
        %parallel_loop3A_358 = tpu.vector_load %arg7[%parallel_loop3A_355, %parallel_loop3A_356, %parallel_loop3A_357] {strides = array<i32>} : memref<2x4x4096xf32, #tpu.memory_space<vmem>>, vector<16xf32>,
        tpu.vector_store %arg7[%parallel_loop3A_355, %parallel_loop3A_356, %parallel_loop3A_357], %parallel_loop3A_352 {strides = array<i32>} : memref<2x4x4096xf32, #tpu.memory_space<vmem>>, vector<16xf32>,
        %parallel_loop3A_359 = arith.constant 3 : i32
        %parallel_loop3A_360 = vector.broadcast %parallel_loop3A_359 : i32 to vector<16xi32>
        %parallel_loop3A_361 = arith.constant 0 : i32
        %parallel_loop3A_362 = arith.constant 0 : i32
        %parallel_loop3A_363 = arith.constant 0 : i32
        %parallel_loop3A_364 = tpu.memref_slice %arg6[%parallel_loop3A_361, %parallel_loop3A_362, %parallel_loop3A_363] : memref<4x4x4096xf32, #tpu.memory_space<vmem>> -> memref<1x4x4096xf32, #tpu.memory_space<vmem>>
        %parallel_loop3A_365 = tpu.memref_squeeze %parallel_loop3A_364 : memref<1x4x4096xf32, #tpu.memory_space<vmem>> -> memref<4x4096xf32, #tpu.memory_space<vmem>>
        %parallel_loop3A_366 = tpu.vector_load_idx %parallel_loop3A_365[%parallel_loop3A_360, %parallel_loop3A_316] : memref<4x4096xf32, #tpu.memory_space<vmem>>[vector<16xi32>, vector<16xi32>], vector<16xf32>,
        %parallel_loop3A_367 = arith.constant 0 : i32
        %parallel_loop3A_368 = arith.constant 3 : i32
        %parallel_loop3A_369 = arith.index_cast %parallel_loop3A_367 : i32 to index
        %parallel_loop3A_370 = arith.index_cast %parallel_loop3A_368 : i32 to index
        %parallel_loop3A_371 = arith.index_cast %parallel_loop3A_314 : i32 to index
        %parallel_loop3A_372 = tpu.vector_load %arg7[%parallel_loop3A_369, %parallel_loop3A_370, %parallel_loop3A_371] {strides = array<i32>} : memref<2x4x4096xf32, #tpu.memory_space<vmem>>, vector<16xf32>,
        tpu.vector_store %arg7[%parallel_loop3A_369, %parallel_loop3A_370, %parallel_loop3A_371], %parallel_loop3A_366 {strides = array<i32>} : memref<2x4x4096xf32, #tpu.memory_space<vmem>>, vector<16xf32>,
      } {sc.loop_unroll_factor = 16 : i64, sc.parallel_access}
      %mul3A_127 = arith.constant 4 : i32
      %mul3A_128 = arith.muli %add3A_99, %mul3A_127 : i32
      %add3A_129 = arith.addi %mul3A_2, %mul3A_128 : i32
      %dma_start3A_130 = arith.constant 0 : i32
      %dma_start3A_131 = arith.constant 0 : i32
      %dma_start3A_132 = arith.constant 0 : i32
      %dma_start3A_133 = arith.constant 0 : i32
      %dma_start3A_134 = tpu.memref_slice %arg7[%dma_start3A_130, %dma_start3A_132, %dma_start3A_133] : memref<2x4x4096xf32, #tpu.memory_space<vmem>> -> memref<1x4x4096xf32, #tpu.memory_space<vmem>>
      %dma_start3A_135 = tpu.memref_squeeze %dma_start3A_134 : memref<1x4x4096xf32, #tpu.memory_space<vmem>> -> memref<4x4096xf32, #tpu.memory_space<vmem>>
      %dma_start3A_136 = arith.constant 0 : i32
      %dma_start3A_137 = tpu.memref_slice %arg4[%add3A_129, %dma_start3A_136] : memref<16384x4096xf32, #tpu.memory_space<hbm>> -> memref<4x4096xf32, #tpu.memory_space<hbm>>
      %dma_start3A_138 = tpu.memref_slice %arg9[%dma_start3A_131] : memref<2x!tpu.dma_semaphore, #tpu.memory_space<semaphore_mem>> -> memref<1x!tpu.dma_semaphore, #tpu.memory_space<semaphore_mem>>
      %dma_start3A_139 = tpu.memref_squeeze %dma_start3A_138 : memref<1x!tpu.dma_semaphore, #tpu.memory_space<semaphore_mem>> -> memref<!tpu.dma_semaphore, #tpu.memory_space<semaphore_mem>>
      %dma_start3A_140 = arith.constant 0 : i32
      %dma_start3A_141 = tpu.memref_slice %arg4[%add3A_129, %dma_start3A_140] : memref<16384x4096xf32, #tpu.memory_space<hbm>> -> memref<4x4096xf32, #tpu.memory_space<hbm>>
      %dma_start3A_142 = arith.constant 0 : i32
      %dma_start3A_143 = arith.constant 0 : i32
      %dma_start3A_144 = tpu.memref_slice %arg7[%dma_start3A_130, %dma_start3A_142, %dma_start3A_143] : memref<2x4x4096xf32, #tpu.memory_space<vmem>> -> memref<1x4x4096xf32, #tpu.memory_space<vmem>>
      %dma_start3A_145 = tpu.memref_squeeze %dma_start3A_144 : memref<1x4x4096xf32, #tpu.memory_space<vmem>> -> memref<4x4096xf32, #tpu.memory_space<vmem>>
      tpu.enqueue_dma source(%dma_start3A_145 : memref<4x4096xf32, #tpu.memory_space<vmem>>) target(%dma_start3A_141 : memref<4x4096xf32, #tpu.memory_space<hbm>>) target_semaphore(%dma_start3A_139 : memref<!tpu.dma_semaphore, #tpu.memory_space<semaphore_mem>>)
      %mul3A_146 = arith.constant 4 : i32
      %mul3A_147 = arith.muli %mul3A_146, %add3A_95 : i32
      %add3A_148 = arith.constant 1 : i32
      %add3A_149 = arith.addi %mul3A_147, %add3A_148 : i32
      %dma_wait3A_150 = arith.constant 1 : i32
      %dma_wait3A_151 = arith.constant 1 : i32
      %dma_wait3A_152 = arith.constant 0 : i32
      %dma_wait3A_153 = arith.constant 0 : i32
      %dma_wait3A_154 = tpu.memref_slice %arg6[%dma_wait3A_150, %dma_wait3A_152, %dma_wait3A_153] : memref<4x4x4096xf32, #tpu.memory_space<vmem>> -> memref<1x4x4096xf32, #tpu.memory_space<vmem>>
      %dma_wait3A_155 = tpu.memref_squeeze %dma_wait3A_154 : memref<1x4x4096xf32, #tpu.memory_space<vmem>> -> memref<4x4096xf32, #tpu.memory_space<vmem>>
      %dma_wait3A_156 = arith.constant 0 : i32
      %dma_wait3A_157 = tpu.memref_slice %arg2[%mul3A_2, %dma_wait3A_156] : memref<16384x4096xf32, #tpu.memory_space<hbm>> -> memref<4x4096xf32, #tpu.memory_space<hbm>>
      %dma_wait3A_158 = tpu.memref_slice %arg8[%dma_wait3A_151] : memref<4x!tpu.dma_semaphore, #tpu.memory_space<semaphore_mem>> -> memref<1x!tpu.dma_semaphore, #tpu.memory_space<semaphore_mem>>
      %dma_wait3A_159 = tpu.memref_squeeze %dma_wait3A_158 : memref<1x!tpu.dma_semaphore, #tpu.memory_space<semaphore_mem>> -> memref<!tpu.dma_semaphore, #tpu.memory_space<semaphore_mem>>
      %dma_wait3A_160 = arith.constant 0 : i32
      %dma_wait3A_161 = arith.constant 0 : i32
      %dma_wait3A_162 = tpu.memref_slice %arg6[%dma_wait3A_150, %dma_wait3A_160, %dma_wait3A_161] : memref<4x4x4096xf32, #tpu.memory_space<vmem>> -> memref<1x4x4096xf32, #tpu.memory_space<vmem>>
      %dma_wait3A_163 = tpu.memref_squeeze %dma_wait3A_162 : memref<1x4x4096xf32, #tpu.memory_space<vmem>> -> memref<4x4096xf32, #tpu.memory_space<vmem>>
      %dma_wait3A_164 = arith.constant 0 : i32
      %dma_wait3A_165 = tpu.memref_slice %arg2[%mul3A_2, %dma_wait3A_164] : memref<16384x4096xf32, #tpu.memory_space<hbm>> -> memref<4x4096xf32, #tpu.memory_space<hbm>>
      tpu.wait_dma2 semaphore(%dma_wait3A_159 : memref<!tpu.dma_semaphore, #tpu.memory_space<semaphore_mem>>) src(%dma_wait3A_165 : memref<4x4096xf32, #tpu.memory_space<hbm>>) dst(%dma_wait3A_163 : memref<4x4096xf32, #tpu.memory_space<vmem>>)
      %add3A_166 = arith.constant 4 : i32
      %add3A_167 = arith.addi %add3A_149, %add3A_166 : i32
      %sub3A_168 = arith.constant 1 : i32
      %sub3A_169 = arith.subi %add3A_167, %sub3A_168 : i32
      %lt3A_170 = arith.constant 128 : i32
      %lt3A_171 = arith.cmpi slt, %sub3A_169, %lt3A_170 : i32
      %convert_element_type3A_172 = arith.extui %lt3A_171 : i1 to i32
      %cond3A_173 = arith.constant 0 : i32
      %cond3A_174 = arith.cmpi ne, %convert_element_type3A_172, %cond3A_173 : i32
      scf.if %cond3A_174 {
        %add3A_314 = arith.constant 4 : i32
        %add3A_315 = arith.addi %add3A_149, %add3A_314 : i32
        %sub3A_316 = arith.constant 1 : i32
        %sub3A_317 = arith.subi %add3A_315, %sub3A_316 : i32
        %mul3A_318 = arith.constant 4 : i32
        %mul3A_319 = arith.muli %sub3A_317, %mul3A_318 : i32
        %add3A_320 = arith.addi %mul3A_2, %mul3A_319 : i32
        %dma_start3A_321 = arith.constant 0 : i32
        %dma_start3A_322 = arith.constant 0 : i32
        %dma_start3A_323 = arith.constant 0 : i32
        %dma_start3A_324 = arith.constant 0 : i32
        %dma_start3A_325 = tpu.memref_slice %arg6[%dma_start3A_321, %dma_start3A_323, %dma_start3A_324] : memref<4x4x4096xf32, #tpu.memory_space<vmem>> -> memref<1x4x4096xf32, #tpu.memory_space<vmem>>
        %dma_start3A_326 = tpu.memref_squeeze %dma_start3A_325 : memref<1x4x4096xf32, #tpu.memory_space<vmem>> -> memref<4x4096xf32, #tpu.memory_space<vmem>>
        %dma_start3A_327 = arith.constant 0 : i32
        %dma_start3A_328 = tpu.memref_slice %arg2[%add3A_320, %dma_start3A_327] : memref<16384x4096xf32, #tpu.memory_space<hbm>> -> memref<4x4096xf32, #tpu.memory_space<hbm>>
        %dma_start3A_329 = tpu.memref_slice %arg8[%dma_start3A_322] : memref<4x!tpu.dma_semaphore, #tpu.memory_space<semaphore_mem>> -> memref<1x!tpu.dma_semaphore, #tpu.memory_space<semaphore_mem>>
        %dma_start3A_330 = tpu.memref_squeeze %dma_start3A_329 : memref<1x!tpu.dma_semaphore, #tpu.memory_space<semaphore_mem>> -> memref<!tpu.dma_semaphore, #tpu.memory_space<semaphore_mem>>
        %dma_start3A_331 = arith.constant 0 : i32
        %dma_start3A_332 = arith.constant 0 : i32
        %dma_start3A_333 = tpu.memref_slice %arg6[%dma_start3A_321, %dma_start3A_331, %dma_start3A_332] : memref<4x4x4096xf32, #tpu.memory_space<vmem>> -> memref<1x4x4096xf32, #tpu.memory_space<vmem>>
        %dma_start3A_334 = tpu.memref_squeeze %dma_start3A_333 : memref<1x4x4096xf32, #tpu.memory_space<vmem>> -> memref<4x4096xf32, #tpu.memory_space<vmem>>
        %dma_start3A_335 = arith.constant 0 : i32
        %dma_start3A_336 = tpu.memref_slice %arg2[%add3A_320, %dma_start3A_335] : memref<16384x4096xf32, #tpu.memory_space<hbm>> -> memref<4x4096xf32, #tpu.memory_space<hbm>>
        tpu.enqueue_dma source(%dma_start3A_336 : memref<4x4096xf32, #tpu.memory_space<hbm>>) target(%dma_start3A_334 : memref<4x4096xf32, #tpu.memory_space<vmem>>) target_semaphore(%dma_start3A_330 : memref<!tpu.dma_semaphore, #tpu.memory_space<semaphore_mem>>)
      } else {
      }
      %gt3A_175 = arith.constant 1 : i32
      %gt3A_176 = arith.cmpi sgt, %add3A_149, %gt3A_175 : i32
      %convert_element_type3A_177 = arith.extui %gt3A_176 : i1 to i32
      %cond3A_178 = arith.constant 0 : i32
      %cond3A_179 = arith.cmpi ne, %convert_element_type3A_177, %cond3A_178 : i32
      scf.if %cond3A_179 {
        %dma_wait3A_314 = arith.constant 1 : i32
        %dma_wait3A_315 = arith.constant 1 : i32
        %dma_wait3A_316 = arith.constant 0 : i32
        %dma_wait3A_317 = arith.constant 0 : i32
        %dma_wait3A_318 = tpu.memref_slice %arg7[%dma_wait3A_314, %dma_wait3A_316, %dma_wait3A_317] : memref<2x4x4096xf32, #tpu.memory_space<vmem>> -> memref<1x4x4096xf32, #tpu.memory_space<vmem>>
        %dma_wait3A_319 = tpu.memref_squeeze %dma_wait3A_318 : memref<1x4x4096xf32, #tpu.memory_space<vmem>> -> memref<4x4096xf32, #tpu.memory_space<vmem>>
        %dma_wait3A_320 = arith.constant 0 : i32
        %dma_wait3A_321 = tpu.memref_slice %arg4[%mul3A_2, %dma_wait3A_320] : memref<16384x4096xf32, #tpu.memory_space<hbm>> -> memref<4x4096xf32, #tpu.memory_space<hbm>>
        %dma_wait3A_322 = tpu.memref_slice %arg9[%dma_wait3A_315] : memref<2x!tpu.dma_semaphore, #tpu.memory_space<semaphore_mem>> -> memref<1x!tpu.dma_semaphore, #tpu.memory_space<semaphore_mem>>
        %dma_wait3A_323 = tpu.memref_squeeze %dma_wait3A_322 : memref<1x!tpu.dma_semaphore, #tpu.memory_space<semaphore_mem>> -> memref<!tpu.dma_semaphore, #tpu.memory_space<semaphore_mem>>
        %dma_wait3A_324 = arith.constant 0 : i32
        %dma_wait3A_325 = tpu.memref_slice %arg4[%mul3A_2, %dma_wait3A_324] : memref<16384x4096xf32, #tpu.memory_space<hbm>> -> memref<4x4096xf32, #tpu.memory_space<hbm>>
        %dma_wait3A_326 = arith.constant 0 : i32
        %dma_wait3A_327 = arith.constant 0 : i32
        %dma_wait3A_328 = tpu.memref_slice %arg7[%dma_wait3A_314, %dma_wait3A_326, %dma_wait3A_327] : memref<2x4x4096xf32, #tpu.memory_space<vmem>> -> memref<1x4x4096xf32, #tpu.memory_space<vmem>>
        %dma_wait3A_329 = tpu.memref_squeeze %dma_wait3A_328 : memref<1x4x4096xf32, #tpu.memory_space<vmem>> -> memref<4x4096xf32, #tpu.memory_space<vmem>>
        tpu.wait_dma2 semaphore(%dma_wait3A_323 : memref<!tpu.dma_semaphore, #tpu.memory_space<semaphore_mem>>) src(%dma_wait3A_329 : memref<4x4096xf32, #tpu.memory_space<vmem>>) dst(%dma_wait3A_325 : memref<4x4096xf32, #tpu.memory_space<hbm>>)
      } else {
      }
      %parallel_loop3A_180 = arith.constant 0 : i32
      %parallel_loop3A_181 = arith.constant 4096 : i32
      %parallel_loop3A_182 = arith.constant 16 : i32
      scf.for %parallel_loop3A_314 = %parallel_loop3A_180 to %parallel_loop3A_181 step %parallel_loop3A_182  : i32 {
        %parallel_loop3A_315 = arith.index_cast %parallel_loop3A_314 : i32 to index
        %parallel_loop3A_316 = tpu.vector_load %arg5[%parallel_loop3A_315] {strides = array<i32>} : memref<4096xi32, #tpu.memory_space<vmem>>, vector<16xi32>,
        %parallel_loop3A_317 = arith.constant 0 : i32
        %parallel_loop3A_318 = vector.broadcast %parallel_loop3A_317 : i32 to vector<16xi32>
        %parallel_loop3A_319 = arith.constant 1 : i32
        %parallel_loop3A_320 = arith.constant 0 : i32
        %parallel_loop3A_321 = arith.constant 0 : i32
        %parallel_loop3A_322 = tpu.memref_slice %arg6[%parallel_loop3A_319, %parallel_loop3A_320, %parallel_loop3A_321] : memref<4x4x4096xf32, #tpu.memory_space<vmem>> -> memref<1x4x4096xf32, #tpu.memory_space<vmem>>
        %parallel_loop3A_323 = tpu.memref_squeeze %parallel_loop3A_322 : memref<1x4x4096xf32, #tpu.memory_space<vmem>> -> memref<4x4096xf32, #tpu.memory_space<vmem>>
        %parallel_loop3A_324 = tpu.vector_load_idx %parallel_loop3A_323[%parallel_loop3A_318, %parallel_loop3A_316] : memref<4x4096xf32, #tpu.memory_space<vmem>>[vector<16xi32>, vector<16xi32>], vector<16xf32>,
        %parallel_loop3A_325 = arith.constant 1 : i32
        %parallel_loop3A_326 = arith.constant 0 : i32
        %parallel_loop3A_327 = arith.index_cast %parallel_loop3A_325 : i32 to index
        %parallel_loop3A_328 = arith.index_cast %parallel_loop3A_326 : i32 to index
        %parallel_loop3A_329 = arith.index_cast %parallel_loop3A_314 : i32 to index
        %parallel_loop3A_330 = tpu.vector_load %arg7[%parallel_loop3A_327, %parallel_loop3A_328, %parallel_loop3A_329] {strides = array<i32>} : memref<2x4x4096xf32, #tpu.memory_space<vmem>>, vector<16xf32>,
        tpu.vector_store %arg7[%parallel_loop3A_327, %parallel_loop3A_328, %parallel_loop3A_329], %parallel_loop3A_324 {strides = array<i32>} : memref<2x4x4096xf32, #tpu.memory_space<vmem>>, vector<16xf32>,
        %parallel_loop3A_331 = arith.constant 1 : i32
        %parallel_loop3A_332 = vector.broadcast %parallel_loop3A_331 : i32 to vector<16xi32>
        %parallel_loop3A_333 = arith.constant 1 : i32
        %parallel_loop3A_334 = arith.constant 0 : i32
        %parallel_loop3A_335 = arith.constant 0 : i32
        %parallel_loop3A_336 = tpu.memref_slice %arg6[%parallel_loop3A_333, %parallel_loop3A_334, %parallel_loop3A_335] : memref<4x4x4096xf32, #tpu.memory_space<vmem>> -> memref<1x4x4096xf32, #tpu.memory_space<vmem>>
        %parallel_loop3A_337 = tpu.memref_squeeze %parallel_loop3A_336 : memref<1x4x4096xf32, #tpu.memory_space<vmem>> -> memref<4x4096xf32, #tpu.memory_space<vmem>>
        %parallel_loop3A_338 = tpu.vector_load_idx %parallel_loop3A_337[%parallel_loop3A_332, %parallel_loop3A_316] : memref<4x4096xf32, #tpu.memory_space<vmem>>[vector<16xi32>, vector<16xi32>], vector<16xf32>,
        %parallel_loop3A_339 = arith.constant 1 : i32
        %parallel_loop3A_340 = arith.constant 1 : i32
        %parallel_loop3A_341 = arith.index_cast %parallel_loop3A_339 : i32 to index
        %parallel_loop3A_342 = arith.index_cast %parallel_loop3A_340 : i32 to index
        %parallel_loop3A_343 = arith.index_cast %parallel_loop3A_314 : i32 to index
        %parallel_loop3A_344 = tpu.vector_load %arg7[%parallel_loop3A_341, %parallel_loop3A_342, %parallel_loop3A_343] {strides = array<i32>} : memref<2x4x4096xf32, #tpu.memory_space<vmem>>, vector<16xf32>,
        tpu.vector_store %arg7[%parallel_loop3A_341, %parallel_loop3A_342, %parallel_loop3A_343], %parallel_loop3A_338 {strides = array<i32>} : memref<2x4x4096xf32, #tpu.memory_space<vmem>>, vector<16xf32>,
        %parallel_loop3A_345 = arith.constant 2 : i32
        %parallel_loop3A_346 = vector.broadcast %parallel_loop3A_345 : i32 to vector<16xi32>
        %parallel_loop3A_347 = arith.constant 1 : i32
        %parallel_loop3A_348 = arith.constant 0 : i32
        %parallel_loop3A_349 = arith.constant 0 : i32
        %parallel_loop3A_350 = tpu.memref_slice %arg6[%parallel_loop3A_347, %parallel_loop3A_348, %parallel_loop3A_349] : memref<4x4x4096xf32, #tpu.memory_space<vmem>> -> memref<1x4x4096xf32, #tpu.memory_space<vmem>>
        %parallel_loop3A_351 = tpu.memref_squeeze %parallel_loop3A_350 : memref<1x4x4096xf32, #tpu.memory_space<vmem>> -> memref<4x4096xf32, #tpu.memory_space<vmem>>
        %parallel_loop3A_352 = tpu.vector_load_idx %parallel_loop3A_351[%parallel_loop3A_346, %parallel_loop3A_316] : memref<4x4096xf32, #tpu.memory_space<vmem>>[vector<16xi32>, vector<16xi32>], vector<16xf32>,
        %parallel_loop3A_353 = arith.constant 1 : i32
        %parallel_loop3A_354 = arith.constant 2 : i32
        %parallel_loop3A_355 = arith.index_cast %parallel_loop3A_353 : i32 to index
        %parallel_loop3A_356 = arith.index_cast %parallel_loop3A_354 : i32 to index
        %parallel_loop3A_357 = arith.index_cast %parallel_loop3A_314 : i32 to index
        %parallel_loop3A_358 = tpu.vector_load %arg7[%parallel_loop3A_355, %parallel_loop3A_356, %parallel_loop3A_357] {strides = array<i32>} : memref<2x4x4096xf32, #tpu.memory_space<vmem>>, vector<16xf32>,
        tpu.vector_store %arg7[%parallel_loop3A_355, %parallel_loop3A_356, %parallel_loop3A_357], %parallel_loop3A_352 {strides = array<i32>} : memref<2x4x4096xf32, #tpu.memory_space<vmem>>, vector<16xf32>,
        %parallel_loop3A_359 = arith.constant 3 : i32
        %parallel_loop3A_360 = vector.broadcast %parallel_loop3A_359 : i32 to vector<16xi32>
        %parallel_loop3A_361 = arith.constant 1 : i32
        %parallel_loop3A_362 = arith.constant 0 : i32
        %parallel_loop3A_363 = arith.constant 0 : i32
        %parallel_loop3A_364 = tpu.memref_slice %arg6[%parallel_loop3A_361, %parallel_loop3A_362, %parallel_loop3A_363] : memref<4x4x4096xf32, #tpu.memory_space<vmem>> -> memref<1x4x4096xf32, #tpu.memory_space<vmem>>
        %parallel_loop3A_365 = tpu.memref_squeeze %parallel_loop3A_364 : memref<1x4x4096xf32, #tpu.memory_space<vmem>> -> memref<4x4096xf32, #tpu.memory_space<vmem>>
        %parallel_loop3A_366 = tpu.vector_load_idx %parallel_loop3A_365[%parallel_loop3A_360, %parallel_loop3A_316] : memref<4x4096xf32, #tpu.memory_space<vmem>>[vector<16xi32>, vector<16xi32>], vector<16xf32>,
        %parallel_loop3A_367 = arith.constant 1 : i32
        %parallel_loop3A_368 = arith.constant 3 : i32
        %parallel_loop3A_369 = arith.index_cast %parallel_loop3A_367 : i32 to index
        %parallel_loop3A_370 = arith.index_cast %parallel_loop3A_368 : i32 to index
        %parallel_loop3A_371 = arith.index_cast %parallel_loop3A_314 : i32 to index
        %parallel_loop3A_372 = tpu.vector_load %arg7[%parallel_loop3A_369, %parallel_loop3A_370, %parallel_loop3A_371] {strides = array<i32>} : memref<2x4x4096xf32, #tpu.memory_space<vmem>>, vector<16xf32>,
        tpu.vector_store %arg7[%parallel_loop3A_369, %parallel_loop3A_370, %parallel_loop3A_371], %parallel_loop3A_366 {strides = array<i32>} : memref<2x4x4096xf32, #tpu.memory_space<vmem>>, vector<16xf32>,
      } {sc.loop_unroll_factor = 16 : i64, sc.parallel_access}
      %mul3A_183 = arith.constant 4 : i32
      %mul3A_184 = arith.muli %add3A_149, %mul3A_183 : i32
      %add3A_185 = arith.addi %mul3A_2, %mul3A_184 : i32
      %dma_start3A_186 = arith.constant 1 : i32
      %dma_start3A_187 = arith.constant 1 : i32
      %dma_start3A_188 = arith.constant 0 : i32
      %dma_start3A_189 = arith.constant 0 : i32
      %dma_start3A_190 = tpu.memref_slice %arg7[%dma_start3A_186, %dma_start3A_188, %dma_start3A_189] : memref<2x4x4096xf32, #tpu.memory_space<vmem>> -> memref<1x4x4096xf32, #tpu.memory_space<vmem>>
      %dma_start3A_191 = tpu.memref_squeeze %dma_start3A_190 : memref<1x4x4096xf32, #tpu.memory_space<vmem>> -> memref<4x4096xf32, #tpu.memory_space<vmem>>
      %dma_start3A_192 = arith.constant 0 : i32
      %dma_start3A_193 = tpu.memref_slice %arg4[%add3A_185, %dma_start3A_192] : memref<16384x4096xf32, #tpu.memory_space<hbm>> -> memref<4x4096xf32, #tpu.memory_space<hbm>>
      %dma_start3A_194 = tpu.memref_slice %arg9[%dma_start3A_187] : memref<2x!tpu.dma_semaphore, #tpu.memory_space<semaphore_mem>> -> memref<1x!tpu.dma_semaphore, #tpu.memory_space<semaphore_mem>>
      %dma_start3A_195 = tpu.memref_squeeze %dma_start3A_194 : memref<1x!tpu.dma_semaphore, #tpu.memory_space<semaphore_mem>> -> memref<!tpu.dma_semaphore, #tpu.memory_space<semaphore_mem>>
      %dma_start3A_196 = arith.constant 0 : i32
      %dma_start3A_197 = tpu.memref_slice %arg4[%add3A_185, %dma_start3A_196] : memref<16384x4096xf32, #tpu.memory_space<hbm>> -> memref<4x4096xf32, #tpu.memory_space<hbm>>
      %dma_start3A_198 = arith.constant 0 : i32
      %dma_start3A_199 = arith.constant 0 : i32
      %dma_start3A_200 = tpu.memref_slice %arg7[%dma_start3A_186, %dma_start3A_198, %dma_start3A_199] : memref<2x4x4096xf32, #tpu.memory_space<vmem>> -> memref<1x4x4096xf32, #tpu.memory_space<vmem>>
      %dma_start3A_201 = tpu.memref_squeeze %dma_start3A_200 : memref<1x4x4096xf32, #tpu.memory_space<vmem>> -> memref<4x4096xf32, #tpu.memory_space<vmem>>
      tpu.enqueue_dma source(%dma_start3A_201 : memref<4x4096xf32, #tpu.memory_space<vmem>>) target(%dma_start3A_197 : memref<4x4096xf32, #tpu.memory_space<hbm>>) target_semaphore(%dma_start3A_195 : memref<!tpu.dma_semaphore, #tpu.memory_space<semaphore_mem>>)
      %mul3A_202 = arith.constant 4 : i32
      %mul3A_203 = arith.muli %mul3A_202, %add3A_95 : i32
      %add3A_204 = arith.constant 2 : i32
      %add3A_205 = arith.addi %mul3A_203, %add3A_204 : i32
      %dma_wait3A_206 = arith.constant 2 : i32
      %dma_wait3A_207 = arith.constant 2 : i32
      %dma_wait3A_208 = arith.constant 0 : i32
      %dma_wait3A_209 = arith.constant 0 : i32
      %dma_wait3A_210 = tpu.memref_slice %arg6[%dma_wait3A_206, %dma_wait3A_208, %dma_wait3A_209] : memref<4x4x4096xf32, #tpu.memory_space<vmem>> -> memref<1x4x4096xf32, #tpu.memory_space<vmem>>
      %dma_wait3A_211 = tpu.memref_squeeze %dma_wait3A_210 : memref<1x4x4096xf32, #tpu.memory_space<vmem>> -> memref<4x4096xf32, #tpu.memory_space<vmem>>
      %dma_wait3A_212 = arith.constant 0 : i32
      %dma_wait3A_213 = tpu.memref_slice %arg2[%mul3A_2, %dma_wait3A_212] : memref<16384x4096xf32, #tpu.memory_space<hbm>> -> memref<4x4096xf32, #tpu.memory_space<hbm>>
      %dma_wait3A_214 = tpu.memref_slice %arg8[%dma_wait3A_207] : memref<4x!tpu.dma_semaphore, #tpu.memory_space<semaphore_mem>> -> memref<1x!tpu.dma_semaphore, #tpu.memory_space<semaphore_mem>>
      %dma_wait3A_215 = tpu.memref_squeeze %dma_wait3A_214 : memref<1x!tpu.dma_semaphore, #tpu.memory_space<semaphore_mem>> -> memref<!tpu.dma_semaphore, #tpu.memory_space<semaphore_mem>>
      %dma_wait3A_216 = arith.constant 0 : i32
      %dma_wait3A_217 = arith.constant 0 : i32
      %dma_wait3A_218 = tpu.memref_slice %arg6[%dma_wait3A_206, %dma_wait3A_216, %dma_wait3A_217] : memref<4x4x4096xf32, #tpu.memory_space<vmem>> -> memref<1x4x4096xf32, #tpu.memory_space<vmem>>
      %dma_wait3A_219 = tpu.memref_squeeze %dma_wait3A_218 : memref<1x4x4096xf32, #tpu.memory_space<vmem>> -> memref<4x4096xf32, #tpu.memory_space<vmem>>
      %dma_wait3A_220 = arith.constant 0 : i32
      %dma_wait3A_221 = tpu.memref_slice %arg2[%mul3A_2, %dma_wait3A_220] : memref<16384x4096xf32, #tpu.memory_space<hbm>> -> memref<4x4096xf32, #tpu.memory_space<hbm>>
      tpu.wait_dma2 semaphore(%dma_wait3A_215 : memref<!tpu.dma_semaphore, #tpu.memory_space<semaphore_mem>>) src(%dma_wait3A_221 : memref<4x4096xf32, #tpu.memory_space<hbm>>) dst(%dma_wait3A_219 : memref<4x4096xf32, #tpu.memory_space<vmem>>)
      %add3A_222 = arith.constant 4 : i32
      %add3A_223 = arith.addi %add3A_205, %add3A_222 : i32
      %sub3A_224 = arith.constant 1 : i32
      %sub3A_225 = arith.subi %add3A_223, %sub3A_224 : i32
      %lt3A_226 = arith.constant 128 : i32
      %lt3A_227 = arith.cmpi slt, %sub3A_225, %lt3A_226 : i32
      %convert_element_type3A_228 = arith.extui %lt3A_227 : i1 to i32
      %cond3A_229 = arith.constant 0 : i32
      %cond3A_230 = arith.cmpi ne, %convert_element_type3A_228, %cond3A_229 : i32
      scf.if %cond3A_230 {
        %add3A_314 = arith.constant 4 : i32
        %add3A_315 = arith.addi %add3A_205, %add3A_314 : i32
        %sub3A_316 = arith.constant 1 : i32
        %sub3A_317 = arith.subi %add3A_315, %sub3A_316 : i32
        %mul3A_318 = arith.constant 4 : i32
        %mul3A_319 = arith.muli %sub3A_317, %mul3A_318 : i32
        %add3A_320 = arith.addi %mul3A_2, %mul3A_319 : i32
        %dma_start3A_321 = arith.constant 1 : i32
        %dma_start3A_322 = arith.constant 1 : i32
        %dma_start3A_323 = arith.constant 0 : i32
        %dma_start3A_324 = arith.constant 0 : i32
        %dma_start3A_325 = tpu.memref_slice %arg6[%dma_start3A_321, %dma_start3A_323, %dma_start3A_324] : memref<4x4x4096xf32, #tpu.memory_space<vmem>> -> memref<1x4x4096xf32, #tpu.memory_space<vmem>>
        %dma_start3A_326 = tpu.memref_squeeze %dma_start3A_325 : memref<1x4x4096xf32, #tpu.memory_space<vmem>> -> memref<4x4096xf32, #tpu.memory_space<vmem>>
        %dma_start3A_327 = arith.constant 0 : i32
        %dma_start3A_328 = tpu.memref_slice %arg2[%add3A_320, %dma_start3A_327] : memref<16384x4096xf32, #tpu.memory_space<hbm>> -> memref<4x4096xf32, #tpu.memory_space<hbm>>
        %dma_start3A_329 = tpu.memref_slice %arg8[%dma_start3A_322] : memref<4x!tpu.dma_semaphore, #tpu.memory_space<semaphore_mem>> -> memref<1x!tpu.dma_semaphore, #tpu.memory_space<semaphore_mem>>
        %dma_start3A_330 = tpu.memref_squeeze %dma_start3A_329 : memref<1x!tpu.dma_semaphore, #tpu.memory_space<semaphore_mem>> -> memref<!tpu.dma_semaphore, #tpu.memory_space<semaphore_mem>>
        %dma_start3A_331 = arith.constant 0 : i32
        %dma_start3A_332 = arith.constant 0 : i32
        %dma_start3A_333 = tpu.memref_slice %arg6[%dma_start3A_321, %dma_start3A_331, %dma_start3A_332] : memref<4x4x4096xf32, #tpu.memory_space<vmem>> -> memref<1x4x4096xf32, #tpu.memory_space<vmem>>
        %dma_start3A_334 = tpu.memref_squeeze %dma_start3A_333 : memref<1x4x4096xf32, #tpu.memory_space<vmem>> -> memref<4x4096xf32, #tpu.memory_space<vmem>>
        %dma_start3A_335 = arith.constant 0 : i32
        %dma_start3A_336 = tpu.memref_slice %arg2[%add3A_320, %dma_start3A_335] : memref<16384x4096xf32, #tpu.memory_space<hbm>> -> memref<4x4096xf32, #tpu.memory_space<hbm>>
        tpu.enqueue_dma source(%dma_start3A_336 : memref<4x4096xf32, #tpu.memory_space<hbm>>) target(%dma_start3A_334 : memref<4x4096xf32, #tpu.memory_space<vmem>>) target_semaphore(%dma_start3A_330 : memref<!tpu.dma_semaphore, #tpu.memory_space<semaphore_mem>>)
      } else {
      }
      %gt3A_231 = arith.constant 1 : i32
      %gt3A_232 = arith.cmpi sgt, %add3A_205, %gt3A_231 : i32
      %convert_element_type3A_233 = arith.extui %gt3A_232 : i1 to i32
      %cond3A_234 = arith.constant 0 : i32
      %cond3A_235 = arith.cmpi ne, %convert_element_type3A_233, %cond3A_234 : i32
      scf.if %cond3A_235 {
        %dma_wait3A_314 = arith.constant 0 : i32
        %dma_wait3A_315 = arith.constant 0 : i32
        %dma_wait3A_316 = arith.constant 0 : i32
        %dma_wait3A_317 = arith.constant 0 : i32
        %dma_wait3A_318 = tpu.memref_slice %arg7[%dma_wait3A_314, %dma_wait3A_316, %dma_wait3A_317] : memref<2x4x4096xf32, #tpu.memory_space<vmem>> -> memref<1x4x4096xf32, #tpu.memory_space<vmem>>
        %dma_wait3A_319 = tpu.memref_squeeze %dma_wait3A_318 : memref<1x4x4096xf32, #tpu.memory_space<vmem>> -> memref<4x4096xf32, #tpu.memory_space<vmem>>
        %dma_wait3A_320 = arith.constant 0 : i32
        %dma_wait3A_321 = tpu.memref_slice %arg4[%mul3A_2, %dma_wait3A_320] : memref<16384x4096xf32, #tpu.memory_space<hbm>> -> memref<4x4096xf32, #tpu.memory_space<hbm>>
        %dma_wait3A_322 = tpu.memref_slice %arg9[%dma_wait3A_315] : memref<2x!tpu.dma_semaphore, #tpu.memory_space<semaphore_mem>> -> memref<1x!tpu.dma_semaphore, #tpu.memory_space<semaphore_mem>>
        %dma_wait3A_323 = tpu.memref_squeeze %dma_wait3A_322 : memref<1x!tpu.dma_semaphore, #tpu.memory_space<semaphore_mem>> -> memref<!tpu.dma_semaphore, #tpu.memory_space<semaphore_mem>>
        %dma_wait3A_324 = arith.constant 0 : i32
        %dma_wait3A_325 = tpu.memref_slice %arg4[%mul3A_2, %dma_wait3A_324] : memref<16384x4096xf32, #tpu.memory_space<hbm>> -> memref<4x4096xf32, #tpu.memory_space<hbm>>
        %dma_wait3A_326 = arith.constant 0 : i32
        %dma_wait3A_327 = arith.constant 0 : i32
        %dma_wait3A_328 = tpu.memref_slice %arg7[%dma_wait3A_314, %dma_wait3A_326, %dma_wait3A_327] : memref<2x4x4096xf32, #tpu.memory_space<vmem>> -> memref<1x4x4096xf32, #tpu.memory_space<vmem>>
        %dma_wait3A_329 = tpu.memref_squeeze %dma_wait3A_328 : memref<1x4x4096xf32, #tpu.memory_space<vmem>> -> memref<4x4096xf32, #tpu.memory_space<vmem>>
        tpu.wait_dma2 semaphore(%dma_wait3A_323 : memref<!tpu.dma_semaphore, #tpu.memory_space<semaphore_mem>>) src(%dma_wait3A_329 : memref<4x4096xf32, #tpu.memory_space<vmem>>) dst(%dma_wait3A_325 : memref<4x4096xf32, #tpu.memory_space<hbm>>)
      } else {
      }
      %parallel_loop3A_236 = arith.constant 0 : i32
      %parallel_loop3A_237 = arith.constant 4096 : i32
      %parallel_loop3A_238 = arith.constant 16 : i32
      scf.for %parallel_loop3A_314 = %parallel_loop3A_236 to %parallel_loop3A_237 step %parallel_loop3A_238  : i32 {
        %parallel_loop3A_315 = arith.index_cast %parallel_loop3A_314 : i32 to index
        %parallel_loop3A_316 = tpu.vector_load %arg5[%parallel_loop3A_315] {strides = array<i32>} : memref<4096xi32, #tpu.memory_space<vmem>>, vector<16xi32>,
        %parallel_loop3A_317 = arith.constant 0 : i32
        %parallel_loop3A_318 = vector.broadcast %parallel_loop3A_317 : i32 to vector<16xi32>
        %parallel_loop3A_319 = arith.constant 2 : i32
        %parallel_loop3A_320 = arith.constant 0 : i32
        %parallel_loop3A_321 = arith.constant 0 : i32
        %parallel_loop3A_322 = tpu.memref_slice %arg6[%parallel_loop3A_319, %parallel_loop3A_320, %parallel_loop3A_321] : memref<4x4x4096xf32, #tpu.memory_space<vmem>> -> memref<1x4x4096xf32, #tpu.memory_space<vmem>>
        %parallel_loop3A_323 = tpu.memref_squeeze %parallel_loop3A_322 : memref<1x4x4096xf32, #tpu.memory_space<vmem>> -> memref<4x4096xf32, #tpu.memory_space<vmem>>
        %parallel_loop3A_324 = tpu.vector_load_idx %parallel_loop3A_323[%parallel_loop3A_318, %parallel_loop3A_316] : memref<4x4096xf32, #tpu.memory_space<vmem>>[vector<16xi32>, vector<16xi32>], vector<16xf32>,
        %parallel_loop3A_325 = arith.constant 0 : i32
        %parallel_loop3A_326 = arith.constant 0 : i32
        %parallel_loop3A_327 = arith.index_cast %parallel_loop3A_325 : i32 to index
        %parallel_loop3A_328 = arith.index_cast %parallel_loop3A_326 : i32 to index
        %parallel_loop3A_329 = arith.index_cast %parallel_loop3A_314 : i32 to index
        %parallel_loop3A_330 = tpu.vector_load %arg7[%parallel_loop3A_327, %parallel_loop3A_328, %parallel_loop3A_329] {strides = array<i32>} : memref<2x4x4096xf32, #tpu.memory_space<vmem>>, vector<16xf32>,
        tpu.vector_store %arg7[%parallel_loop3A_327, %parallel_loop3A_328, %parallel_loop3A_329], %parallel_loop3A_324 {strides = array<i32>} : memref<2x4x4096xf32, #tpu.memory_space<vmem>>, vector<16xf32>,
        %parallel_loop3A_331 = arith.constant 1 : i32
        %parallel_loop3A_332 = vector.broadcast %parallel_loop3A_331 : i32 to vector<16xi32>
        %parallel_loop3A_333 = arith.constant 2 : i32
        %parallel_loop3A_334 = arith.constant 0 : i32
        %parallel_loop3A_335 = arith.constant 0 : i32
        %parallel_loop3A_336 = tpu.memref_slice %arg6[%parallel_loop3A_333, %parallel_loop3A_334, %parallel_loop3A_335] : memref<4x4x4096xf32, #tpu.memory_space<vmem>> -> memref<1x4x4096xf32, #tpu.memory_space<vmem>>
        %parallel_loop3A_337 = tpu.memref_squeeze %parallel_loop3A_336 : memref<1x4x4096xf32, #tpu.memory_space<vmem>> -> memref<4x4096xf32, #tpu.memory_space<vmem>>
        %parallel_loop3A_338 = tpu.vector_load_idx %parallel_loop3A_337[%parallel_loop3A_332, %parallel_loop3A_316] : memref<4x4096xf32, #tpu.memory_space<vmem>>[vector<16xi32>, vector<16xi32>], vector<16xf32>,
        %parallel_loop3A_339 = arith.constant 0 : i32
        %parallel_loop3A_340 = arith.constant 1 : i32
        %parallel_loop3A_341 = arith.index_cast %parallel_loop3A_339 : i32 to index
        %parallel_loop3A_342 = arith.index_cast %parallel_loop3A_340 : i32 to index
        %parallel_loop3A_343 = arith.index_cast %parallel_loop3A_314 : i32 to index
        %parallel_loop3A_344 = tpu.vector_load %arg7[%parallel_loop3A_341, %parallel_loop3A_342, %parallel_loop3A_343] {strides = array<i32>} : memref<2x4x4096xf32, #tpu.memory_space<vmem>>, vector<16xf32>,
        tpu.vector_store %arg7[%parallel_loop3A_341, %parallel_loop3A_342, %parallel_loop3A_343], %parallel_loop3A_338 {strides = array<i32>} : memref<2x4x4096xf32, #tpu.memory_space<vmem>>, vector<16xf32>,
        %parallel_loop3A_345 = arith.constant 2 : i32
        %parallel_loop3A_346 = vector.broadcast %parallel_loop3A_345 : i32 to vector<16xi32>
        %parallel_loop3A_347 = arith.constant 2 : i32
        %parallel_loop3A_348 = arith.constant 0 : i32
        %parallel_loop3A_349 = arith.constant 0 : i32
        %parallel_loop3A_350 = tpu.memref_slice %arg6[%parallel_loop3A_347, %parallel_loop3A_348, %parallel_loop3A_349] : memref<4x4x4096xf32, #tpu.memory_space<vmem>> -> memref<1x4x4096xf32, #tpu.memory_space<vmem>>
        %parallel_loop3A_351 = tpu.memref_squeeze %parallel_loop3A_350 : memref<1x4x4096xf32, #tpu.memory_space<vmem>> -> memref<4x4096xf32, #tpu.memory_space<vmem>>
        %parallel_loop3A_352 = tpu.vector_load_idx %parallel_loop3A_351[%parallel_loop3A_346, %parallel_loop3A_316] : memref<4x4096xf32, #tpu.memory_space<vmem>>[vector<16xi32>, vector<16xi32>], vector<16xf32>,
        %parallel_loop3A_353 = arith.constant 0 : i32
        %parallel_loop3A_354 = arith.constant 2 : i32
        %parallel_loop3A_355 = arith.index_cast %parallel_loop3A_353 : i32 to index
        %parallel_loop3A_356 = arith.index_cast %parallel_loop3A_354 : i32 to index
        %parallel_loop3A_357 = arith.index_cast %parallel_loop3A_314 : i32 to index
        %parallel_loop3A_358 = tpu.vector_load %arg7[%parallel_loop3A_355, %parallel_loop3A_356, %parallel_loop3A_357] {strides = array<i32>} : memref<2x4x4096xf32, #tpu.memory_space<vmem>>, vector<16xf32>,
        tpu.vector_store %arg7[%parallel_loop3A_355, %parallel_loop3A_356, %parallel_loop3A_357], %parallel_loop3A_352 {strides = array<i32>} : memref<2x4x4096xf32, #tpu.memory_space<vmem>>, vector<16xf32>,
        %parallel_loop3A_359 = arith.constant 3 : i32
        %parallel_loop3A_360 = vector.broadcast %parallel_loop3A_359 : i32 to vector<16xi32>
        %parallel_loop3A_361 = arith.constant 2 : i32
        %parallel_loop3A_362 = arith.constant 0 : i32
        %parallel_loop3A_363 = arith.constant 0 : i32
        %parallel_loop3A_364 = tpu.memref_slice %arg6[%parallel_loop3A_361, %parallel_loop3A_362, %parallel_loop3A_363] : memref<4x4x4096xf32, #tpu.memory_space<vmem>> -> memref<1x4x4096xf32, #tpu.memory_space<vmem>>
        %parallel_loop3A_365 = tpu.memref_squeeze %parallel_loop3A_364 : memref<1x4x4096xf32, #tpu.memory_space<vmem>> -> memref<4x4096xf32, #tpu.memory_space<vmem>>
        %parallel_loop3A_366 = tpu.vector_load_idx %parallel_loop3A_365[%parallel_loop3A_360, %parallel_loop3A_316] : memref<4x4096xf32, #tpu.memory_space<vmem>>[vector<16xi32>, vector<16xi32>], vector<16xf32>,
        %parallel_loop3A_367 = arith.constant 0 : i32
        %parallel_loop3A_368 = arith.constant 3 : i32
        %parallel_loop3A_369 = arith.index_cast %parallel_loop3A_367 : i32 to index
        %parallel_loop3A_370 = arith.index_cast %parallel_loop3A_368 : i32 to index
        %parallel_loop3A_371 = arith.index_cast %parallel_loop3A_314 : i32 to index
        %parallel_loop3A_372 = tpu.vector_load %arg7[%parallel_loop3A_369, %parallel_loop3A_370, %parallel_loop3A_371] {strides = array<i32>} : memref<2x4x4096xf32, #tpu.memory_space<vmem>>, vector<16xf32>,
        tpu.vector_store %arg7[%parallel_loop3A_369, %parallel_loop3A_370, %parallel_loop3A_371], %parallel_loop3A_366 {strides = array<i32>} : memref<2x4x4096xf32, #tpu.memory_space<vmem>>, vector<16xf32>,
      } {sc.loop_unroll_factor = 16 : i64, sc.parallel_access}
      %mul3A_239 = arith.constant 4 : i32
      %mul3A_240 = arith.muli %add3A_205, %mul3A_239 : i32
      %add3A_241 = arith.addi %mul3A_2, %mul3A_240 : i32
      %dma_start3A_242 = arith.constant 0 : i32
      %dma_start3A_243 = arith.constant 0 : i32
      %dma_start3A_244 = arith.constant 0 : i32
      %dma_start3A_245 = arith.constant 0 : i32
      %dma_start3A_246 = tpu.memref_slice %arg7[%dma_start3A_242, %dma_start3A_244, %dma_start3A_245] : memref<2x4x4096xf32, #tpu.memory_space<vmem>> -> memref<1x4x4096xf32, #tpu.memory_space<vmem>>
      %dma_start3A_247 = tpu.memref_squeeze %dma_start3A_246 : memref<1x4x4096xf32, #tpu.memory_space<vmem>> -> memref<4x4096xf32, #tpu.memory_space<vmem>>
      %dma_start3A_248 = arith.constant 0 : i32
      %dma_start3A_249 = tpu.memref_slice %arg4[%add3A_241, %dma_start3A_248] : memref<16384x4096xf32, #tpu.memory_space<hbm>> -> memref<4x4096xf32, #tpu.memory_space<hbm>>
      %dma_start3A_250 = tpu.memref_slice %arg9[%dma_start3A_243] : memref<2x!tpu.dma_semaphore, #tpu.memory_space<semaphore_mem>> -> memref<1x!tpu.dma_semaphore, #tpu.memory_space<semaphore_mem>>
      %dma_start3A_251 = tpu.memref_squeeze %dma_start3A_250 : memref<1x!tpu.dma_semaphore, #tpu.memory_space<semaphore_mem>> -> memref<!tpu.dma_semaphore, #tpu.memory_space<semaphore_mem>>
      %dma_start3A_252 = arith.constant 0 : i32
      %dma_start3A_253 = tpu.memref_slice %arg4[%add3A_241, %dma_start3A_252] : memref<16384x4096xf32, #tpu.memory_space<hbm>> -> memref<4x4096xf32, #tpu.memory_space<hbm>>
      %dma_start3A_254 = arith.constant 0 : i32
      %dma_start3A_255 = arith.constant 0 : i32
      %dma_start3A_256 = tpu.memref_slice %arg7[%dma_start3A_242, %dma_start3A_254, %dma_start3A_255] : memref<2x4x4096xf32, #tpu.memory_space<vmem>> -> memref<1x4x4096xf32, #tpu.memory_space<vmem>>
      %dma_start3A_257 = tpu.memref_squeeze %dma_start3A_256 : memref<1x4x4096xf32, #tpu.memory_space<vmem>> -> memref<4x4096xf32, #tpu.memory_space<vmem>>
      tpu.enqueue_dma source(%dma_start3A_257 : memref<4x4096xf32, #tpu.memory_space<vmem>>) target(%dma_start3A_253 : memref<4x4096xf32, #tpu.memory_space<hbm>>) target_semaphore(%dma_start3A_251 : memref<!tpu.dma_semaphore, #tpu.memory_space<semaphore_mem>>)
      %mul3A_258 = arith.constant 4 : i32
      %mul3A_259 = arith.muli %mul3A_258, %add3A_95 : i32
      %add3A_260 = arith.constant 3 : i32
      %add3A_261 = arith.addi %mul3A_259, %add3A_260 : i32
      %dma_wait3A_262 = arith.constant 3 : i32
      %dma_wait3A_263 = arith.constant 3 : i32
      %dma_wait3A_264 = arith.constant 0 : i32
      %dma_wait3A_265 = arith.constant 0 : i32
      %dma_wait3A_266 = tpu.memref_slice %arg6[%dma_wait3A_262, %dma_wait3A_264, %dma_wait3A_265] : memref<4x4x4096xf32, #tpu.memory_space<vmem>> -> memref<1x4x4096xf32, #tpu.memory_space<vmem>>
      %dma_wait3A_267 = tpu.memref_squeeze %dma_wait3A_266 : memref<1x4x4096xf32, #tpu.memory_space<vmem>> -> memref<4x4096xf32, #tpu.memory_space<vmem>>
      %dma_wait3A_268 = arith.constant 0 : i32
      %dma_wait3A_269 = tpu.memref_slice %arg2[%mul3A_2, %dma_wait3A_268] : memref<16384x4096xf32, #tpu.memory_space<hbm>> -> memref<4x4096xf32, #tpu.memory_space<hbm>>
      %dma_wait3A_270 = tpu.memref_slice %arg8[%dma_wait3A_263] : memref<4x!tpu.dma_semaphore, #tpu.memory_space<semaphore_mem>> -> memref<1x!tpu.dma_semaphore, #tpu.memory_space<semaphore_mem>>
      %dma_wait3A_271 = tpu.memref_squeeze %dma_wait3A_270 : memref<1x!tpu.dma_semaphore, #tpu.memory_space<semaphore_mem>> -> memref<!tpu.dma_semaphore, #tpu.memory_space<semaphore_mem>>
      %dma_wait3A_272 = arith.constant 0 : i32
      %dma_wait3A_273 = arith.constant 0 : i32
      %dma_wait3A_274 = tpu.memref_slice %arg6[%dma_wait3A_262, %dma_wait3A_272, %dma_wait3A_273] : memref<4x4x4096xf32, #tpu.memory_space<vmem>> -> memref<1x4x4096xf32, #tpu.memory_space<vmem>>
      %dma_wait3A_275 = tpu.memref_squeeze %dma_wait3A_274 : memref<1x4x4096xf32, #tpu.memory_space<vmem>> -> memref<4x4096xf32, #tpu.memory_space<vmem>>
      %dma_wait3A_276 = arith.constant 0 : i32
      %dma_wait3A_277 = tpu.memref_slice %arg2[%mul3A_2, %dma_wait3A_276] : memref<16384x4096xf32, #tpu.memory_space<hbm>> -> memref<4x4096xf32, #tpu.memory_space<hbm>>
      tpu.wait_dma2 semaphore(%dma_wait3A_271 : memref<!tpu.dma_semaphore, #tpu.memory_space<semaphore_mem>>) src(%dma_wait3A_277 : memref<4x4096xf32, #tpu.memory_space<hbm>>) dst(%dma_wait3A_275 : memref<4x4096xf32, #tpu.memory_space<vmem>>)
      %add3A_278 = arith.constant 4 : i32
      %add3A_279 = arith.addi %add3A_261, %add3A_278 : i32
      %sub3A_280 = arith.constant 1 : i32
      %sub3A_281 = arith.subi %add3A_279, %sub3A_280 : i32
      %lt3A_282 = arith.constant 128 : i32
      %lt3A_283 = arith.cmpi slt, %sub3A_281, %lt3A_282 : i32
      %convert_element_type3A_284 = arith.extui %lt3A_283 : i1 to i32
      %cond3A_285 = arith.constant 0 : i32
      %cond3A_286 = arith.cmpi ne, %convert_element_type3A_284, %cond3A_285 : i32
      scf.if %cond3A_286 {
        %add3A_314 = arith.constant 4 : i32
        %add3A_315 = arith.addi %add3A_261, %add3A_314 : i32
        %sub3A_316 = arith.constant 1 : i32
        %sub3A_317 = arith.subi %add3A_315, %sub3A_316 : i32
        %mul3A_318 = arith.constant 4 : i32
        %mul3A_319 = arith.muli %sub3A_317, %mul3A_318 : i32
        %add3A_320 = arith.addi %mul3A_2, %mul3A_319 : i32
        %dma_start3A_321 = arith.constant 2 : i32
        %dma_start3A_322 = arith.constant 2 : i32
        %dma_start3A_323 = arith.constant 0 : i32
        %dma_start3A_324 = arith.constant 0 : i32
        %dma_start3A_325 = tpu.memref_slice %arg6[%dma_start3A_321, %dma_start3A_323, %dma_start3A_324] : memref<4x4x4096xf32, #tpu.memory_space<vmem>> -> memref<1x4x4096xf32, #tpu.memory_space<vmem>>
        %dma_start3A_326 = tpu.memref_squeeze %dma_start3A_325 : memref<1x4x4096xf32, #tpu.memory_space<vmem>> -> memref<4x4096xf32, #tpu.memory_space<vmem>>
        %dma_start3A_327 = arith.constant 0 : i32
        %dma_start3A_328 = tpu.memref_slice %arg2[%add3A_320, %dma_start3A_327] : memref<16384x4096xf32, #tpu.memory_space<hbm>> -> memref<4x4096xf32, #tpu.memory_space<hbm>>
        %dma_start3A_329 = tpu.memref_slice %arg8[%dma_start3A_322] : memref<4x!tpu.dma_semaphore, #tpu.memory_space<semaphore_mem>> -> memref<1x!tpu.dma_semaphore, #tpu.memory_space<semaphore_mem>>
        %dma_start3A_330 = tpu.memref_squeeze %dma_start3A_329 : memref<1x!tpu.dma_semaphore, #tpu.memory_space<semaphore_mem>> -> memref<!tpu.dma_semaphore, #tpu.memory_space<semaphore_mem>>
        %dma_start3A_331 = arith.constant 0 : i32
        %dma_start3A_332 = arith.constant 0 : i32
        %dma_start3A_333 = tpu.memref_slice %arg6[%dma_start3A_321, %dma_start3A_331, %dma_start3A_332] : memref<4x4x4096xf32, #tpu.memory_space<vmem>> -> memref<1x4x4096xf32, #tpu.memory_space<vmem>>
        %dma_start3A_334 = tpu.memref_squeeze %dma_start3A_333 : memref<1x4x4096xf32, #tpu.memory_space<vmem>> -> memref<4x4096xf32, #tpu.memory_space<vmem>>
        %dma_start3A_335 = arith.constant 0 : i32
        %dma_start3A_336 = tpu.memref_slice %arg2[%add3A_320, %dma_start3A_335] : memref<16384x4096xf32, #tpu.memory_space<hbm>> -> memref<4x4096xf32, #tpu.memory_space<hbm>>
        tpu.enqueue_dma source(%dma_start3A_336 : memref<4x4096xf32, #tpu.memory_space<hbm>>) target(%dma_start3A_334 : memref<4x4096xf32, #tpu.memory_space<vmem>>) target_semaphore(%dma_start3A_330 : memref<!tpu.dma_semaphore, #tpu.memory_space<semaphore_mem>>)
      } else {
      }
      %gt3A_287 = arith.constant 1 : i32
      %gt3A_288 = arith.cmpi sgt, %add3A_261, %gt3A_287 : i32
      %convert_element_type3A_289 = arith.extui %gt3A_288 : i1 to i32
      %cond3A_290 = arith.constant 0 : i32
      %cond3A_291 = arith.cmpi ne, %convert_element_type3A_289, %cond3A_290 : i32
      scf.if %cond3A_291 {
        %dma_wait3A_314 = arith.constant 1 : i32
        %dma_wait3A_315 = arith.constant 1 : i32
        %dma_wait3A_316 = arith.constant 0 : i32
        %dma_wait3A_317 = arith.constant 0 : i32
        %dma_wait3A_318 = tpu.memref_slice %arg7[%dma_wait3A_314, %dma_wait3A_316, %dma_wait3A_317] : memref<2x4x4096xf32, #tpu.memory_space<vmem>> -> memref<1x4x4096xf32, #tpu.memory_space<vmem>>
        %dma_wait3A_319 = tpu.memref_squeeze %dma_wait3A_318 : memref<1x4x4096xf32, #tpu.memory_space<vmem>> -> memref<4x4096xf32, #tpu.memory_space<vmem>>
        %dma_wait3A_320 = arith.constant 0 : i32
        %dma_wait3A_321 = tpu.memref_slice %arg4[%mul3A_2, %dma_wait3A_320] : memref<16384x4096xf32, #tpu.memory_space<hbm>> -> memref<4x4096xf32, #tpu.memory_space<hbm>>
        %dma_wait3A_322 = tpu.memref_slice %arg9[%dma_wait3A_315] : memref<2x!tpu.dma_semaphore, #tpu.memory_space<semaphore_mem>> -> memref<1x!tpu.dma_semaphore, #tpu.memory_space<semaphore_mem>>
        %dma_wait3A_323 = tpu.memref_squeeze %dma_wait3A_322 : memref<1x!tpu.dma_semaphore, #tpu.memory_space<semaphore_mem>> -> memref<!tpu.dma_semaphore, #tpu.memory_space<semaphore_mem>>
        %dma_wait3A_324 = arith.constant 0 : i32
        %dma_wait3A_325 = tpu.memref_slice %arg4[%mul3A_2, %dma_wait3A_324] : memref<16384x4096xf32, #tpu.memory_space<hbm>> -> memref<4x4096xf32, #tpu.memory_space<hbm>>
        %dma_wait3A_326 = arith.constant 0 : i32
        %dma_wait3A_327 = arith.constant 0 : i32
        %dma_wait3A_328 = tpu.memref_slice %arg7[%dma_wait3A_314, %dma_wait3A_326, %dma_wait3A_327] : memref<2x4x4096xf32, #tpu.memory_space<vmem>> -> memref<1x4x4096xf32, #tpu.memory_space<vmem>>
        %dma_wait3A_329 = tpu.memref_squeeze %dma_wait3A_328 : memref<1x4x4096xf32, #tpu.memory_space<vmem>> -> memref<4x4096xf32, #tpu.memory_space<vmem>>
        tpu.wait_dma2 semaphore(%dma_wait3A_323 : memref<!tpu.dma_semaphore, #tpu.memory_space<semaphore_mem>>) src(%dma_wait3A_329 : memref<4x4096xf32, #tpu.memory_space<vmem>>) dst(%dma_wait3A_325 : memref<4x4096xf32, #tpu.memory_space<hbm>>)
      } else {
      }
      %parallel_loop3A_292 = arith.constant 0 : i32
      %parallel_loop3A_293 = arith.constant 4096 : i32
      %parallel_loop3A_294 = arith.constant 16 : i32
      scf.for %parallel_loop3A_314 = %parallel_loop3A_292 to %parallel_loop3A_293 step %parallel_loop3A_294  : i32 {
        %parallel_loop3A_315 = arith.index_cast %parallel_loop3A_314 : i32 to index
        %parallel_loop3A_316 = tpu.vector_load %arg5[%parallel_loop3A_315] {strides = array<i32>} : memref<4096xi32, #tpu.memory_space<vmem>>, vector<16xi32>,
        %parallel_loop3A_317 = arith.constant 0 : i32
        %parallel_loop3A_318 = vector.broadcast %parallel_loop3A_317 : i32 to vector<16xi32>
        %parallel_loop3A_319 = arith.constant 3 : i32
        %parallel_loop3A_320 = arith.constant 0 : i32
        %parallel_loop3A_321 = arith.constant 0 : i32
        %parallel_loop3A_322 = tpu.memref_slice %arg6[%parallel_loop3A_319, %parallel_loop3A_320, %parallel_loop3A_321] : memref<4x4x4096xf32, #tpu.memory_space<vmem>> -> memref<1x4x4096xf32, #tpu.memory_space<vmem>>
        %parallel_loop3A_323 = tpu.memref_squeeze %parallel_loop3A_322 : memref<1x4x4096xf32, #tpu.memory_space<vmem>> -> memref<4x4096xf32, #tpu.memory_space<vmem>>
        %parallel_loop3A_324 = tpu.vector_load_idx %parallel_loop3A_323[%parallel_loop3A_318, %parallel_loop3A_316] : memref<4x4096xf32, #tpu.memory_space<vmem>>[vector<16xi32>, vector<16xi32>], vector<16xf32>,
        %parallel_loop3A_325 = arith.constant 1 : i32
        %parallel_loop3A_326 = arith.constant 0 : i32
        %parallel_loop3A_327 = arith.index_cast %parallel_loop3A_325 : i32 to index
        %parallel_loop3A_328 = arith.index_cast %parallel_loop3A_326 : i32 to index
        %parallel_loop3A_329 = arith.index_cast %parallel_loop3A_314 : i32 to index
        %parallel_loop3A_330 = tpu.vector_load %arg7[%parallel_loop3A_327, %parallel_loop3A_328, %parallel_loop3A_329] {strides = array<i32>} : memref<2x4x4096xf32, #tpu.memory_space<vmem>>, vector<16xf32>,
        tpu.vector_store %arg7[%parallel_loop3A_327, %parallel_loop3A_328, %parallel_loop3A_329], %parallel_loop3A_324 {strides = array<i32>} : memref<2x4x4096xf32, #tpu.memory_space<vmem>>, vector<16xf32>,
        %parallel_loop3A_331 = arith.constant 1 : i32
        %parallel_loop3A_332 = vector.broadcast %parallel_loop3A_331 : i32 to vector<16xi32>
        %parallel_loop3A_333 = arith.constant 3 : i32
        %parallel_loop3A_334 = arith.constant 0 : i32
        %parallel_loop3A_335 = arith.constant 0 : i32
        %parallel_loop3A_336 = tpu.memref_slice %arg6[%parallel_loop3A_333, %parallel_loop3A_334, %parallel_loop3A_335] : memref<4x4x4096xf32, #tpu.memory_space<vmem>> -> memref<1x4x4096xf32, #tpu.memory_space<vmem>>
        %parallel_loop3A_337 = tpu.memref_squeeze %parallel_loop3A_336 : memref<1x4x4096xf32, #tpu.memory_space<vmem>> -> memref<4x4096xf32, #tpu.memory_space<vmem>>
        %parallel_loop3A_338 = tpu.vector_load_idx %parallel_loop3A_337[%parallel_loop3A_332, %parallel_loop3A_316] : memref<4x4096xf32, #tpu.memory_space<vmem>>[vector<16xi32>, vector<16xi32>], vector<16xf32>,
        %parallel_loop3A_339 = arith.constant 1 : i32
        %parallel_loop3A_340 = arith.constant 1 : i32
        %parallel_loop3A_341 = arith.index_cast %parallel_loop3A_339 : i32 to index
        %parallel_loop3A_342 = arith.index_cast %parallel_loop3A_340 : i32 to index
        %parallel_loop3A_343 = arith.index_cast %parallel_loop3A_314 : i32 to index
        %parallel_loop3A_344 = tpu.vector_load %arg7[%parallel_loop3A_341, %parallel_loop3A_342, %parallel_loop3A_343] {strides = array<i32>} : memref<2x4x4096xf32, #tpu.memory_space<vmem>>, vector<16xf32>,
        tpu.vector_store %arg7[%parallel_loop3A_341, %parallel_loop3A_342, %parallel_loop3A_343], %parallel_loop3A_338 {strides = array<i32>} : memref<2x4x4096xf32, #tpu.memory_space<vmem>>, vector<16xf32>,
        %parallel_loop3A_345 = arith.constant 2 : i32
        %parallel_loop3A_346 = vector.broadcast %parallel_loop3A_345 : i32 to vector<16xi32>
        %parallel_loop3A_347 = arith.constant 3 : i32
        %parallel_loop3A_348 = arith.constant 0 : i32
        %parallel_loop3A_349 = arith.constant 0 : i32
        %parallel_loop3A_350 = tpu.memref_slice %arg6[%parallel_loop3A_347, %parallel_loop3A_348, %parallel_loop3A_349] : memref<4x4x4096xf32, #tpu.memory_space<vmem>> -> memref<1x4x4096xf32, #tpu.memory_space<vmem>>
        %parallel_loop3A_351 = tpu.memref_squeeze %parallel_loop3A_350 : memref<1x4x4096xf32, #tpu.memory_space<vmem>> -> memref<4x4096xf32, #tpu.memory_space<vmem>>
        %parallel_loop3A_352 = tpu.vector_load_idx %parallel_loop3A_351[%parallel_loop3A_346, %parallel_loop3A_316] : memref<4x4096xf32, #tpu.memory_space<vmem>>[vector<16xi32>, vector<16xi32>], vector<16xf32>,
        %parallel_loop3A_353 = arith.constant 1 : i32
        %parallel_loop3A_354 = arith.constant 2 : i32
        %parallel_loop3A_355 = arith.index_cast %parallel_loop3A_353 : i32 to index
        %parallel_loop3A_356 = arith.index_cast %parallel_loop3A_354 : i32 to index
        %parallel_loop3A_357 = arith.index_cast %parallel_loop3A_314 : i32 to index
        %parallel_loop3A_358 = tpu.vector_load %arg7[%parallel_loop3A_355, %parallel_loop3A_356, %parallel_loop3A_357] {strides = array<i32>} : memref<2x4x4096xf32, #tpu.memory_space<vmem>>, vector<16xf32>,
        tpu.vector_store %arg7[%parallel_loop3A_355, %parallel_loop3A_356, %parallel_loop3A_357], %parallel_loop3A_352 {strides = array<i32>} : memref<2x4x4096xf32, #tpu.memory_space<vmem>>, vector<16xf32>,
        %parallel_loop3A_359 = arith.constant 3 : i32
        %parallel_loop3A_360 = vector.broadcast %parallel_loop3A_359 : i32 to vector<16xi32>
        %parallel_loop3A_361 = arith.constant 3 : i32
        %parallel_loop3A_362 = arith.constant 0 : i32
        %parallel_loop3A_363 = arith.constant 0 : i32
        %parallel_loop3A_364 = tpu.memref_slice %arg6[%parallel_loop3A_361, %parallel_loop3A_362, %parallel_loop3A_363] : memref<4x4x4096xf32, #tpu.memory_space<vmem>> -> memref<1x4x4096xf32, #tpu.memory_space<vmem>>
        %parallel_loop3A_365 = tpu.memref_squeeze %parallel_loop3A_364 : memref<1x4x4096xf32, #tpu.memory_space<vmem>> -> memref<4x4096xf32, #tpu.memory_space<vmem>>
        %parallel_loop3A_366 = tpu.vector_load_idx %parallel_loop3A_365[%parallel_loop3A_360, %parallel_loop3A_316] : memref<4x4096xf32, #tpu.memory_space<vmem>>[vector<16xi32>, vector<16xi32>], vector<16xf32>,
        %parallel_loop3A_367 = arith.constant 1 : i32
        %parallel_loop3A_368 = arith.constant 3 : i32
        %parallel_loop3A_369 = arith.index_cast %parallel_loop3A_367 : i32 to index
        %parallel_loop3A_370 = arith.index_cast %parallel_loop3A_368 : i32 to index
        %parallel_loop3A_371 = arith.index_cast %parallel_loop3A_314 : i32 to index
        %parallel_loop3A_372 = tpu.vector_load %arg7[%parallel_loop3A_369, %parallel_loop3A_370, %parallel_loop3A_371] {strides = array<i32>} : memref<2x4x4096xf32, #tpu.memory_space<vmem>>, vector<16xf32>,
        tpu.vector_store %arg7[%parallel_loop3A_369, %parallel_loop3A_370, %parallel_loop3A_371], %parallel_loop3A_366 {strides = array<i32>} : memref<2x4x4096xf32, #tpu.memory_space<vmem>>, vector<16xf32>,
      } {sc.loop_unroll_factor = 16 : i64, sc.parallel_access}
      %mul3A_295 = arith.constant 4 : i32
      %mul3A_296 = arith.muli %add3A_261, %mul3A_295 : i32
      %add3A_297 = arith.addi %mul3A_2, %mul3A_296 : i32
      %dma_start3A_298 = arith.constant 1 : i32
      %dma_start3A_299 = arith.constant 1 : i32
      %dma_start3A_300 = arith.constant 0 : i32
      %dma_start3A_301 = arith.constant 0 : i32
      %dma_start3A_302 = tpu.memref_slice %arg7[%dma_start3A_298, %dma_start3A_300, %dma_start3A_301] : memref<2x4x4096xf32, #tpu.memory_space<vmem>> -> memref<1x4x4096xf32, #tpu.memory_space<vmem>>
      %dma_start3A_303 = tpu.memref_squeeze %dma_start3A_302 : memref<1x4x4096xf32, #tpu.memory_space<vmem>> -> memref<4x4096xf32, #tpu.memory_space<vmem>>
      %dma_start3A_304 = arith.constant 0 : i32
      %dma_start3A_305 = tpu.memref_slice %arg4[%add3A_297, %dma_start3A_304] : memref<16384x4096xf32, #tpu.memory_space<hbm>> -> memref<4x4096xf32, #tpu.memory_space<hbm>>
      %dma_start3A_306 = tpu.memref_slice %arg9[%dma_start3A_299] : memref<2x!tpu.dma_semaphore, #tpu.memory_space<semaphore_mem>> -> memref<1x!tpu.dma_semaphore, #tpu.memory_space<semaphore_mem>>
      %dma_start3A_307 = tpu.memref_squeeze %dma_start3A_306 : memref<1x!tpu.dma_semaphore, #tpu.memory_space<semaphore_mem>> -> memref<!tpu.dma_semaphore, #tpu.memory_space<semaphore_mem>>
      %dma_start3A_308 = arith.constant 0 : i32
      %dma_start3A_309 = tpu.memref_slice %arg4[%add3A_297, %dma_start3A_308] : memref<16384x4096xf32, #tpu.memory_space<hbm>> -> memref<4x4096xf32, #tpu.memory_space<hbm>>
      %dma_start3A_310 = arith.constant 0 : i32
      %dma_start3A_311 = arith.constant 0 : i32
      %dma_start3A_312 = tpu.memref_slice %arg7[%dma_start3A_298, %dma_start3A_310, %dma_start3A_311] : memref<2x4x4096xf32, #tpu.memory_space<vmem>> -> memref<1x4x4096xf32, #tpu.memory_space<vmem>>
      %dma_start3A_313 = tpu.memref_squeeze %dma_start3A_312 : memref<1x4x4096xf32, #tpu.memory_space<vmem>> -> memref<4x4096xf32, #tpu.memory_space<vmem>>
      tpu.enqueue_dma source(%dma_start3A_313 : memref<4x4096xf32, #tpu.memory_space<vmem>>) target(%dma_start3A_309 : memref<4x4096xf32, #tpu.memory_space<hbm>>) target_semaphore(%dma_start3A_307 : memref<!tpu.dma_semaphore, #tpu.memory_space<semaphore_mem>>)
    }
    %scan3A_59 = arith.constant 32 : i32
    %dma_wait3A = arith.constant 0 : i32
    %dma_wait3A_60 = arith.constant 0 : i32
    %dma_wait3A_61 = arith.constant 0 : i32
    %dma_wait3A_62 = arith.constant 0 : i32
    %dma_wait3A_63 = tpu.memref_slice %arg7[%dma_wait3A, %dma_wait3A_61, %dma_wait3A_62] : memref<2x4x4096xf32, #tpu.memory_space<vmem>> -> memref<1x4x4096xf32, #tpu.memory_space<vmem>>
    %dma_wait3A_64 = tpu.memref_squeeze %dma_wait3A_63 : memref<1x4x4096xf32, #tpu.memory_space<vmem>> -> memref<4x4096xf32, #tpu.memory_space<vmem>>
    %dma_wait3A_65 = arith.constant 0 : i32
    %dma_wait3A_66 = tpu.memref_slice %arg4[%mul3A_2, %dma_wait3A_65] : memref<16384x4096xf32, #tpu.memory_space<hbm>> -> memref<4x4096xf32, #tpu.memory_space<hbm>>
    %dma_wait3A_67 = tpu.memref_slice %arg9[%dma_wait3A_60] : memref<2x!tpu.dma_semaphore, #tpu.memory_space<semaphore_mem>> -> memref<1x!tpu.dma_semaphore, #tpu.memory_space<semaphore_mem>>
    %dma_wait3A_68 = tpu.memref_squeeze %dma_wait3A_67 : memref<1x!tpu.dma_semaphore, #tpu.memory_space<semaphore_mem>> -> memref<!tpu.dma_semaphore, #tpu.memory_space<semaphore_mem>>
    %dma_wait3A_69 = arith.constant 0 : i32
    %dma_wait3A_70 = tpu.memref_slice %arg4[%mul3A_2, %dma_wait3A_69] : memref<16384x4096xf32, #tpu.memory_space<hbm>> -> memref<4x4096xf32, #tpu.memory_space<hbm>>
    %dma_wait3A_71 = arith.constant 0 : i32
    %dma_wait3A_72 = arith.constant 0 : i32
    %dma_wait3A_73 = tpu.memref_slice %arg7[%dma_wait3A, %dma_wait3A_71, %dma_wait3A_72] : memref<2x4x4096xf32, #tpu.memory_space<vmem>> -> memref<1x4x4096xf32, #tpu.memory_space<vmem>>
    %dma_wait3A_74 = tpu.memref_squeeze %dma_wait3A_73 : memref<1x4x4096xf32, #tpu.memory_space<vmem>> -> memref<4x4096xf32, #tpu.memory_space<vmem>>
    tpu.wait_dma2 semaphore(%dma_wait3A_68 : memref<!tpu.dma_semaphore, #tpu.memory_space<semaphore_mem>>) src(%dma_wait3A_74 : memref<4x4096xf32, #tpu.memory_space<vmem>>) dst(%dma_wait3A_70 : memref<4x4096xf32, #tpu.memory_space<hbm>>)
    %dma_wait3A_75 = arith.constant 1 : i32
    %dma_wait3A_76 = arith.constant 1 : i32
    %dma_wait3A_77 = arith.constant 0 : i32
    %dma_wait3A_78 = arith.constant 0 : i32
    %dma_wait3A_79 = tpu.memref_slice %arg7[%dma_wait3A_75, %dma_wait3A_77, %dma_wait3A_78] : memref<2x4x4096xf32, #tpu.memory_space<vmem>> -> memref<1x4x4096xf32, #tpu.memory_space<vmem>>
    %dma_wait3A_80 = tpu.memref_squeeze %dma_wait3A_79 : memref<1x4x4096xf32, #tpu.memory_space<vmem>> -> memref<4x4096xf32, #tpu.memory_space<vmem>>
    %dma_wait3A_81 = arith.constant 0 : i32
    %dma_wait3A_82 = tpu.memref_slice %arg4[%mul3A_2, %dma_wait3A_81] : memref<16384x4096xf32, #tpu.memory_space<hbm>> -> memref<4x4096xf32, #tpu.memory_space<hbm>>
    %dma_wait3A_83 = tpu.memref_slice %arg9[%dma_wait3A_76] : memref<2x!tpu.dma_semaphore, #tpu.memory_space<semaphore_mem>> -> memref<1x!tpu.dma_semaphore, #tpu.memory_space<semaphore_mem>>
    %dma_wait3A_84 = tpu.memref_squeeze %dma_wait3A_83 : memref<1x!tpu.dma_semaphore, #tpu.memory_space<semaphore_mem>> -> memref<!tpu.dma_semaphore, #tpu.memory_space<semaphore_mem>>
    %dma_wait3A_85 = arith.constant 0 : i32
    %dma_wait3A_86 = tpu.memref_slice %arg4[%mul3A_2, %dma_wait3A_85] : memref<16384x4096xf32, #tpu.memory_space<hbm>> -> memref<4x4096xf32, #tpu.memory_space<hbm>>
    %dma_wait3A_87 = arith.constant 0 : i32
    %dma_wait3A_88 = arith.constant 0 : i32
    %dma_wait3A_89 = tpu.memref_slice %arg7[%dma_wait3A_75, %dma_wait3A_87, %dma_wait3A_88] : memref<2x4x4096xf32, #tpu.memory_space<vmem>> -> memref<1x4x4096xf32, #tpu.memory_space<vmem>>
    %dma_wait3A_90 = tpu.memref_squeeze %dma_wait3A_89 : memref<1x4x4096xf32, #tpu.memory_space<vmem>> -> memref<4x4096xf32, #tpu.memory_space<vmem>>
    tpu.wait_dma2 semaphore(%dma_wait3A_84 : memref<!tpu.dma_semaphore, #tpu.memory_space<semaphore_mem>>) src(%dma_wait3A_90 : memref<4x4096xf32, #tpu.memory_space<vmem>>) dst(%dma_wait3A_86 : memref<4x4096xf32, #tpu.memory_space<hbm>>)
    return
  }
}

</mosaic_0001>

<sc_bundles>
// kernel: kernel.3.cloned.1.call-start
scs
__scs_entry_jumppad:
0x0: {  	(pc) =	sbr.rel $0x88, $3  }
0x1: {  	(tag) =	ssettag $0x0;
	lr =	simm.s32 $0x1  }
0x2: {  	[smem:$0x3F9F] =	sst lr;
	_ =	strace $0xD0000000  }
0x3: {  	_ = 	snop  }
0x4: {  	_ = 	snop  }
0x5: {  	_ = 	snop  }
0x6: {  	_ = 	snop  }
0x7: {  	_ = 	snop  }
__scs_overlays_trampoline_lowered:
0x8: {  	[smem:$0x3FAE] =	sst s0  }
0x9: {  	[smem:$0x3FAF] =	sst s1  }
0xa: {  	[smem:$0x3FB0] =	sst s2  }
0xb: {  	[smem:$0x3FB1] =	sst s3  }
0xc: {  	[smem:$0x3FB2] =	sst s4  }
0xd: {  	[smem:$0x3FB3] =	sst s5  }
0xe: {  	[smem:$0x3FB4] =	sst s6  }
0xf: {  	[smem:$0x3FB5] =	sst s7  }
0x10: {  	[smem:$0x3FB6] =	sst s8  }
0x11: {  	[smem:$0x3FB7] =	sst s9;
	s0 =	simm.s32 @!p0 $0x0  }
0x12: {  	s1 =	sld [smem:$0x3F9D];
	s0 =	simm.s32 @p0 $0x1  }
0x13: {  	[smem:$0x3FB8] =	sst s0;
	s0 =	simm.s32 @!p1 $0x0  }
0x14: {  	s2 =	sld [smem:$0x3F9C];
	s0 =	simm.s32 @p1 $0x1  }
0x15: {  	[smem:$0x3FB9] =	sst s0;
	s0 =	simm.s32 @!p2 $0x0  }
0x16: {  	s3 =	sld [smem:$0x3FDB];
	s0 =	simm.s32 @p2 $0x1  }
0x17: {  	s4 =	simm.s32 $0x1BF5;
	[smem:$0x3FBB] =	sst s0  }
0x18: {  	s0 =	sld [smem:$0x3F9E];
	_ =	swait.ge [sflag:s4], $0x0  }
0x19: {  	s7 =	sld [smem:$0x3F9F]  }
0x1a: {  	s8 =	sadd.s32 $0xFFFFE003, lr  }
0x1b: {  	s9 =	sadd.s32 $0xFFFFFEF7, lr;
	s5 =	simm.s32 $0xFFFFFFFF;
	p2 =	slt.u32 s8, $0xFFFFF086  }
0x1c: {  	p1 =	slt.u32 s9, $0xF7A;
	s5 =	simm.s32 @!p2 $0x0  }
0x1d: {  	s5 =	simm.s32 @p1 $0x1;
	p0 =	seq.s32 s7, s2  }
0x1e: {  	s7 =	smul.u32 @!p0 $0xF7A, s2;
	p2 =	seq.s32 @!p0 s5, $0x0  }
0x1f: {  	s9 =	smul.u32 $0xF7A, s1;
	s8 =	simm.s32 @!p0 $0x1BF5;
	p2 =	por !p2, p0  }
0x20: {  	[sflag:s8] =	ssyncset.s32 @!p0 $0xFFFFF086;
	s6 =	sadd.s32 @!p0 s3, s7;
	s7 =	simm.s32 @!p0 $0x108  }
0x21: {  	s3 =	sadd.s32 s3, s9;
	s6 =	sadd.s32 @!p0 $0x88, s6;
	s7 =	simm.s32 @p2 $0x1082  }
0x22: {  	[simem:s7], [sflag:s8] =	dma.local @!p0 [hbm:s6], $0xF7A  }
0x23: {  	s9 =	sor.u32 $0xD0000000, s2;
	s6 =	simm.s32 $0x108;
	_ =	swait.ge @!p0 [sflag:s8], $0x0  }
0x24: {  	s3 =	sadd.s32 $0x88, s3;
	s6 =	simm.s32 @!p1 $0x1082;
	[sflag:s4] =	ssyncset.s32 $0xFFFFF086  }
0x25: {  	[simem:s6], [sflag:s4] =	dma.local [hbm:s3], $0xF7A  }
0x26: {  	[smem:$0x3F9F] =	sst s1;
	(tag) =	ssettag s2;
	_ =	strace s9  }
0x27: {  	s1 =	sld [smem:$0x3FAF]  }
0x28: {  	s2 =	sld [smem:$0x3FB0]  }
0x29: {  	s4 =	sld [smem:$0x3FB2]  }
0x2a: {  	p0 =	seq.s32 s5, $0x0;
	s5 =	sld [smem:$0x3FB3]  }
0x2b: {  	s6 =	sld [smem:$0x3FB4]  }
0x2c: {  	s7 =	sld [smem:$0x3FB5]  }
0x2d: {  	s3 =	simm.s32 $0x108;
	s8 =	sld [smem:$0x3FB6]  }
0x2e: {  	s3 =	simm.s32 @!p0 $0x1082;
	s9 =	sld [smem:$0x3FB7]  }
0x2f: {  	lr =	sadd.s32 s0, s3;
	s0 =	sld [smem:$0x3FAE]  }
0x30: {  	s3 =	sld [smem:$0x3FB1]  }
0x31: {  	[smem:$0x3FBA] =	sst s10  }
0x32: {  	s10 =	sld [smem:$0x3FB8];
	_ =	sdelay $0x3  }
0x33: {  	p0 =	seq.s32 s10, $0x1;
	s10 =	sld [smem:$0x3FBA];
	_ =	sdelay $0x3  }
0x34: {  	[smem:$0x3FBA] =	sst s10  }
0x35: {  	s10 =	sld [smem:$0x3FB9];
	_ =	sdelay $0x3  }
0x36: {  	p1 =	seq.s32 s10, $0x1;
	s10 =	sld [smem:$0x3FBA];
	_ =	sdelay $0x3  }
0x37: {  	[smem:$0x3FBA] =	sst s10  }
0x38: {  	s10 =	sld [smem:$0x3FBB]  }
0x39: {  	_ = 	snop;
	(pc) =	sbr.ind lr, $3  }
0x3a: {  	_ = 	snop  }
0x3b: {  	_ = 	snop  }
0x3c: {  	p2 =	seq.s32 s10, $0x1;
	s10 =	sld [smem:$0x3FBA]  }
0x3d: {  	_ =	shalt  }
0x3e: {  	_ =	shalt  }
0x3f: {  	_ =	shalt  }
0x40: {  	_ =	shalt  }
0x41: {  	_ =	shalt  }
0x42: {  	_ =	shalt  }
0x43: {  	_ =	shalt  }
0x44: {  	_ =	shalt  }
0x45: {  	_ =	shalt  }
0x46: {  	_ =	shalt  }
0x47: {  	_ =	shalt  }
0x48: {  	_ =	shalt  }
0x49: {  	_ =	shalt  }
0x4a: {  	_ =	shalt  }
0x4b: {  	_ =	shalt  }
0x4c: {  	_ =	shalt  }
0x4d: {  	_ =	shalt  }
0x4e: {  	_ =	shalt  }
0x4f: {  	_ =	shalt  }
0x50: {  	_ =	shalt  }
0x51: {  	_ =	shalt  }
0x52: {  	_ =	shalt  }
0x53: {  	_ =	shalt  }
0x54: {  	_ =	shalt  }
0x55: {  	_ =	shalt  }
0x56: {  	_ =	shalt  }
0x57: {  	_ =	shalt  }
0x58: {  	_ =	shalt  }
0x59: {  	_ =	shalt  }
0x5a: {  	_ =	shalt  }
0x5b: {  	_ =	shalt  }
0x5c: {  	_ =	shalt  }
0x5d: {  	_ =	shalt  }
0x5e: {  	_ =	shalt  }
0x5f: {  	_ =	shalt  }
0x60: {  	_ =	shalt  }
0x61: {  	_ =	shalt  }
0x62: {  	_ =	shalt  }
0x63: {  	_ =	shalt  }
0x64: {  	_ =	shalt  }
0x65: {  	_ =	shalt  }
0x66: {  	_ =	shalt  }
0x67: {  	_ =	shalt  }
0x68: {  	_ =	shalt  }
0x69: {  	_ =	shalt  }
0x6a: {  	_ =	shalt  }
0x6b: {  	_ =	shalt  }
0x6c: {  	_ =	shalt  }
0x6d: {  	_ =	shalt  }
0x6e: {  	_ =	shalt  }
0x6f: {  	_ =	shalt  }
0x70: {  	_ =	shalt  }
0x71: {  	_ =	shalt  }
0x72: {  	_ =	shalt  }
0x73: {  	_ =	shalt  }
0x74: {  	_ =	shalt  }
0x75: {  	_ =	shalt  }
0x76: {  	_ =	shalt  }
0x77: {  	_ =	shalt  }
0x78: {  	_ =	shalt  }
0x79: {  	_ =	shalt  }
0x7a: {  	_ =	shalt  }
0x7b: {  	_ =	shalt  }
0x7c: {  	_ =	shalt  }
0x7d: {  	_ =	shalt  }
0x7e: {  	_ =	shalt  }
0x7f: {  	_ =	shalt  }
0x80: {  	_ =	shalt  }
0x81: {  	_ =	shalt  }
0x82: {  	_ =	shalt  }
0x83: {  	_ =	shalt  }
0x84: {  	_ =	shalt  }
0x85: {  	_ =	shalt  }
0x86: {  	_ =	shalt  }
0x87: {  	_ =	shalt  }
.Lfunc_end0:
.L_simem_size_0:
called_computation_lowered:
.L_overlay_start_0:
0x88: {  	s2 =	sld [smem:$0x3FD9]  }
0x89: {  	s3 =	sld [smem:$0x3FFE];
	_ =	sdelay $0x1  }
0x8a: {  	s1 =	srdreg.scid  }
0x8b: {  	s0 =	sand.u32 $0x1, s1  }
0x8c: {  	s18 =	sshll.u32 s0, $0xA;
	s2 =	sadd.s32 s3, s2  }
0x8d: {  	s2 =	sadd.s32 s2, s18  }
0x8e: {  	[smem:$0x3FC6] =	sst s2  }
0x8f: {  	_ = 	snop  }
0x90: {  	s2 =	sld [smem:$0x3FC9]  }
0x91: {  	s19 =	sld [smem:$0x3FC8]  }
0x92: {  	s4 =	sld [smem:$0x3FD0];
	(tm) =	ssettm $0x1  }
0x93: {  	s5 =	sld [smem:$0x3FFB];
	_ =	sdelay $0x3  }
0x94: {  	_ =	strace s5  }
0x95: {  	s5 =	sld [smem:$0x3FFC];
	_ =	sdelay $0x3  }
0x96: {  	_ =	strace s5  }
0x97: {  	s5 =	sld [smem:$0x3FFD];
	_ =	sdelay $0x3  }
0x98: {  	_ =	strace s5  }
0x99: {  	_ =	strace $0x8FFFFFFF  }
0x9a: {  	s20 =	sld [smem:$0x3FDB];
	_ =	sdelay $0x1  }
0x9b: {  	s6 =	simm.s32 $_scs_section_size  }
0x9c: {  	s7 =	simm.s32 $_size__tile_overlayer_lowered;
	s8 =	simm.s32 $_tile_overlayer_lowered  }
0x9d: {  	s23 =	simm.s32 $0x1BFF;
	s22 =	sshll.u32 s8, $0x1;
	s5 =	sadd.s32 s6, s20  }
0x9e: {  	s9 =	simm.s32 $0x0;
	s21 =	sshll.u32 s7, $0x1;
	s7 =	sadd.s32 s22, s5  }
0x9f: {  	[timem:s9], [sflag:s23] =	dma.local [hbm:s7], s21  }
0xa0: {  	_ =	swait.ge [sflag:s23], s21  }
0xa1: {  	s6 =	ssub.s32 $0x0, s21;
	[sflag:s23] =	ssyncset.done $0x0  }
0xa2: {  	[sflag:s23] =	ssyncadd.s32 s6;
	_ =	sdelay $0x1  }
0xa3: {  	s24 =	simm.s32 $0x1B8B  }
0xa4: {  	_ =	swait.ge [sflag:s24], $0x1  }
0xa5: {  	[sflag:s24] =	ssyncset.done $0x0  }
0xa6: {  	s25 =	simm.s32 $0x1B8E;
	[sflag:s24] =	ssyncadd.s32 $0xFFFFFFFF  }
0xa7: {  	s26 =	simm.s32 $execute0_lowered;
	[smem:$0x3FD2] =	sst s25  }
0xa8: {  	s6 =	sshll.u32 s26, $0x1;
	_ =	strace $0x80000046;
	[dreg:$0x1] =	wrdreg $0xFFFFFFFF  }
0xa9: {  	s28 =	simm.s32 $_size_execute0_lowered;
	s5 =	sadd.s32 s5, s6;
	[dreg:$0x0] =	wrdreg $0x0  }
0xaa: {  	s6 =	sshll.u32 s28, $0x1;
	[dreg:$0x2] =	wrdreg s5  }
0xab: {  	[dreg:$0x3] =	wrdreg s6  }
0xac: {  	[dreg:$0x4] =	wrdreg $0xC0  }
0xad: {  	_ =	task [dreg:s9], $0x5FFFF  }
0xae: {  	[dreg:$0x1] =	wrdreg $0xFFFFFFFF  }
0xaf: {  	[dreg:$0x0] =	wrdreg $0x60  }
0xb0: {  	[dreg:$0x2] =	wrdreg s2  }
0xb1: {  	[dreg:$0x3] =	wrdreg s19  }
0xb2: {  	[dreg:$0x4] =	wrdreg s4  }
0xb3: {  	[dreg:$0x5] =	wrdreg $0x9  }
0xb4: {  	_ =	task.clear_ibuf [dreg:s9], $0x6FFFF;
	_ =	strace $0x90000046  }
0xb5: {  	s29 =	simm.s32 $0x9;
	_ =	strace $0x80000048  }
0xb6: {  	_ =	swait.ge [sflag:s29], $0x1  }
0xb7: {  	[sflag:s29] =	ssyncadd.s32 $0xFFFFFFFF  }
0xb8: {  	_ =	strace $0x90000048  }
0xb9: {  	_ =	sfence  }
0xba: {  	s30 =	sld [smem:$0x0];
	_ =	sdelay $0x2  }
0xbb: {  	s31 =	sshll.u32 s1, $0xD;
	s1 =	sshrl.u32 s1, $0x2  }
0xbc: {  	s3 =	sand.u32 $0x4000, s31;
	s1 =	sadd.s32 s1, s30  }
0xbd: {  	s0 =	sor.u32 s3, s0;
	s1 =	sshll.u32 s1, $0x11  }
0xbe: {  	s0 =	sor.u32 s1, s0  }
0xbf: {  	s0 =	sadd.s32 $0x8F2B, s0  }
0xc0: {  	[sflag:s0] =	ssyncadd.remote.s32 $0x1  }
0xc1: {  	_ =	sfence.sel $0xFFFF  }
0xc2: {  	[dreg:$0x0] =	wrdreg $0xFFFFFFFF;
	(pc) =	sbr.abs _section_cstart, $3  }
0xc3: {  	[dreg:$0x1] =	wrdreg $0xFFFFFFFF  }
0xc4: {  	_ =	task.clear_ibuf [dreg:s9], $0x2FFFF;
	_ =	strace $0x9FFFFFFF  }
0xc5: {  	(tm) =	ssettm $0x7FFFFFFF  }
tec
execute0_lowered:
.L_overlay_start_1:
0x0: {  	(tag) =	ssettag $0x1  }
0x1: {  	s1 =	rddreg [dreg:$0x0]  }
0x2: {  	s4 =	rddreg [dreg:$0x2]  }
0x3: {  	s0 =	srdreg.scid;
	s2 =	stileid.u32;
	s5 =	simm.s32 $0x0  }
0x4: {  	s17 =	simm.s32 $0x200;
	s18 =	simm.s32 $0x400;
	s19 =	simm.s32 $0x1000  }
0x5: {  	s20 =	simm.s32 $0x5000;
	s21 =	simm.s32 $0x9000;
	s28 =	simm.s32 $0x15000  }
0x6: {  	s29 =	simm.s32 $0x3;
	s30 =	simm.s32 $0x5;
	s31 =	simm.s32 $0x4  }
0x7: {  	s0 =	sand.u32 $0x1, s0;
	s2 =	sshll.u32 s2, $0x13;
	[smem:$0x7FF] =	sst s5  }
0x8: {  	s12 =	sadd.s32 $0x40, s4;
	s3 =	sshll.u32 s0, $0x12;
	s0 =	ssub.s32 $0x2, s0  }
0x9: {  	_ =	strace $0x80000047;
	s6 =	sor.u32 s3, s2;
	s23 =	sshrl.u32 s0, $0x1  }
0xa: {  	s3 =	sadd.s32 s1, s6;
	s0 =	ssub.s32 s0, s23;
	s10 =	sor.u32 $0x1040, s6  }
0xb: {  	s26 =	sadd.s32 s6, s4;
	s23 =	simm.s32 $0x1;
	s24 =	sadd.s32 $0x40, s3  }
0xc: {  	s25 =	sadd.s32 $0x1000, s3;
	s11 =	sadd.s32 $0x2000, s3;
	[dreg:$0x4] =	wrdreg s3  }
0xd: {  	s13 =	sadd.s32 $0x2040, s3;
	s14 =	sadd.s32 $0x3000, s3;
	[dreg:$0x5] =	wrdreg s24  }
0xe: {  	s0 =	smax.u32 s0, $0x1;
	s16 =	sadd.s32 $0x1000, s26;
	[dreg:$0x6] =	wrdreg s25  }
0xf: {  	s26 =	simm.s32 $0x2;
	s3 =	simm.s32 $0x0;
	[dreg:$0x7] =	wrdreg s0  }
0x10: {  	s24 =	simm.s32 $0xD000;
	s25 =	simm.s32 $0x11000;
	s0 =	simm.s32 $0x6  }
.LBB2_1:
0x11: {  	[dreg:$0x8] =	wrdreg s3  }
0x12: {  	s2 =	rddreg [dreg:$0x4]  }
0x13: {  	[tilespmem:s19], [sflag:$0x1] =	stream.strided.gather [hbm4b:s2+s17], $0x4000, s18, s17, $0x38;
	[tilespmem:$0x19000] =	vst v63  }
0x14: {  	s7 =	rddreg [dreg:$0x5]  }
0x15: {  	[tilespmem:s20], [sflag:$0x2] =	stream.strided.gather [hbm4b:s7+s17], $0x4000, s18, s17, $0x38;
	[tilespmem:$0x19000] =	vst v63  }
0x16: {  	s8 =	rddreg [dreg:$0x6]  }
0x17: {  	[tilespmem:s21], [sflag:$0x3] =	stream.strided.gather [hbm4b:s8+s17], $0x4000, s18, s17, $0x38;
	[tilespmem:$0x19000] =	vst v63  }
0x18: {  	s9 =	rddreg [dreg:$0x1];
	s15 =	simm.s32 $0x0;
	s22 =	simm.s32 $0x7  }
0x19: {  	[tilespmem:s15], [sflag:$0x7] =	stream.linear.gather [hbm4b:s9+s15], $0x1000, $0x38;
	[tilespmem:$0x19000] =	vst v63  }
0x1a: {  	_ =	swait.ge [sflag:s22], $0x1000  }
0x1b: {  	[sflag:s22] =	ssyncset.done $0x0  }
0x1c: {  	s3 =	simm.s32 $0x0;
	[sflag:s22] =	ssyncadd.s32 $0xFFFFF000  }
.LBB2_2:
0x1d: {  	s8 =	sshll.u32 s3, $0xD;
	_ =	swait.ge [sflag:s23], $0x4000  }
0x1e: {  	[sflag:s23] =	ssyncset.done $0x0;
	s5 =	sadd.s32 s10, s8  }
0x1f: {  	p0 =	seq.s32 s3, $0x0;
	[sflag:s23] =	ssyncadd.s32 $0xFFFFC000;
	s2 =	sadd.s32 s1, s5  }
0x20: {  	[tilespmem:s24], [sflag:$0x4] =	stream.strided.gather [hbm4b:s2+s17], $0x4000, s18, s17, $0x38;
	[tilespmem:$0x19000] =	vst v63  }
0x21: {  	s2 =	simm.s32 @!p0 $0x5  }
0x22: {  	_ =	swait.ge @!p0 [sflag:s2], $0x4000  }
0x23: {  	[sflag:s2] =	ssyncset.done @!p0 $0x0  }
0x24: {  	s15 =	simm.s32 $0x80;
	[sflag:s2] =	ssyncadd.s32 @!p0 $0xFFFFC000  }
0x25: {  	v0 =	vld [tilespmem:s15+$0x70];
	_ =	sdelay $0x4  }
0x26: {  	v1 =	vshll.u32 v0, $0x2  }
0x27: {  	v0 =	vand.u32 $0x7F, v0;
	v1 =	vand.u32 $0xFFFFFE00, v1  }
0x28: {  	v2 =	vld [tilespmem:s15+$0xFFFFFF90];
	v0 =	vor.u32 v0, v1  }
0x29: {  	v3 =	vld [tilespmem:s15+$0xFFFFFFB0]  }
0x2a: {  	v4 =	vld [tilespmem:s15+$0xFFFFFFC0]  }
0x2b: {  	v13 =	vld [tilespmem:s15+$0xFFFFFFF0]  }
0x2c: {  	v1 =	vld [tilespmem:s15+$0xFFFFFFA0]  }
0x2d: {  	v6 =	vld.idx.msk [tilespmem:v0+s19+$0x0], $0xffff  }
0x2e: {  	v5 =	vld [tilespmem:s15+$0xFFFFFFD0];
	v7 =	vor.u32 $0x80, v0  }
0x2f: {  	v10 =	vld [tilespmem:s15+$0xFFFFFF80]  }
0x30: {  	v8 =	vld [tilespmem:s15+$0xFFFFFFE0];
	v9 =	vshll.u32 v2, $0x2;
	v2 =	vand.u32 $0x7F, v2;
	v23 =	vshll.u32 v13, $0x2  }
0x31: {  	s9 =	simm.s32 $0x11200;
	v14 =	vld [tilespmem:s15+$0x0];
	v9 =	vand.u32 $0xFFFFFE00, v9;
	v20 =	vor.u32 $0x100, v0;
	v11 =	vshll.u32 v1, $0x2  }
0x32: {  	v16 =	vld [tilespmem:s15+$0x10];
	v1 =	vand.u32 $0x7F, v1;
	v12 =	vand.u32 $0xFFFFFE00, v11;
	v11 =	vshll.u32 v3, $0x2;
	[tilespmem:s9+$0x70] =	vst v6  }
0x33: {  	v3 =	vand.u32 $0x7F, v3;
	v15 =	vand.u32 $0xFFFFFE00, v11;
	v11 =	vshll.u32 v4, $0x2;
	v17 =	vld.idx.msk [tilespmem:v7+s19+$0x0], $0xffff  }
0x34: {  	v18 =	vld [tilespmem:s15+$0x20];
	v6 =	vand.u32 $0xFFFFFE00, v11;
	v11 =	vshll.u32 v5, $0x2;
	v7 =	vshll.u32 v10, $0x2  }
0x35: {  	v21 =	vld [tilespmem:s15+$0x30];
	v19 =	vand.u32 $0xFFFFFE00, v11;
	v11 =	vand.u32 $0xFFFFFE00, v7;
	v7 =	vor.u32 v2, v9  }
0x36: {  	v22 =	vld [tilespmem:s15+$0x40];
	v4 =	vand.u32 $0x7F, v4;
	v5 =	vand.u32 $0x7F, v5;
	v9 =	vor.u32 v1, v12  }
0x37: {  	v24 =	vld [tilespmem:s15+$0x50];
	v10 =	vand.u32 $0x7F, v10;
	v2 =	vshll.u32 v8, $0x2;
	v12 =	vor.u32 v4, v6  }
0x38: {  	v25 =	vld [tilespmem:s15+$0x60];
	v1 =	vand.u32 $0x7F, v8;
	v8 =	vshll.u32 v14, $0x2;
	v11 =	vor.u32 v10, v11;
	[tilespmem:s9+$0xF0] =	vst v17  }
0x39: {  	v6 =	vshll.u32 v16, $0x2;
	v2 =	vand.u32 $0xFFFFFE00, v2;
	v10 =	vor.u32 v3, v15;
	v4 =	vld.idx.msk [tilespmem:v20+s19+$0x0], $0xffff  }
0x3a: {  	v3 =	vand.u32 $0xFFFFFE00, v23;
	v15 =	vand.u32 $0x7F, v13;
	v13 =	vor.u32 v5, v19;
	v17 =	vld.idx.msk [tilespmem:v7+s19+$0x0], $0xffff  }
0x3b: {  	v5 =	vand.u32 $0xFFFFFE00, v6;
	v6 =	vshll.u32 v18, $0x2;
	v15 =	vor.u32 v15, v3;
	v47 =	vld.idx.msk [tilespmem:v9+s19+$0x0], $0xffff  }
0x3c: {  	v20 =	vor.u32 $0x180, v0;
	v0 =	vand.u32 $0x7F, v14;
	v14 =	vor.u32 v1, v2;
	v26 =	vld.idx.msk [tilespmem:v12+s19+$0x0], $0xffff  }
0x3d: {  	v6 =	vand.u32 $0xFFFFFE00, v6;
	v1 =	vshll.u32 v21, $0x2;
	v2 =	vand.u32 $0x7F, v16;
	v19 =	vld.idx.msk [tilespmem:v11+s19+$0x0], $0xffff  }
0x3e: {  	v3 =	vand.u32 $0x7F, v18;
	v16 =	vld.idx.msk [tilespmem:v10+s19+$0x0], $0xffff;
	v18 =	vand.u32 $0xFFFFFE00, v1;
	v1 =	vor.u32 v2, v5  }
0x3f: {  	v8 =	vand.u32 $0xFFFFFE00, v8;
	v27 =	vld.idx.msk [tilespmem:v13+s19+$0x0], $0xffff;
	v2 =	vor.u32 v3, v6  }
0x40: {  	v28 =	vor.u32 $0x80, v7;
	v30 =	vor.u32 $0x80, v9;
	v21 =	vand.u32 $0x7F, v21;
	v49 =	vld.idx.msk [tilespmem:v15+s19+$0x0], $0xffff  }
0x41: {  	v0 =	vor.u32 v0, v8;
	v8 =	vshll.u32 v22, $0x2;
	v3 =	vor.u32 v21, v18;
	[tilespmem:s9+$0x170] =	vst v4;
	v18 =	vld.idx.msk [tilespmem:v14+s19+$0x0], $0xffff  }
0x42: {  	v34 =	vor.u32 $0x80, v12;
	v5 =	vand.u32 $0xFFFFFE00, v8;
	v8 =	vld.idx.msk [tilespmem:v20+s19+$0x0], $0xffff  }
0x43: {  	[tilespmem:s9+$0xFFFFFE10] =	vst v17;
	v51 =	vld.idx.msk [tilespmem:v1+s19+$0x0], $0xffff  }
0x44: {  	v52 =	vor.u32 $0x80, v11;
	[tilespmem:s9+$0xFFFFFE20] =	vst v47;
	v53 =	vld.idx.msk [tilespmem:v2+s19+$0x0], $0xffff  }
0x45: {  	v32 =	vor.u32 $0x80, v10;
	[tilespmem:s9+$0xFFFFFE40] =	vst v26;
	v55 =	vld.idx.msk [tilespmem:v28+s19+$0x0], $0xffff  }
0x46: {  	[tilespmem:s9+$0xFFFFFE30] =	vst v16;
	v16 =	vld.idx.msk [tilespmem:v30+s19+$0x0], $0xffff  }
0x47: {  	v35 =	vor.u32 $0x80, v13;
	v4 =	vand.u32 $0x7F, v22;
	v60 =	vld.idx.msk [tilespmem:v34+s19+$0x0], $0xffff  }
0x48: {  	v4 =	vor.u32 v4, v5;
	[tilespmem:s9+$0xFFFFFE00] =	vst v19;
	v29 =	vld.idx.msk [tilespmem:v3+s19+$0x0], $0xffff  }
0x49: {  	v54 =	vor.u32 $0x80, v14;
	v20 =	vshll.u32 v24, $0x2;
	v17 =	vld.idx.msk [tilespmem:v52+s19+$0x0], $0xffff  }
0x4a: {  	v6 =	vand.u32 $0x7F, v24;
	v20 =	vand.u32 $0xFFFFFE00, v20;
	v58 =	vld.idx.msk [tilespmem:v32+s19+$0x0], $0xffff  }
0x4b: {  	v59 =	vor.u32 $0x80, v1;
	[tilespmem:s9+$0xFFFFFE50] =	vst v27;
	v5 =	vor.u32 v6, v20;
	v20 =	vld.idx.msk [tilespmem:v0+s19+$0x0], $0xffff  }
0x4c: {  	v61 =	vor.u32 $0x80, v2;
	[tilespmem:s9+$0xFFFFFE60] =	vst v18;
	v18 =	vld.idx.msk [tilespmem:v35+s19+$0x0], $0xffff  }
0x4d: {  	v43 =	vor.u32 $0x100, v7;
	v31 =	vld.idx.msk [tilespmem:v4+s19+$0x0], $0xffff  }
0x4e: {  	s22 =	simm.s32 $0x180;
	v45 =	vor.u32 $0x100, v9;
	v63 =	vld.idx.msk [tilespmem:v54+s19+$0x0], $0xffff;
	[tilespmem:s9+$0x10] =	vst v51  }
0x4f: {  	[tilespmem:s9+$0x1F0] =	vst v8;
	v8 =	vld [tilespmem:s22+$0x0]  }
0x50: {  	v48 =	vshll.u32 v25, $0x2;
	[tilespmem:s9+$0x20] =	vst v53;
	v40 =	vld.idx.msk [tilespmem:v59+s19+$0x0], $0xffff  }
0x51: {  	v50 =	vand.u32 $0x7F, v25;
	v21 =	vand.u32 $0xFFFFFE00, v48;
	[tilespmem:s9+$0xFFFFFE90] =	vst v55;
	v42 =	vld.idx.msk [tilespmem:v61+s19+$0x0], $0xffff  }
0x52: {  	v6 =	vor.u32 v50, v21;
	[tilespmem:s9+$0xFFFFFEA0] =	vst v16;
	v16 =	vld.idx.msk [tilespmem:v43+s19+$0x0], $0xffff  }
0x53: {  	v56 =	vor.u32 $0x80, v15;
	v52 =	vld.idx.msk [tilespmem:v45+s19+$0x0], $0xffff  }
0x54: {  	v62 =	vor.u32 $0x80, v3;
	v43 =	vld [tilespmem:s22+$0xFFFFFFF0]  }
0x55: {  	v41 =	vor.u32 $0x100, v11;
	v45 =	vld [tilespmem:s22+$0x20]  }
0x56: {  	v46 =	vor.u32 $0x100, v10;
	[tilespmem:s9+$0xFFFFFE70] =	vst v49;
	v33 =	vld.idx.msk [tilespmem:v5+s19+$0x0], $0xffff  }
0x57: {  	[tilespmem:s9+$0x30] =	vst v29;
	v19 =	vld.idx.msk [tilespmem:v6+s19+$0x0], $0xffff  }
0x58: {  	v57 =	vor.u32 $0x80, v0;
	[tilespmem:s9+$0x0] =	vst v20;
	v20 =	vld.idx.msk [tilespmem:v56+s19+$0x0], $0xffff  }
0x59: {  	v47 =	vor.u32 $0x100, v12;
	[tilespmem:s9+$0xFFFFFE80] =	vst v17;
	v44 =	vld.idx.msk [tilespmem:v62+s19+$0x0], $0xffff  }
0x5a: {  	v48 =	vor.u32 $0x100, v13;
	[tilespmem:s9+$0xFFFFFEB0] =	vst v58;
	v49 =	vld.idx.msk [tilespmem:v41+s19+$0x0], $0xffff  }
0x5b: {  	v36 =	vor.u32 $0x80, v4;
	v54 =	vld.idx.msk [tilespmem:v46+s19+$0x0], $0xffff  }
0x5c: {  	v46 =	vld [tilespmem:s22+$0x30]  }
0x5d: {  	[tilespmem:s9+$0xFFFFFEC0] =	vst v60;
	v38 =	vld.idx.msk [tilespmem:v57+s19+$0x0], $0xffff  }
0x5e: {  	[tilespmem:s9+$0xFFFFFED0] =	vst v18;
	v18 =	vld.idx.msk [tilespmem:v47+s19+$0x0], $0xffff  }
0x5f: {  	v50 =	vor.u32 $0x100, v14;
	[tilespmem:s9+$0x40] =	vst v31;
	v57 =	vld.idx.msk [tilespmem:v48+s19+$0x0], $0xffff  }
0x60: {  	v55 =	vor.u32 $0x100, v1;
	[tilespmem:s9+$0xFFFFFEE0] =	vst v63;
	v24 =	vld.idx.msk [tilespmem:v36+s19+$0x0], $0xffff  }
0x61: {  	v56 =	vor.u32 $0x100, v2;
	[tilespmem:s9+$0xFFFFFF10] =	vst v16;
	v16 =	vld [tilespmem:s22+$0x70]  }
0x62: {  	v7 =	vor.u32 $0x180, v7;
	[tilespmem:s9+$0x90] =	vst v40;
	v40 =	vld [tilespmem:s22+$0xFFFFFFD0]  }
0x63: {  	v9 =	vor.u32 $0x180, v9;
	[tilespmem:s9+$0xA0] =	vst v42;
	v42 =	vld [tilespmem:s22+$0xFFFFFFE0]  }
0x64: {  	[tilespmem:s9+$0xFFFFFEF0] =	vst v20;
	v20 =	vld.idx.msk [tilespmem:v50+s19+$0x0], $0xffff  }
0x65: {  	[tilespmem:s9+$0x50] =	vst v33;
	v33 =	vld.idx.msk [tilespmem:v55+s19+$0x0], $0xffff  }
0x66: {  	v37 =	vor.u32 $0x80, v5;
	v28 =	vld.idx.msk [tilespmem:v56+s19+$0x0], $0xffff  }
0x67: {  	v39 =	vor.u32 $0x80, v6;
	[tilespmem:s9+$0xFFFFFF20] =	vst v52;
	v7 =	vld.idx.msk [tilespmem:v7+s19+$0x0], $0xffff  }
0x68: {  	v51 =	vor.u32 $0x100, v15;
	v9 =	vld.idx.msk [tilespmem:v9+s19+$0x0], $0xffff  }
0x69: {  	v58 =	vor.u32 $0x100, v3;
	[tilespmem:s9+$0xB0] =	vst v44;
	v44 =	vld [tilespmem:s22+$0x10]  }
0x6a: {  	v11 =	vor.u32 $0x180, v11;
	v50 =	vld [tilespmem:s22+$0xFFFFFF80]  }
0x6b: {  	v10 =	vor.u32 $0x180, v10;
	[tilespmem:s9+$0x60] =	vst v19;
	v19 =	vld.idx.msk [tilespmem:v37+s19+$0x0], $0xffff  }
0x6c: {  	v17 =	vld.idx.msk [tilespmem:v39+s19+$0x0], $0xffff  }
0x6d: {  	v60 =	vld.idx.msk [tilespmem:v51+s19+$0x0], $0xffff  }
0x6e: {  	[tilespmem:s9+$0xFFFFFF00] =	vst v49;
	v36 =	vld.idx.msk [tilespmem:v58+s19+$0x0], $0xffff  }
0x6f: {  	v53 =	vor.u32 $0x100, v0;
	[tilespmem:s9+$0xFFFFFF30] =	vst v54;
	v11 =	vld.idx.msk [tilespmem:v11+s19+$0x0], $0xffff  }
0x70: {  	v10 =	vld.idx.msk [tilespmem:v10+s19+$0x0], $0xffff  }
0x71: {  	v12 =	vor.u32 $0x180, v12;
	[tilespmem:s9+$0x80] =	vst v38;
	v38 =	vld [tilespmem:s22+$0xFFFFFFB0]  }
0x72: {  	v13 =	vor.u32 $0x180, v13;
	v39 =	vld [tilespmem:s22+$0xFFFFFFC0];
	[tilespmem:s9+$0xFFFFFF40] =	vst v18  }
0x73: {  	v51 =	vld [tilespmem:s22+$0x60];
	[tilespmem:s9+$0xFFFFFF50] =	vst v57  }
0x74: {  	v59 =	vor.u32 $0x100, v4;
	v62 =	vld.idx.msk [tilespmem:v53+s19+$0x0], $0xffff;
	[tilespmem:s9+$0xC0] =	vst v24  }
0x75: {  	v14 =	vor.u32 $0x180, v14;
	v18 =	vld [tilespmem:s22+$0xFFFFFF90];
	[tilespmem:s9+$0xFFFFFF60] =	vst v20  }
0x76: {  	v1 =	vor.u32 $0x180, v1;
	v12 =	vld.idx.msk [tilespmem:v12+s19+$0x0], $0xffff;
	[tilespmem:s9+$0x110] =	vst v33  }
0x77: {  	v2 =	vor.u32 $0x180, v2;
	v13 =	vld.idx.msk [tilespmem:v13+s19+$0x0], $0xffff;
	[tilespmem:s9+$0x120] =	vst v28  }
0x78: {  	v61 =	vor.u32 $0x100, v5;
	v20 =	vld [tilespmem:s22+$0xFFFFFFA0];
	[tilespmem:s9+$0xFFFFFF90] =	vst v7  }
0x79: {  	v63 =	vor.u32 $0x100, v6;
	[tilespmem:s9+$0xD0] =	vst v19;
	v19 =	vld.idx.msk [tilespmem:v59+s19+$0x0], $0xffff  }
0x7a: {  	v15 =	vor.u32 $0x180, v15;
	[tilespmem:s9+$0xFFFFFFA0] =	vst v9;
	v14 =	vld.idx.msk [tilespmem:v14+s19+$0x0], $0xffff  }
0x7b: {  	v0 =	vor.u32 $0x180, v0;
	v41 =	vshll.u32 v16, $0x2;
	[tilespmem:s9+$0xE0] =	vst v17;
	v53 =	vld.idx.msk [tilespmem:v1+s19+$0x0], $0xffff  }
0x7c: {  	v3 =	vor.u32 $0x180, v3;
	v16 =	vand.u32 $0x7F, v16;
	v27 =	vand.u32 $0xFFFFFE00, v41;
	[tilespmem:s9+$0xFFFFFF70] =	vst v60;
	v54 =	vld.idx.msk [tilespmem:v2+s19+$0x0], $0xffff  }
0x7d: {  	v4 =	vor.u32 $0x180, v4;
	v6 =	vor.u32 $0x180, v6;
	v16 =	vor.u32 v16, v27;
	[tilespmem:s9+$0x130] =	vst v36;
	v17 =	vld.idx.msk [tilespmem:v61+s19+$0x0], $0xffff  }
0x7e: {  	v49 =	vor.u32 $0x180, v5;
	v55 =	vshll.u32 v43, $0x2;
	v57 =	vand.u32 $0x7F, v43;
	[tilespmem:s9+$0xFFFFFF80] =	vst v11;
	v37 =	vld.idx.msk [tilespmem:v63+s19+$0x0], $0xffff  }
0x7f: {  	v21 =	vand.u32 $0x7F, v38;
	v22 =	vand.u32 $0x7F, v39;
	v1 =	vand.u32 $0x7F, v50;
	v15 =	vld.idx.msk [tilespmem:v15+s19+$0x0], $0xffff;
	[tilespmem:s9+$0x100] =	vst v62  }
0x80: {  	[tilespmem:s9+$0xFFFFFFB0] =	vst v10;
	v60 =	vand.u32 $0x7F, v8;
	v48 =	vor.u32 $0x80, v16;
	v5 =	vshll.u32 v18, $0x2;
	v52 =	vld.idx.msk [tilespmem:v0+s19+$0x0], $0xffff  }
0x81: {  	v18 =	vand.u32 $0x7F, v18;
	v5 =	vand.u32 $0xFFFFFE00, v5;
	v0 =	vshll.u32 v39, $0x2;
	[tilespmem:s9+$0xFFFFFFC0] =	vst v12;
	v12 =	vld.idx.msk [tilespmem:v3+s19+$0x0], $0xffff  }
0x82: {  	v3 =	vshll.u32 v42, $0x2;
	v9 =	vand.u32 $0xFFFFFE00, v0;
	v0 =	vshll.u32 v40, $0x2;
	[tilespmem:s9+$0xFFFFFFD0] =	vst v13;
	v47 =	vld.idx.msk [tilespmem:v16+s19+$0x0], $0xffff  }
0x83: {  	v2 =	vor.u32 v18, v5;
	v10 =	vand.u32 $0xFFFFFE00, v0;
	v0 =	vshll.u32 v50, $0x2;
	[tilespmem:s9+$0x140] =	vst v19;
	v19 =	vld [tilespmem:s22+$0x40]  }
0x84: {  	v11 =	vshll.u32 v20, $0x2;
	v20 =	vand.u32 $0x7F, v20;
	v0 =	vand.u32 $0xFFFFFE00, v0;
	[tilespmem:s9+$0x150] =	vst v17;
	v17 =	vld [tilespmem:s22+$0x50]  }
0x85: {  	v7 =	vand.u32 $0xFFFFFE00, v11;
	v11 =	vshll.u32 v38, $0x2;
	[tilespmem:s9+$0xFFFFFFE0] =	vst v14;
	v18 =	vld.idx.msk [tilespmem:v4+s19+$0x0], $0xffff;
	v5 =	vor.u32 v1, v0  }
0x86: {  	v14 =	vand.u32 $0xFFFFFE00, v3;
	[tilespmem:s9+$0x160] =	vst v37;
	v11 =	vand.u32 $0xFFFFFE00, v11;
	v3 =	vor.u32 v20, v7;
	v0 =	vld.idx.msk [tilespmem:v49+s19+$0x0], $0xffff  }
0x87: {  	s15 =	simm.s32 $0x11600;
	v13 =	vand.u32 $0x7F, v40;
	v7 =	vshll.u32 v8, $0x2;
	[tilespmem:s9+$0xFFFFFFF0] =	vst v15;
	v4 =	vor.u32 v21, v11;
	v1 =	vld.idx.msk [tilespmem:v6+s19+$0x0], $0xffff  }
0x88: {  	v15 =	vand.u32 $0xFFFFFE00, v7;
	v6 =	vor.u32 v22, v9;
	v7 =	vor.u32 v13, v10;
	v13 =	vld.idx.msk [tilespmem:v2+s19+$0x0], $0xffff;
	[tilespmem:s15+$0x70] =	vst v47  }
0x89: {  	v36 =	vor.u32 $0x100, v16;
	v35 =	vor.u32 $0x80, v2;
	[tilespmem:s9+$0x190] =	vst v53;
	v20 =	vand.u32 $0x7F, v42;
	v29 =	vld.idx.msk [tilespmem:v48+s19+$0x0], $0xffff  }
0x8a: {  	[tilespmem:s9+$0x1A0] =	vst v54;
	v11 =	vand.u32 $0xFFFFFE00, v55;
	v9 =	vshll.u32 v44, $0x2;
	v8 =	vor.u32 v20, v14;
	v59 =	vld.idx.msk [tilespmem:v5+s19+$0x0], $0xffff  }
0x8b: {  	[tilespmem:s9+$0x180] =	vst v52;
	v58 =	vand.u32 $0xFFFFFE00, v9;
	v9 =	vshll.u32 v45, $0x2;
	v10 =	vor.u32 v57, v11;
	v20 =	vld.idx.msk [tilespmem:v3+s19+$0x0], $0xffff  }
0x8c: {  	v14 =	vand.u32 $0x7F, v44;
	[tilespmem:s9+$0x1B0] =	vst v12;
	v61 =	vand.u32 $0xFFFFFE00, v9;
	v9 =	vshll.u32 v46, $0x2;
	v62 =	vld.idx.msk [tilespmem:v4+s19+$0x0], $0xffff  }
0x8d: {  	v12 =	vand.u32 $0x7F, v45;
	v63 =	vand.u32 $0xFFFFFE00, v9;
	v9 =	vor.u32 v60, v15;
	[tilespmem:s9+$0x1C0] =	vst v18;
	v30 =	vld.idx.msk [tilespmem:v6+s19+$0x0], $0xffff  }
0x8e: {  	v11 =	vor.u32 v14, v58;
	v15 =	vand.u32 $0x7F, v46;
	v18 =	vshll.u32 v19, $0x2;
	v31 =	vld.idx.msk [tilespmem:v7+s19+$0x0], $0xffff;
	[tilespmem:s15+$0xFFFFFE10] =	vst v13  }
0x8f: {  	v14 =	vand.u32 $0x7F, v19;
	v12 =	vor.u32 v12, v61;
	v18 =	vand.u32 $0xFFFFFE00, v18;
	v32 =	vld.idx.msk [tilespmem:v8+s19+$0x0], $0xffff;
	[tilespmem:s15+$0xF0] =	vst v29  }
0x90: {  	v13 =	vor.u32 v15, v63;
	v14 =	vor.u32 v14, v18;
	v18 =	vld.idx.msk [tilespmem:v10+s19+$0x0], $0xffff;
	[tilespmem:s15+$0xFFFFFE00] =	vst v59  }
0x91: {  	v24 =	vld.idx.msk [tilespmem:v35+s19+$0x0], $0xffff;
	[tilespmem:s15+$0xFFFFFE20] =	vst v20  }
0x92: {  	v38 =	vor.u32 $0x80, v6;
	v33 =	vld.idx.msk [tilespmem:v9+s19+$0x0], $0xffff;
	[tilespmem:s15+$0xFFFFFE30] =	vst v62  }
0x93: {  	v40 =	vor.u32 $0x80, v7;
	v56 =	vld.idx.msk [tilespmem:v36+s19+$0x0], $0xffff;
	[tilespmem:s15+$0xFFFFFE40] =	vst v30  }
0x94: {  	v16 =	vor.u32 $0x180, v16;
	v34 =	vld.idx.msk [tilespmem:v12+s19+$0x0], $0xffff;
	[tilespmem:s15+$0xFFFFFE50] =	vst v31  }
0x95: {  	v37 =	vor.u32 $0x80, v4;
	[tilespmem:s15+$0xFFFFFE60] =	vst v32;
	v25 =	vld.idx.msk [tilespmem:v13+s19+$0x0], $0xffff  }
0x96: {  	v41 =	vor.u32 $0x80, v10;
	v36 =	vld.idx.msk [tilespmem:v14+s19+$0x0], $0xffff;
	[tilespmem:s15+$0xFFFFFE70] =	vst v18  }
0x97: {  	v27 =	vld.idx.msk [tilespmem:v38+s19+$0x0], $0xffff;
	[tilespmem:s15+$0xFFFFFE90] =	vst v24  }
0x98: {  	v48 =	vor.u32 $0x100, v2;
	v28 =	vld.idx.msk [tilespmem:v40+s19+$0x0], $0xffff;
	[tilespmem:s15+$0x170] =	vst v56  }
0x99: {  	v44 =	vor.u32 $0x80, v13;
	[tilespmem:s15+$0x0] =	vst v33;
	v19 =	vld.idx.msk [tilespmem:v16+s19+$0x0], $0xffff;
	v16 =	vand.u32 $0x7F, v17;
	v17 =	vshll.u32 v17, $0x2  }
0x9a: {  	v52 =	vor.u32 $0x100, v7;
	v26 =	vld.idx.msk [tilespmem:v37+s19+$0x0], $0xffff;
	[tilespmem:s15+$0x20] =	vst v34;
	v15 =	vand.u32 $0xFFFFFE00, v17;
	v17 =	vshll.u32 v51, $0x2  }
0x9b: {  	v20 =	vand.u32 $0x7F, v51;
	v23 =	vld.idx.msk [tilespmem:v41+s19+$0x0], $0xffff;
	[tilespmem:s15+$0x30] =	vst v25;
	v51 =	vor.u32 $0x100, v6;
	v17 =	vand.u32 $0xFFFFFE00, v17  }
0x9c: {  	[tilespmem:s15+$0x40] =	vst v36;
	v15 =	vor.u32 v16, v15;
	v16 =	vor.u32 v20, v17;
	v17 =	vld.idx.msk [tilespmem:v11+s19+$0x0], $0xffff;
	v20 =	vor.u32 $0x80, v5  }
0x9d: {  	[tilespmem:s15+$0xFFFFFEC0] =	vst v27;
	v27 =	vld.idx.msk [tilespmem:v48+s19+$0x0], $0xffff  }
0x9e: {  	v2 =	vor.u32 $0x180, v2;
	[tilespmem:s15+$0xFFFFFED0] =	vst v28;
	v22 =	vld.idx.msk [tilespmem:v44+s19+$0x0], $0xffff  }
0x9f: {  	[tilespmem:s15+$0xFFFFFEB0] =	vst v26;
	v25 =	vld.idx.msk [tilespmem:v52+s19+$0x0], $0xffff  }
0xa0: {  	[tilespmem:s15+$0x1F0] =	vst v19;
	v19 =	vor.u32 $0x80, v3;
	v24 =	vld.idx.msk [tilespmem:v51+s19+$0x0], $0xffff  }
0xa1: {  	v20 =	vld.idx.msk [tilespmem:v20+s19+$0x0], $0xffff;
	[tilespmem:s15+$0x10] =	vst v17;
	v17 =	vor.u32 $0x80, v8  }
0xa2: {  	v43 =	vor.u32 $0x80, v11;
	[tilespmem:s15+$0xFFFFFF10] =	vst v27;
	v18 =	vld.idx.msk [tilespmem:v15+s19+$0x0], $0xffff  }
0xa3: {  	[tilespmem:s15+$0xFFFFFEF0] =	vst v23;
	v45 =	vor.u32 $0x80, v15;
	v63 =	vld.idx.msk [tilespmem:v2+s19+$0x0], $0xffff  }
0xa4: {  	v47 =	vor.u32 $0x100, v5;
	[tilespmem:s15+$0xB0] =	vst v22;
	v39 =	vld.idx.msk [tilespmem:v16+s19+$0x0], $0xffff  }
0xa5: {  	v42 =	vor.u32 $0x80, v9;
	[tilespmem:s15+$0xFFFFFF50] =	vst v25;
	v19 =	vld.idx.msk [tilespmem:v19+s19+$0x0], $0xffff  }
0xa6: {  	[tilespmem:s15+$0xFFFFFE80] =	vst v20;
	v17 =	vld.idx.msk [tilespmem:v17+s19+$0x0], $0xffff;
	v20 =	vor.u32 $0x80, v14  }
0xa7: {  	v49 =	vor.u32 $0x100, v3;
	v21 =	vld.idx.msk [tilespmem:v43+s19+$0x0], $0xffff;
	[tilespmem:s15+$0x50] =	vst v18  }
0xa8: {  	v7 =	vor.u32 $0x180, v7;
	[tilespmem:s15+$0xFFFFFF40] =	vst v24;
	v50 =	vld.idx.msk [tilespmem:v45+s19+$0x0], $0xffff  }
0xa9: {  	[tilespmem:s15+$0xFFFFFF90] =	vst v63;
	v18 =	vor.u32 $0x80, v12;
	v26 =	vld.idx.msk [tilespmem:v47+s19+$0x0], $0xffff  }
0xaa: {  	v46 =	vor.u32 $0x80, v16;
	[tilespmem:s15+$0xFFFFFEA0] =	vst v19;
	v19 =	vld.idx.msk [tilespmem:v42+s19+$0x0], $0xffff  }
0xab: {  	[tilespmem:s15+$0xFFFFFEE0] =	vst v17;
	v17 =	vld.idx.msk [tilespmem:v20+s19+$0x0], $0xffff;
	v20 =	vor.u32 $0x100, v4  }
0xac: {  	v53 =	vor.u32 $0x100, v8;
	v54 =	vor.u32 $0x100, v9;
	[tilespmem:s15+$0x60] =	vst v39;
	v28 =	vld.idx.msk [tilespmem:v49+s19+$0x0], $0xffff  }
0xad: {  	v62 =	vor.u32 $0x180, v8;
	v57 =	vor.u32 $0x100, v15;
	v8 =	vor.u32 $0x180, v9;
	v9 =	vld.idx.msk [tilespmem:v7+s19+$0x0], $0xffff;
	[tilespmem:s15+$0x90] =	vst v21  }
0xae: {  	v5 =	vor.u32 $0x180, v5;
	v18 =	vld.idx.msk [tilespmem:v18+s19+$0x0], $0xffff;
	[tilespmem:s15+$0xD0] =	vst v50  }
0xaf: {  	[tilespmem:s15+$0x80] =	vst v19;
	v19 =	vld.idx.msk [tilespmem:v46+s19+$0x0], $0xffff  }
0xb0: {  	v55 =	vor.u32 $0x100, v12;
	[tilespmem:s15+$0xFFFFFF00] =	vst v26;
	v20 =	vld.idx.msk [tilespmem:v20+s19+$0x0], $0xffff  }
0xb1: {  	v56 =	vor.u32 $0x100, v14;
	v21 =	vld.idx.msk [tilespmem:v53+s19+$0x0], $0xffff;
	[tilespmem:s15+$0xFFFFFF20] =	vst v28  }
0xb2: {  	v60 =	vld.idx.msk [tilespmem:v57+s19+$0x0], $0xffff;
	[tilespmem:s15+$0xC0] =	vst v17;
	v17 =	vor.u32 $0x100, v11  }
0xb3: {  	v5 =	vld.idx.msk [tilespmem:v5+s19+$0x0], $0xffff;
	[tilespmem:s15+$0xA0] =	vst v18;
	v18 =	vor.u32 $0x100, v10  }
0xb4: {  	v58 =	vor.u32 $0x100, v16;
	v22 =	vld.idx.msk [tilespmem:v54+s19+$0x0], $0xffff;
	[tilespmem:s15+$0xE0] =	vst v19  }
0xb5: {  	v19 =	vor.u32 $0x100, v13;
	[tilespmem:s15+$0xFFFFFF30] =	vst v20;
	v20 =	vld.idx.msk [tilespmem:v55+s19+$0x0], $0xffff  }
0xb6: {  	v3 =	vor.u32 $0x180, v3;
	[tilespmem:s15+$0xFFFFFF60] =	vst v21;
	v59 =	vld.idx.msk [tilespmem:v56+s19+$0x0], $0xffff  }
0xb7: {  	v4 =	vor.u32 $0x180, v4;
	[tilespmem:s15+$0x150] =	vst v60;
	v17 =	vld.idx.msk [tilespmem:v17+s19+$0x0], $0xffff  }
0xb8: {  	v6 =	vor.u32 $0x180, v6;
	[tilespmem:s15+$0xFFFFFF80] =	vst v5;
	v18 =	vld.idx.msk [tilespmem:v18+s19+$0x0], $0xffff  }
0xb9: {  	[tilespmem:s15+$0x100] =	vst v22;
	v61 =	vld.idx.msk [tilespmem:v58+s19+$0x0], $0xffff  }
0xba: {  	v19 =	vld.idx.msk [tilespmem:v19+s19+$0x0], $0xffff;
	[tilespmem:s15+$0x120] =	vst v20;
	v20 =	vor.u32 $0x180, v10  }
0xbb: {  	[tilespmem:s15+$0x140] =	vst v59;
	v10 =	vld.idx.msk [tilespmem:v3+s19+$0x0], $0xffff  }
0xbc: {  	[tilespmem:s15+$0x110] =	vst v17;
	v17 =	vld.idx.msk [tilespmem:v4+s19+$0x0], $0xffff  }
0xbd: {  	[tilespmem:s15+$0xFFFFFF70] =	vst v18;
	v18 =	vld.idx.msk [tilespmem:v6+s19+$0x0], $0xffff  }
0xbe: {  	v2 =	vor.u32 $0x180, v16;
	v7 =	vor.u32 $0x180, v11;
	v11 =	vld.idx.msk [tilespmem:v62+s19+$0x0], $0xffff;
	v5 =	vor.u32 $0x180, v14;
	[tilespmem:s15+$0x160] =	vst v61  }
0xbf: {  	s7 =	simm.s32 $0x100;
	s22 =	simm.s32 $0x280;
	v6 =	vor.u32 $0x180, v12;
	v4 =	vor.u32 $0x180, v13;
	v3 =	vor.u32 $0x180, v15;
	[tilespmem:s15+$0x130] =	vst v19;
	v12 =	vld.idx.msk [tilespmem:v20+s19+$0x0], $0xffff  }
.LBB2_3:
0xc0: {  	v13 =	vld [tilespmem:s22+$0x70];
	s7 =	sadd.s32 $0x100, s7;
	[tilespmem:s15+$0xFFFFFFA0] =	vst v10  }
0xc1: {  	v10 =	vld [tilespmem:s22+$0xFFFFFF90];
	p0 =	slt.u32 s7, $0xF00;
	[tilespmem:s15+$0xFFFFFFB0] =	vst v17  }
0xc2: {  	v14 =	vld [tilespmem:s22+$0xFFFFFFA0];
	[tilespmem:s15+$0xFFFFFFC0] =	vst v18  }
0xc3: {  	v15 =	vld [tilespmem:s22+$0xFFFFFFB0];
	[tilespmem:s15+$0xFFFFFFD0] =	vst v9  }
0xc4: {  	v9 =	vld [tilespmem:s22+$0xFFFFFFC0];
	[tilespmem:s15+$0xFFFFFFE0] =	vst v11  }
0xc5: {  	v11 =	vld [tilespmem:s22+$0xFFFFFFD0];
	v16 =	vshll.u32 v13, $0x2;
	[tilespmem:s15+$0xFFFFFFF0] =	vst v12  }
0xc6: {  	v13 =	vand.u32 $0x7F, v13;
	v12 =	vshll.u32 v10, $0x2;
	v17 =	vld [tilespmem:s22+$0xFFFFFFE0];
	v16 =	vand.u32 $0xFFFFFE00, v16;
	[tilespmem:s9+$0x1D0] =	vst v0  }
0xc7: {  	v0 =	vand.u32 $0xFFFFFE00, v12;
	v12 =	vshll.u32 v14, $0x2;
	v18 =	vld [tilespmem:s22+$0xFFFFFFF0];
	v13 =	vor.u32 v13, v16;
	[tilespmem:s9+$0x1E0] =	vst v1;
	s9 =	smov.u32 s15  }
0xc8: {  	v1 =	vand.u32 $0x7F, v10;
	v10 =	vand.u32 $0xFFFFFE00, v12;
	v12 =	vshll.u32 v15, $0x2;
	v16 =	vld [tilespmem:s22+$0x0]  }
0xc9: {  	v14 =	vand.u32 $0x7F, v14;
	v12 =	vand.u32 $0xFFFFFE00, v12;
	v19 =	vshll.u32 v9, $0x2;
	v20 =	vld [tilespmem:s22+$0x10]  }
0xca: {  	v15 =	vand.u32 $0x7F, v15;
	v19 =	vand.u32 $0xFFFFFE00, v19;
	v21 =	vshll.u32 v11, $0x2;
	v22 =	vld [tilespmem:s22+$0x20]  }
0xcb: {  	v9 =	vand.u32 $0x7F, v9;
	v21 =	vand.u32 $0xFFFFFE00, v21;
	v23 =	vshll.u32 v17, $0x2;
	v24 =	vld [tilespmem:s22+$0x30]  }
0xcc: {  	v11 =	vand.u32 $0x7F, v11;
	v23 =	vand.u32 $0xFFFFFE00, v23;
	v25 =	vshll.u32 v18, $0x2;
	v26 =	vld.idx.msk [tilespmem:v13+s19+$0x0], $0xffff  }
0xcd: {  	v17 =	vand.u32 $0x7F, v17;
	v25 =	vand.u32 $0xFFFFFE00, v25;
	v27 =	vshll.u32 v16, $0x2;
	v28 =	vld [tilespmem:s22+$0x40]  }
0xce: {  	v31 =	vor.u32 $0x80, v13;
	v27 =	vand.u32 $0xFFFFFE00, v27;
	v29 =	vshll.u32 v20, $0x2;
	v30 =	vld [tilespmem:s22+$0x50]  }
0xcf: {  	v18 =	vand.u32 $0x7F, v18;
	v29 =	vand.u32 $0xFFFFFE00, v29;
	v32 =	vshll.u32 v22, $0x2;
	v33 =	vld [tilespmem:s22+$0x60]  }
0xd0: {  	v16 =	vand.u32 $0x7F, v16;
	v34 =	vld [tilespmem:s22+$0xFFFFFF80];
	v32 =	vand.u32 $0xFFFFFE00, v32;
	v35 =	vshll.u32 v24, $0x2  }
0xd1: {  	s15 =	sadd.s32 $0x400, s15;
	v20 =	vand.u32 $0x7F, v20;
	v22 =	vand.u32 $0x7F, v22;
	v35 =	vand.u32 $0xFFFFFE00, v35;
	v8 =	vld.idx.msk [tilespmem:v8+s19+$0x0], $0xffff  }
0xd2: {  	v24 =	vand.u32 $0x7F, v24;
	v36 =	vand.u32 $0x7F, v28;
	v28 =	vshll.u32 v28, $0x2;
	[tilespmem:s15+$0x70] =	vst v26;
	v7 =	vld.idx.msk [tilespmem:v7+s19+$0x0], $0xffff  }
0xd3: {  	v26 =	vand.u32 $0xFFFFFE00, v28;
	v28 =	vand.u32 $0x7F, v30;
	v30 =	vshll.u32 v30, $0x2;
	v31 =	vld.idx.msk [tilespmem:v31+s19+$0x0], $0xffff  }
0xd4: {  	v30 =	vand.u32 $0xFFFFFE00, v30;
	v37 =	vand.u32 $0x7F, v33;
	v33 =	vshll.u32 v33, $0x2;
	v6 =	vld.idx.msk [tilespmem:v6+s19+$0x0], $0xffff  }
0xd5: {  	v39 =	vor.u32 $0x100, v13;
	v38 =	vshll.u32 v34, $0x2;
	v33 =	vand.u32 $0xFFFFFE00, v33;
	v4 =	vld.idx.msk [tilespmem:v4+s19+$0x0], $0xffff  }
0xd6: {  	v40 =	vor.u32 v1, v0;
	v34 =	vand.u32 $0x7F, v34;
	v38 =	vand.u32 $0xFFFFFE00, v38;
	v5 =	vld.idx.msk [tilespmem:v5+s19+$0x0], $0xffff  }
0xd7: {  	v10 =	vor.u32 v14, v10;
	v12 =	vor.u32 v15, v12;
	v34 =	vor.u32 v34, v38;
	v0 =	vld.idx.msk [tilespmem:v3+s19+$0x0], $0xffff  }
0xd8: {  	v3 =	vor.u32 v9, v19;
	v9 =	vor.u32 v11, v21;
	v11 =	vor.u32 v17, v23;
	v1 =	vld.idx.msk [tilespmem:v2+s19+$0x0], $0xffff  }
0xd9: {  	v14 =	vor.u32 v16, v27;
	v15 =	vor.u32 v20, v29;
	v2 =	vor.u32 v18, v25;
	[tilespmem:s15+$0xF0] =	vst v31  }
0xda: {  	v16 =	vor.u32 v22, v32;
	v17 =	vor.u32 v24, v35;
	v18 =	vor.u32 v36, v26;
	v19 =	vld.idx.msk [tilespmem:v39+s19+$0x0], $0xffff  }
0xdb: {  	v22 =	vor.u32 v28, v30;
	v23 =	vor.u32 v37, v33;
	v20 =	vor.u32 $0x80, v34;
	v21 =	vld.idx.msk [tilespmem:v40+s19+$0x0], $0xffff;
	[tilespmem:s9+$0x180] =	vst v8  }
0xdc: {  	v13 =	vor.u32 $0x180, v13;
	v24 =	vor.u32 $0x80, v40;
	v25 =	vor.u32 $0x80, v10;
	v8 =	vld.idx.msk [tilespmem:v34+s19+$0x0], $0xffff;
	[tilespmem:s9+$0x190] =	vst v7  }
0xdd: {  	v26 =	vor.u32 $0x80, v12;
	v27 =	vor.u32 $0x80, v3;
	v28 =	vor.u32 $0x80, v9;
	v7 =	vld.idx.msk [tilespmem:v10+s19+$0x0], $0xffff;
	[tilespmem:s9+$0x1A0] =	vst v6  }
0xde: {  	v29 =	vor.u32 $0x80, v11;
	v30 =	vor.u32 $0x80, v2;
	v31 =	vor.u32 $0x80, v14;
	v6 =	vld.idx.msk [tilespmem:v12+s19+$0x0], $0xffff;
	[tilespmem:s9+$0x1B0] =	vst v4  }
0xdf: {  	v32 =	vor.u32 $0x80, v15;
	v33 =	vor.u32 $0x80, v16;
	v35 =	vor.u32 $0x80, v17;
	v4 =	vld.idx.msk [tilespmem:v3+s19+$0x0], $0xffff;
	[tilespmem:s9+$0x1C0] =	vst v5  }
0xe0: {  	v37 =	vor.u32 $0x80, v22;
	v38 =	vor.u32 $0x80, v23;
	v36 =	vor.u32 $0x80, v18;
	v5 =	vld.idx.msk [tilespmem:v9+s19+$0x0], $0xffff;
	[tilespmem:s15+$0x170] =	vst v19  }
0xe1: {  	v39 =	vor.u32 $0x100, v10;
	v19 =	vor.u32 $0x100, v34;
	[tilespmem:s15+$0xFFFFFE10] =	vst v21;
	v21 =	vor.u32 $0x100, v40;
	v13 =	vld.idx.msk [tilespmem:v13+s19+$0x0], $0xffff  }
0xe2: {  	v41 =	vor.u32 $0x100, v12;
	v42 =	vor.u32 $0x100, v3;
	v43 =	vor.u32 $0x100, v9;
	[tilespmem:s15+$0xFFFFFE00] =	vst v8;
	v8 =	vld.idx.msk [tilespmem:v11+s19+$0x0], $0xffff  }
0xe3: {  	v46 =	vor.u32 $0x100, v14;
	v44 =	vor.u32 $0x100, v11;
	v45 =	vor.u32 $0x100, v2;
	[tilespmem:s15+$0xFFFFFE20] =	vst v7;
	v7 =	vld.idx.msk [tilespmem:v2+s19+$0x0], $0xffff  }
0xe4: {  	v48 =	vor.u32 $0x100, v15;
	v49 =	vor.u32 $0x100, v16;
	v50 =	vor.u32 $0x100, v17;
	[tilespmem:s15+$0xFFFFFE30] =	vst v6;
	v47 =	vld.idx.msk [tilespmem:v14+s19+$0x0], $0xffff  }
0xe5: {  	v53 =	vor.u32 $0x100, v22;
	v54 =	vor.u32 $0x100, v23;
	v52 =	vor.u32 $0x100, v18;
	[tilespmem:s15+$0xFFFFFE40] =	vst v4;
	v51 =	vld.idx.msk [tilespmem:v15+s19+$0x0], $0xffff  }
0xe6: {  	v10 =	vor.u32 $0x180, v10;
	v34 =	vor.u32 $0x180, v34;
	v40 =	vor.u32 $0x180, v40;
	[tilespmem:s15+$0xFFFFFE50] =	vst v5;
	v55 =	vld.idx.msk [tilespmem:v16+s19+$0x0], $0xffff  }
0xe7: {  	v56 =	vor.u32 $0x180, v3;
	v12 =	vor.u32 $0x180, v12;
	v9 =	vor.u32 $0x180, v9;
	v57 =	vld.idx.msk [tilespmem:v17+s19+$0x0], $0xffff;
	[tilespmem:s15+$0x1F0] =	vst v13  }
0xe8: {  	v11 =	vor.u32 $0x180, v11;
	v13 =	vor.u32 $0x180, v2;
	[tilespmem:s15+$0xFFFFFE60] =	vst v8;
	v8 =	vor.u32 $0x180, v14;
	v14 =	vld.idx.msk [tilespmem:v18+s19+$0x0], $0xffff  }
0xe9: {  	v6 =	vor.u32 $0x180, v16;
	v4 =	vor.u32 $0x180, v17;
	[tilespmem:s15+$0xFFFFFE70] =	vst v7;
	v7 =	vor.u32 $0x180, v15;
	v15 =	vld.idx.msk [tilespmem:v22+s19+$0x0], $0xffff  }
0xea: {  	v3 =	vor.u32 $0x180, v22;
	v5 =	vor.u32 $0x180, v18;
	v2 =	vor.u32 $0x180, v23;
	[tilespmem:s15+$0x0] =	vst v47;
	v16 =	vld.idx.msk [tilespmem:v23+s19+$0x0], $0xffff  }
0xeb: {  	v17 =	vld.idx.msk [tilespmem:v20+s19+$0x0], $0xffff;
	[tilespmem:s15+$0x10] =	vst v51  }
0xec: {  	v18 =	vld.idx.msk [tilespmem:v24+s19+$0x0], $0xffff;
	[tilespmem:s15+$0x20] =	vst v55  }
0xed: {  	v20 =	vld.idx.msk [tilespmem:v25+s19+$0x0], $0xffff;
	[tilespmem:s15+$0x30] =	vst v57  }
0xee: {  	v22 =	vld.idx.msk [tilespmem:v26+s19+$0x0], $0xffff;
	[tilespmem:s15+$0x40] =	vst v14  }
0xef: {  	v14 =	vld.idx.msk [tilespmem:v27+s19+$0x0], $0xffff;
	[tilespmem:s15+$0x50] =	vst v15  }
0xf0: {  	v15 =	vld.idx.msk [tilespmem:v28+s19+$0x0], $0xffff;
	[tilespmem:s15+$0x60] =	vst v16  }
0xf1: {  	[tilespmem:s15+$0xFFFFFE80] =	vst v17;
	v16 =	vld.idx.msk [tilespmem:v29+s19+$0x0], $0xffff  }
0xf2: {  	[tilespmem:s15+$0xFFFFFE90] =	vst v18;
	v17 =	vld.idx.msk [tilespmem:v30+s19+$0x0], $0xffff  }
0xf3: {  	[tilespmem:s15+$0xFFFFFEA0] =	vst v20;
	v18 =	vld.idx.msk [tilespmem:v31+s19+$0x0], $0xffff  }
0xf4: {  	[tilespmem:s15+$0xFFFFFEB0] =	vst v22;
	v20 =	vld.idx.msk [tilespmem:v32+s19+$0x0], $0xffff  }
0xf5: {  	[tilespmem:s15+$0xFFFFFEC0] =	vst v14;
	v14 =	vld.idx.msk [tilespmem:v33+s19+$0x0], $0xffff  }
0xf6: {  	[tilespmem:s15+$0xFFFFFED0] =	vst v15;
	v15 =	vld.idx.msk [tilespmem:v35+s19+$0x0], $0xffff  }
0xf7: {  	[tilespmem:s15+$0xFFFFFEE0] =	vst v16;
	v16 =	vld.idx.msk [tilespmem:v36+s19+$0x0], $0xffff  }
0xf8: {  	[tilespmem:s15+$0xFFFFFEF0] =	vst v17;
	v17 =	vld.idx.msk [tilespmem:v37+s19+$0x0], $0xffff  }
0xf9: {  	[tilespmem:s15+$0x80] =	vst v18;
	v18 =	vld.idx.msk [tilespmem:v38+s19+$0x0], $0xffff  }
0xfa: {  	v19 =	vld.idx.msk [tilespmem:v19+s19+$0x0], $0xffff;
	[tilespmem:s15+$0x90] =	vst v20  }
0xfb: {  	v20 =	vld.idx.msk [tilespmem:v21+s19+$0x0], $0xffff;
	[tilespmem:s15+$0xA0] =	vst v14  }
0xfc: {  	v14 =	vld.idx.msk [tilespmem:v39+s19+$0x0], $0xffff;
	[tilespmem:s15+$0xB0] =	vst v15  }
0xfd: {  	v15 =	vld.idx.msk [tilespmem:v41+s19+$0x0], $0xffff;
	[tilespmem:s15+$0xC0] =	vst v16  }
0xfe: {  	v16 =	vld.idx.msk [tilespmem:v42+s19+$0x0], $0xffff;
	[tilespmem:s15+$0xD0] =	vst v17  }
0xff: {  	v17 =	vld.idx.msk [tilespmem:v43+s19+$0x0], $0xffff;
	[tilespmem:s15+$0xE0] =	vst v18  }
0x100: {  	[tilespmem:s15+$0xFFFFFF00] =	vst v19;
	v18 =	vld.idx.msk [tilespmem:v44+s19+$0x0], $0xffff  }
0x101: {  	[tilespmem:s15+$0xFFFFFF10] =	vst v20;
	v19 =	vld.idx.msk [tilespmem:v45+s19+$0x0], $0xffff  }
0x102: {  	[tilespmem:s15+$0xFFFFFF20] =	vst v14;
	v14 =	vld.idx.msk [tilespmem:v46+s19+$0x0], $0xffff  }
0x103: {  	[tilespmem:s15+$0xFFFFFF30] =	vst v15;
	v15 =	vld.idx.msk [tilespmem:v48+s19+$0x0], $0xffff  }
0x104: {  	[tilespmem:s15+$0xFFFFFF40] =	vst v16;
	v16 =	vld.idx.msk [tilespmem:v49+s19+$0x0], $0xffff  }
0x105: {  	[tilespmem:s15+$0xFFFFFF50] =	vst v17;
	v17 =	vld.idx.msk [tilespmem:v50+s19+$0x0], $0xffff  }
0x106: {  	[tilespmem:s15+$0xFFFFFF60] =	vst v18;
	v18 =	vld.idx.msk [tilespmem:v52+s19+$0x0], $0xffff  }
0x107: {  	[tilespmem:s15+$0xFFFFFF70] =	vst v19;
	v19 =	vld.idx.msk [tilespmem:v53+s19+$0x0], $0xffff  }
0x108: {  	[tilespmem:s15+$0x100] =	vst v14;
	v14 =	vld.idx.msk [tilespmem:v54+s19+$0x0], $0xffff  }
0x109: {  	v20 =	vld.idx.msk [tilespmem:v34+s19+$0x0], $0xffff;
	[tilespmem:s15+$0x110] =	vst v15  }
0x10a: {  	v15 =	vld.idx.msk [tilespmem:v40+s19+$0x0], $0xffff;
	[tilespmem:s15+$0x120] =	vst v16  }
0x10b: {  	v10 =	vld.idx.msk [tilespmem:v10+s19+$0x0], $0xffff;
	[tilespmem:s15+$0x130] =	vst v17  }
.Ltmp0:
0x10c: {  	v17 =	vld.idx.msk [tilespmem:v12+s19+$0x0], $0xffff;
	[tilespmem:s15+$0x140] =	vst v18;
	(pc) =	sbr.rel @p0 .LBB2_3-.Ltmp0, $4  }
0x10d: {  	v18 =	vld.idx.msk [tilespmem:v56+s19+$0x0], $0xffff;
	[tilespmem:s15+$0x150] =	vst v19  }
0x10e: {  	v9 =	vld.idx.msk [tilespmem:v9+s19+$0x0], $0xffff;
	[tilespmem:s15+$0x160] =	vst v14  }
0x10f: {  	[tilespmem:s15+$0xFFFFFF80] =	vst v20;
	v11 =	vld.idx.msk [tilespmem:v11+s19+$0x0], $0xffff  }
0x110: {  	s22 =	sadd.s32 $0x100, s22;
	[tilespmem:s15+$0xFFFFFF90] =	vst v15;
	v12 =	vld.idx.msk [tilespmem:v13+s19+$0x0], $0xffff  }
0x111: {  	_ = 	snop  }
0x112: {  	[tilespmem:s15+$0xFFFFFFA0] =	vst v10  }
0x113: {  	[tilespmem:s15+$0xFFFFFFB0] =	vst v17  }
0x114: {  	[tilespmem:s9+$0x1D0] =	vst v0  }
0x115: {  	v8 =	vld.idx.msk [tilespmem:v8+s19+$0x0], $0xffff;
	[tilespmem:s9+$0x1E0] =	vst v1  }
0x116: {  	v7 =	vld.idx.msk [tilespmem:v7+s19+$0x0], $0xffff;
	[tilespmem:s15+$0xFFFFFFC0] =	vst v18  }
0x117: {  	v6 =	vld.idx.msk [tilespmem:v6+s19+$0x0], $0xffff;
	[tilespmem:s15+$0xFFFFFFD0] =	vst v9  }
0x118: {  	v0 =	vld.idx.msk [tilespmem:v4+s19+$0x0], $0xffff;
	[tilespmem:s15+$0xFFFFFFE0] =	vst v11  }
0x119: {  	v1 =	vld.idx.msk [tilespmem:v5+s19+$0x0], $0xffff;
	[tilespmem:s15+$0xFFFFFFF0] =	vst v12  }
0x11a: {  	v3 =	vld.idx.msk [tilespmem:v3+s19+$0x0], $0xffff;
	[tilespmem:s15+$0x180] =	vst v8  }
0x11b: {  	v2 =	vld.idx.msk [tilespmem:v2+s19+$0x0], $0xffff;
	[tilespmem:s15+$0x190] =	vst v7  }
0x11c: {  	[tilespmem:s15+$0x1A0] =	vst v6  }
0x11d: {  	[tilespmem:s15+$0x1B0] =	vst v0  }
0x11e: {  	[tilespmem:s15+$0x1C0] =	vst v1  }
0x11f: {  	s9 =	sor.u32 s6, s8;
	[tilespmem:s15+$0x1D0] =	vst v3  }
0x120: {  	p0 =	seq.s32 s3, $0x1F;
	s2 =	sadd.s32 s4, s9;
	[tilespmem:s15+$0x1E0] =	vst v2  }
0x121: {  	[hbm4b:s2+s17] =	stream.strided.scatter [tilespmem:s25], [sflag:$0x5], $0x4000, s18, s17, $0x38;
	[tilespmem:$0x19000] =	vst v63  }
0x122: {  	p1 =	seq.s32 @!p0 s3, $0x0;
	s7 =	simm.s32 @!p0 $0x200;
	_ =	swait.ge [sflag:s26], $0x4000  }
0x123: {  	s22 =	simm.s32 @!p0 $0x1000;
	p1 =	por p0, !p1;
	[sflag:s26] =	ssyncset.done $0x0  }
0x124: {  	s15 =	simm.s32 @!p0 $0x400;
	s2 =	sadd.s32 @!p0 s8, s11;
	[sflag:s26] =	ssyncadd.s32 $0xFFFFC000  }
0x125: {  	[tilespmem:s22], [sflag:$0x1] =	stream.strided.gather @!p0 [hbm4b:s2+s7], $0x4000, s15, s7, $0x38;
	[tilespmem:$0x19000] =	vst v63  }
0x126: {  	_ =	swait.ge @p1 [sflag:s0], $0x4000  }
0x127: {  	[sflag:s0] =	ssyncset.done @p1 $0x0  }
0x128: {  	s7 =	simm.s32 $0x80;
	[sflag:s0] =	ssyncadd.s32 @p1 $0xFFFFC000  }
0x129: {  	v0 =	vld [tilespmem:s7+$0x70];
	_ =	sdelay $0x4  }
0x12a: {  	v1 =	vshll.u32 v0, $0x2  }
0x12b: {  	v0 =	vand.u32 $0x7F, v0;
	v1 =	vand.u32 $0xFFFFFE00, v1  }
0x12c: {  	v2 =	vld [tilespmem:s7+$0xFFFFFF90];
	v0 =	vor.u32 v0, v1  }
0x12d: {  	v3 =	vld [tilespmem:s7+$0xFFFFFFB0]  }
0x12e: {  	v4 =	vld [tilespmem:s7+$0xFFFFFFC0]  }
0x12f: {  	v13 =	vld [tilespmem:s7+$0xFFFFFFF0]  }
0x130: {  	v1 =	vld [tilespmem:s7+$0xFFFFFFA0]  }
0x131: {  	v6 =	vld.idx.msk [tilespmem:v0+s20+$0x0], $0xffff  }
0x132: {  	v5 =	vld [tilespmem:s7+$0xFFFFFFD0];
	v7 =	vor.u32 $0x80, v0  }
0x133: {  	v10 =	vld [tilespmem:s7+$0xFFFFFF80]  }
0x134: {  	v8 =	vld [tilespmem:s7+$0xFFFFFFE0];
	v9 =	vshll.u32 v2, $0x2;
	v2 =	vand.u32 $0x7F, v2;
	v23 =	vshll.u32 v13, $0x2  }
0x135: {  	s15 =	simm.s32 $0x15000;
	v14 =	vld [tilespmem:s7+$0x0];
	v9 =	vand.u32 $0xFFFFFE00, v9;
	v20 =	vor.u32 $0x100, v0;
	v11 =	vshll.u32 v1, $0x2  }
0x136: {  	v16 =	vld [tilespmem:s7+$0x10];
	v1 =	vand.u32 $0x7F, v1;
	v12 =	vand.u32 $0xFFFFFE00, v11;
	v11 =	vshll.u32 v3, $0x2;
	[tilespmem:s15+$0x270] =	vst v6  }
0x137: {  	v3 =	vand.u32 $0x7F, v3;
	v15 =	vand.u32 $0xFFFFFE00, v11;
	v11 =	vshll.u32 v4, $0x2;
	v17 =	vld.idx.msk [tilespmem:v7+s20+$0x0], $0xffff  }
0x138: {  	v18 =	vld [tilespmem:s7+$0x20];
	v6 =	vand.u32 $0xFFFFFE00, v11;
	v11 =	vshll.u32 v5, $0x2;
	v7 =	vshll.u32 v10, $0x2  }
0x139: {  	v21 =	vld [tilespmem:s7+$0x30];
	v19 =	vand.u32 $0xFFFFFE00, v11;
	v11 =	vand.u32 $0xFFFFFE00, v7;
	v7 =	vor.u32 v2, v9  }
0x13a: {  	v22 =	vld [tilespmem:s7+$0x40];
	v4 =	vand.u32 $0x7F, v4;
	v5 =	vand.u32 $0x7F, v5;
	v9 =	vor.u32 v1, v12  }
0x13b: {  	v24 =	vld [tilespmem:s7+$0x50];
	v10 =	vand.u32 $0x7F, v10;
	v2 =	vshll.u32 v8, $0x2;
	v12 =	vor.u32 v4, v6  }
0x13c: {  	v25 =	vld [tilespmem:s7+$0x60];
	v1 =	vand.u32 $0x7F, v8;
	v8 =	vshll.u32 v14, $0x2;
	v11 =	vor.u32 v10, v11;
	[tilespmem:s15+$0x2F0] =	vst v17  }
0x13d: {  	v6 =	vshll.u32 v16, $0x2;
	v2 =	vand.u32 $0xFFFFFE00, v2;
	v10 =	vor.u32 v3, v15;
	v4 =	vld.idx.msk [tilespmem:v20+s20+$0x0], $0xffff  }
0x13e: {  	v3 =	vand.u32 $0xFFFFFE00, v23;
	v15 =	vand.u32 $0x7F, v13;
	v13 =	vor.u32 v5, v19;
	v17 =	vld.idx.msk [tilespmem:v7+s20+$0x0], $0xffff  }
0x13f: {  	v5 =	vand.u32 $0xFFFFFE00, v6;
	v6 =	vshll.u32 v18, $0x2;
	v15 =	vor.u32 v15, v3;
	v47 =	vld.idx.msk [tilespmem:v9+s20+$0x0], $0xffff  }
0x140: {  	v20 =	vor.u32 $0x180, v0;
	v0 =	vand.u32 $0x7F, v14;
	v14 =	vor.u32 v1, v2;
	v26 =	vld.idx.msk [tilespmem:v12+s20+$0x0], $0xffff  }
0x141: {  	v6 =	vand.u32 $0xFFFFFE00, v6;
	v1 =	vshll.u32 v21, $0x2;
	v2 =	vand.u32 $0x7F, v16;
	v19 =	vld.idx.msk [tilespmem:v11+s20+$0x0], $0xffff  }
0x142: {  	v3 =	vand.u32 $0x7F, v18;
	v16 =	vld.idx.msk [tilespmem:v10+s20+$0x0], $0xffff;
	v18 =	vand.u32 $0xFFFFFE00, v1;
	v1 =	vor.u32 v2, v5  }
0x143: {  	v8 =	vand.u32 $0xFFFFFE00, v8;
	v27 =	vld.idx.msk [tilespmem:v13+s20+$0x0], $0xffff;
	v2 =	vor.u32 v3, v6  }
0x144: {  	v28 =	vor.u32 $0x80, v7;
	v30 =	vor.u32 $0x80, v9;
	v21 =	vand.u32 $0x7F, v21;
	v49 =	vld.idx.msk [tilespmem:v15+s20+$0x0], $0xffff  }
0x145: {  	v0 =	vor.u32 v0, v8;
	v8 =	vshll.u32 v22, $0x2;
	v3 =	vor.u32 v21, v18;
	[tilespmem:s15+$0x370] =	vst v4;
	v18 =	vld.idx.msk [tilespmem:v14+s20+$0x0], $0xffff  }
0x146: {  	v34 =	vor.u32 $0x80, v12;
	v5 =	vand.u32 $0xFFFFFE00, v8;
	v8 =	vld.idx.msk [tilespmem:v20+s20+$0x0], $0xffff  }
0x147: {  	[tilespmem:s15+$0x10] =	vst v17;
	v51 =	vld.idx.msk [tilespmem:v1+s20+$0x0], $0xffff  }
0x148: {  	v52 =	vor.u32 $0x80, v11;
	[tilespmem:s15+$0x20] =	vst v47;
	v53 =	vld.idx.msk [tilespmem:v2+s20+$0x0], $0xffff  }
0x149: {  	v32 =	vor.u32 $0x80, v10;
	[tilespmem:s15+$0x40] =	vst v26;
	v55 =	vld.idx.msk [tilespmem:v28+s20+$0x0], $0xffff  }
0x14a: {  	[tilespmem:s15+$0x30] =	vst v16;
	v16 =	vld.idx.msk [tilespmem:v30+s20+$0x0], $0xffff  }
0x14b: {  	v35 =	vor.u32 $0x80, v13;
	v4 =	vand.u32 $0x7F, v22;
	v60 =	vld.idx.msk [tilespmem:v34+s20+$0x0], $0xffff  }
0x14c: {  	v4 =	vor.u32 v4, v5;
	[tilespmem:s15+$0x0] =	vst v19;
	v29 =	vld.idx.msk [tilespmem:v3+s20+$0x0], $0xffff  }
0x14d: {  	v54 =	vor.u32 $0x80, v14;
	v20 =	vshll.u32 v24, $0x2;
	v17 =	vld.idx.msk [tilespmem:v52+s20+$0x0], $0xffff  }
0x14e: {  	v6 =	vand.u32 $0x7F, v24;
	v20 =	vand.u32 $0xFFFFFE00, v20;
	v58 =	vld.idx.msk [tilespmem:v32+s20+$0x0], $0xffff  }
0x14f: {  	v59 =	vor.u32 $0x80, v1;
	[tilespmem:s15+$0x50] =	vst v27;
	v5 =	vor.u32 v6, v20;
	v20 =	vld.idx.msk [tilespmem:v0+s20+$0x0], $0xffff  }
0x150: {  	v61 =	vor.u32 $0x80, v2;
	[tilespmem:s15+$0x60] =	vst v18;
	v18 =	vld.idx.msk [tilespmem:v35+s20+$0x0], $0xffff  }
0x151: {  	v43 =	vor.u32 $0x100, v7;
	v31 =	vld.idx.msk [tilespmem:v4+s20+$0x0], $0xffff  }
0x152: {  	s22 =	simm.s32 $0x180;
	v45 =	vor.u32 $0x100, v9;
	v63 =	vld.idx.msk [tilespmem:v54+s20+$0x0], $0xffff;
	[tilespmem:s15+$0x210] =	vst v51  }
0x153: {  	[tilespmem:s15+$0x3F0] =	vst v8;
	v8 =	vld [tilespmem:s22+$0x0]  }
0x154: {  	v48 =	vshll.u32 v25, $0x2;
	[tilespmem:s15+$0x220] =	vst v53;
	v40 =	vld.idx.msk [tilespmem:v59+s20+$0x0], $0xffff  }
0x155: {  	v50 =	vand.u32 $0x7F, v25;
	v21 =	vand.u32 $0xFFFFFE00, v48;
	[tilespmem:s15+$0x90] =	vst v55;
	v42 =	vld.idx.msk [tilespmem:v61+s20+$0x0], $0xffff  }
0x156: {  	v6 =	vor.u32 v50, v21;
	[tilespmem:s15+$0xA0] =	vst v16;
	v16 =	vld.idx.msk [tilespmem:v43+s20+$0x0], $0xffff  }
0x157: {  	v56 =	vor.u32 $0x80, v15;
	v52 =	vld.idx.msk [tilespmem:v45+s20+$0x0], $0xffff  }
0x158: {  	v62 =	vor.u32 $0x80, v3;
	v43 =	vld [tilespmem:s22+$0xFFFFFFF0]  }
0x159: {  	v41 =	vor.u32 $0x100, v11;
	v45 =	vld [tilespmem:s22+$0x20]  }
0x15a: {  	v46 =	vor.u32 $0x100, v10;
	[tilespmem:s15+$0x70] =	vst v49;
	v33 =	vld.idx.msk [tilespmem:v5+s20+$0x0], $0xffff  }
0x15b: {  	[tilespmem:s15+$0x230] =	vst v29;
	v19 =	vld.idx.msk [tilespmem:v6+s20+$0x0], $0xffff  }
0x15c: {  	v57 =	vor.u32 $0x80, v0;
	[tilespmem:s15+$0x200] =	vst v20;
	v20 =	vld.idx.msk [tilespmem:v56+s20+$0x0], $0xffff  }
0x15d: {  	v47 =	vor.u32 $0x100, v12;
	[tilespmem:s15+$0x80] =	vst v17;
	v44 =	vld.idx.msk [tilespmem:v62+s20+$0x0], $0xffff  }
0x15e: {  	v48 =	vor.u32 $0x100, v13;
	[tilespmem:s15+$0xB0] =	vst v58;
	v49 =	vld.idx.msk [tilespmem:v41+s20+$0x0], $0xffff  }
0x15f: {  	v36 =	vor.u32 $0x80, v4;
	v54 =	vld.idx.msk [tilespmem:v46+s20+$0x0], $0xffff  }
0x160: {  	v46 =	vld [tilespmem:s22+$0x30]  }
0x161: {  	[tilespmem:s15+$0xC0] =	vst v60;
	v38 =	vld.idx.msk [tilespmem:v57+s20+$0x0], $0xffff  }
0x162: {  	[tilespmem:s15+$0xD0] =	vst v18;
	v18 =	vld.idx.msk [tilespmem:v47+s20+$0x0], $0xffff  }
0x163: {  	v50 =	vor.u32 $0x100, v14;
	[tilespmem:s15+$0x240] =	vst v31;
	v57 =	vld.idx.msk [tilespmem:v48+s20+$0x0], $0xffff  }
0x164: {  	v55 =	vor.u32 $0x100, v1;
	[tilespmem:s15+$0xE0] =	vst v63;
	v24 =	vld.idx.msk [tilespmem:v36+s20+$0x0], $0xffff  }
0x165: {  	v56 =	vor.u32 $0x100, v2;
	[tilespmem:s15+$0x110] =	vst v16;
	v16 =	vld [tilespmem:s22+$0x70]  }
0x166: {  	v7 =	vor.u32 $0x180, v7;
	[tilespmem:s15+$0x290] =	vst v40;
	v40 =	vld [tilespmem:s22+$0xFFFFFFD0]  }
0x167: {  	v9 =	vor.u32 $0x180, v9;
	[tilespmem:s15+$0x2A0] =	vst v42;
	v42 =	vld [tilespmem:s22+$0xFFFFFFE0]  }
0x168: {  	[tilespmem:s15+$0xF0] =	vst v20;
	v20 =	vld.idx.msk [tilespmem:v50+s20+$0x0], $0xffff  }
0x169: {  	[tilespmem:s15+$0x250] =	vst v33;
	v33 =	vld.idx.msk [tilespmem:v55+s20+$0x0], $0xffff  }
0x16a: {  	v37 =	vor.u32 $0x80, v5;
	v28 =	vld.idx.msk [tilespmem:v56+s20+$0x0], $0xffff  }
0x16b: {  	v39 =	vor.u32 $0x80, v6;
	[tilespmem:s15+$0x120] =	vst v52;
	v7 =	vld.idx.msk [tilespmem:v7+s20+$0x0], $0xffff  }
0x16c: {  	v51 =	vor.u32 $0x100, v15;
	v9 =	vld.idx.msk [tilespmem:v9+s20+$0x0], $0xffff  }
0x16d: {  	v58 =	vor.u32 $0x100, v3;
	[tilespmem:s15+$0x2B0] =	vst v44;
	v44 =	vld [tilespmem:s22+$0x10]  }
0x16e: {  	v11 =	vor.u32 $0x180, v11;
	v50 =	vld [tilespmem:s22+$0xFFFFFF80]  }
0x16f: {  	v10 =	vor.u32 $0x180, v10;
	[tilespmem:s15+$0x260] =	vst v19;
	v19 =	vld.idx.msk [tilespmem:v37+s20+$0x0], $0xffff  }
0x170: {  	v17 =	vld.idx.msk [tilespmem:v39+s20+$0x0], $0xffff  }
0x171: {  	v60 =	vld.idx.msk [tilespmem:v51+s20+$0x0], $0xffff  }
0x172: {  	[tilespmem:s15+$0x100] =	vst v49;
	v36 =	vld.idx.msk [tilespmem:v58+s20+$0x0], $0xffff  }
0x173: {  	v53 =	vor.u32 $0x100, v0;
	[tilespmem:s15+$0x130] =	vst v54;
	v11 =	vld.idx.msk [tilespmem:v11+s20+$0x0], $0xffff  }
0x174: {  	v10 =	vld.idx.msk [tilespmem:v10+s20+$0x0], $0xffff  }
0x175: {  	v12 =	vor.u32 $0x180, v12;
	[tilespmem:s15+$0x280] =	vst v38;
	v38 =	vld [tilespmem:s22+$0xFFFFFFB0]  }
0x176: {  	v13 =	vor.u32 $0x180, v13;
	v39 =	vld [tilespmem:s22+$0xFFFFFFC0];
	[tilespmem:s15+$0x140] =	vst v18  }
0x177: {  	v51 =	vld [tilespmem:s22+$0x60];
	[tilespmem:s15+$0x150] =	vst v57  }
0x178: {  	v59 =	vor.u32 $0x100, v4;
	v62 =	vld.idx.msk [tilespmem:v53+s20+$0x0], $0xffff;
	[tilespmem:s15+$0x2C0] =	vst v24  }
0x179: {  	v14 =	vor.u32 $0x180, v14;
	v18 =	vld [tilespmem:s22+$0xFFFFFF90];
	[tilespmem:s15+$0x160] =	vst v20  }
0x17a: {  	v1 =	vor.u32 $0x180, v1;
	v12 =	vld.idx.msk [tilespmem:v12+s20+$0x0], $0xffff;
	[tilespmem:s15+$0x310] =	vst v33  }
0x17b: {  	v2 =	vor.u32 $0x180, v2;
	v13 =	vld.idx.msk [tilespmem:v13+s20+$0x0], $0xffff;
	[tilespmem:s15+$0x320] =	vst v28  }
0x17c: {  	v61 =	vor.u32 $0x100, v5;
	v20 =	vld [tilespmem:s22+$0xFFFFFFA0];
	[tilespmem:s15+$0x190] =	vst v7  }
0x17d: {  	v63 =	vor.u32 $0x100, v6;
	[tilespmem:s15+$0x2D0] =	vst v19;
	v19 =	vld.idx.msk [tilespmem:v59+s20+$0x0], $0xffff  }
0x17e: {  	v15 =	vor.u32 $0x180, v15;
	[tilespmem:s15+$0x1A0] =	vst v9;
	v14 =	vld.idx.msk [tilespmem:v14+s20+$0x0], $0xffff  }
0x17f: {  	v0 =	vor.u32 $0x180, v0;
	v41 =	vshll.u32 v16, $0x2;
	[tilespmem:s15+$0x2E0] =	vst v17;
	v53 =	vld.idx.msk [tilespmem:v1+s20+$0x0], $0xffff  }
0x180: {  	v3 =	vor.u32 $0x180, v3;
	v16 =	vand.u32 $0x7F, v16;
	v27 =	vand.u32 $0xFFFFFE00, v41;
	[tilespmem:s15+$0x170] =	vst v60;
	v54 =	vld.idx.msk [tilespmem:v2+s20+$0x0], $0xffff  }
0x181: {  	v4 =	vor.u32 $0x180, v4;
	v6 =	vor.u32 $0x180, v6;
	v16 =	vor.u32 v16, v27;
	[tilespmem:s15+$0x330] =	vst v36;
	v17 =	vld.idx.msk [tilespmem:v61+s20+$0x0], $0xffff  }
0x182: {  	v49 =	vor.u32 $0x180, v5;
	v55 =	vshll.u32 v43, $0x2;
	v57 =	vand.u32 $0x7F, v43;
	[tilespmem:s15+$0x180] =	vst v11;
	v37 =	vld.idx.msk [tilespmem:v63+s20+$0x0], $0xffff  }
0x183: {  	v21 =	vand.u32 $0x7F, v38;
	v22 =	vand.u32 $0x7F, v39;
	v1 =	vand.u32 $0x7F, v50;
	v15 =	vld.idx.msk [tilespmem:v15+s20+$0x0], $0xffff;
	[tilespmem:s15+$0x300] =	vst v62  }
0x184: {  	[tilespmem:s15+$0x1B0] =	vst v10;
	v60 =	vand.u32 $0x7F, v8;
	v48 =	vor.u32 $0x80, v16;
	v5 =	vshll.u32 v18, $0x2;
	v52 =	vld.idx.msk [tilespmem:v0+s20+$0x0], $0xffff  }
0x185: {  	v18 =	vand.u32 $0x7F, v18;
	v5 =	vand.u32 $0xFFFFFE00, v5;
	v0 =	vshll.u32 v39, $0x2;
	[tilespmem:s15+$0x1C0] =	vst v12;
	v12 =	vld.idx.msk [tilespmem:v3+s20+$0x0], $0xffff  }
0x186: {  	v3 =	vshll.u32 v42, $0x2;
	v9 =	vand.u32 $0xFFFFFE00, v0;
	v0 =	vshll.u32 v40, $0x2;
	[tilespmem:s15+$0x1D0] =	vst v13;
	v47 =	vld.idx.msk [tilespmem:v16+s20+$0x0], $0xffff  }
0x187: {  	v2 =	vor.u32 v18, v5;
	v10 =	vand.u32 $0xFFFFFE00, v0;
	v0 =	vshll.u32 v50, $0x2;
	[tilespmem:s15+$0x340] =	vst v19;
	v19 =	vld [tilespmem:s22+$0x40]  }
0x188: {  	v11 =	vshll.u32 v20, $0x2;
	v20 =	vand.u32 $0x7F, v20;
	v0 =	vand.u32 $0xFFFFFE00, v0;
	[tilespmem:s15+$0x350] =	vst v17;
	v17 =	vld [tilespmem:s22+$0x50]  }
0x189: {  	v7 =	vand.u32 $0xFFFFFE00, v11;
	v11 =	vshll.u32 v38, $0x2;
	[tilespmem:s15+$0x1E0] =	vst v14;
	v18 =	vld.idx.msk [tilespmem:v4+s20+$0x0], $0xffff;
	v5 =	vor.u32 v1, v0  }
0x18a: {  	v14 =	vand.u32 $0xFFFFFE00, v3;
	[tilespmem:s15+$0x360] =	vst v37;
	v11 =	vand.u32 $0xFFFFFE00, v11;
	v3 =	vor.u32 v20, v7;
	v0 =	vld.idx.msk [tilespmem:v49+s20+$0x0], $0xffff  }
0x18b: {  	s7 =	simm.s32 $0x15400;
	v13 =	vand.u32 $0x7F, v40;
	v7 =	vshll.u32 v8, $0x2;
	[tilespmem:s15+$0x1F0] =	vst v15;
	v4 =	vor.u32 v21, v11;
	v1 =	vld.idx.msk [tilespmem:v6+s20+$0x0], $0xffff  }
0x18c: {  	v15 =	vand.u32 $0xFFFFFE00, v7;
	v6 =	vor.u32 v22, v9;
	v7 =	vor.u32 v13, v10;
	v13 =	vld.idx.msk [tilespmem:v2+s20+$0x0], $0xffff;
	[tilespmem:s7+$0x270] =	vst v47  }
0x18d: {  	v36 =	vor.u32 $0x100, v16;
	v35 =	vor.u32 $0x80, v2;
	[tilespmem:s15+$0x390] =	vst v53;
	v20 =	vand.u32 $0x7F, v42;
	v29 =	vld.idx.msk [tilespmem:v48+s20+$0x0], $0xffff  }
0x18e: {  	[tilespmem:s15+$0x3A0] =	vst v54;
	v11 =	vand.u32 $0xFFFFFE00, v55;
	v9 =	vshll.u32 v44, $0x2;
	v8 =	vor.u32 v20, v14;
	v59 =	vld.idx.msk [tilespmem:v5+s20+$0x0], $0xffff  }
0x18f: {  	[tilespmem:s15+$0x380] =	vst v52;
	v58 =	vand.u32 $0xFFFFFE00, v9;
	v9 =	vshll.u32 v45, $0x2;
	v10 =	vor.u32 v57, v11;
	v20 =	vld.idx.msk [tilespmem:v3+s20+$0x0], $0xffff  }
0x190: {  	v14 =	vand.u32 $0x7F, v44;
	[tilespmem:s15+$0x3B0] =	vst v12;
	v61 =	vand.u32 $0xFFFFFE00, v9;
	v9 =	vshll.u32 v46, $0x2;
	v62 =	vld.idx.msk [tilespmem:v4+s20+$0x0], $0xffff  }
0x191: {  	v12 =	vand.u32 $0x7F, v45;
	v63 =	vand.u32 $0xFFFFFE00, v9;
	v9 =	vor.u32 v60, v15;
	[tilespmem:s15+$0x3C0] =	vst v18;
	v30 =	vld.idx.msk [tilespmem:v6+s20+$0x0], $0xffff  }
0x192: {  	v11 =	vor.u32 v14, v58;
	v15 =	vand.u32 $0x7F, v46;
	v18 =	vshll.u32 v19, $0x2;
	v31 =	vld.idx.msk [tilespmem:v7+s20+$0x0], $0xffff;
	[tilespmem:s7+$0x10] =	vst v13  }
0x193: {  	v14 =	vand.u32 $0x7F, v19;
	v12 =	vor.u32 v12, v61;
	v18 =	vand.u32 $0xFFFFFE00, v18;
	v32 =	vld.idx.msk [tilespmem:v8+s20+$0x0], $0xffff;
	[tilespmem:s7+$0x2F0] =	vst v29  }
0x194: {  	v13 =	vor.u32 v15, v63;
	v14 =	vor.u32 v14, v18;
	v18 =	vld.idx.msk [tilespmem:v10+s20+$0x0], $0xffff;
	[tilespmem:s7+$0x0] =	vst v59  }
0x195: {  	v24 =	vld.idx.msk [tilespmem:v35+s20+$0x0], $0xffff;
	[tilespmem:s7+$0x20] =	vst v20  }
0x196: {  	v38 =	vor.u32 $0x80, v6;
	v33 =	vld.idx.msk [tilespmem:v9+s20+$0x0], $0xffff;
	[tilespmem:s7+$0x30] =	vst v62  }
0x197: {  	v40 =	vor.u32 $0x80, v7;
	v56 =	vld.idx.msk [tilespmem:v36+s20+$0x0], $0xffff;
	[tilespmem:s7+$0x40] =	vst v30  }
0x198: {  	v16 =	vor.u32 $0x180, v16;
	v34 =	vld.idx.msk [tilespmem:v12+s20+$0x0], $0xffff;
	[tilespmem:s7+$0x50] =	vst v31  }
0x199: {  	v37 =	vor.u32 $0x80, v4;
	[tilespmem:s7+$0x60] =	vst v32;
	v25 =	vld.idx.msk [tilespmem:v13+s20+$0x0], $0xffff  }
0x19a: {  	v41 =	vor.u32 $0x80, v10;
	v36 =	vld.idx.msk [tilespmem:v14+s20+$0x0], $0xffff;
	[tilespmem:s7+$0x70] =	vst v18  }
0x19b: {  	v27 =	vld.idx.msk [tilespmem:v38+s20+$0x0], $0xffff;
	[tilespmem:s7+$0x90] =	vst v24  }
0x19c: {  	v48 =	vor.u32 $0x100, v2;
	v28 =	vld.idx.msk [tilespmem:v40+s20+$0x0], $0xffff;
	[tilespmem:s7+$0x370] =	vst v56  }
0x19d: {  	v44 =	vor.u32 $0x80, v13;
	[tilespmem:s7+$0x200] =	vst v33;
	v19 =	vld.idx.msk [tilespmem:v16+s20+$0x0], $0xffff;
	v16 =	vand.u32 $0x7F, v17;
	v17 =	vshll.u32 v17, $0x2  }
0x19e: {  	v52 =	vor.u32 $0x100, v7;
	v26 =	vld.idx.msk [tilespmem:v37+s20+$0x0], $0xffff;
	[tilespmem:s7+$0x220] =	vst v34;
	v15 =	vand.u32 $0xFFFFFE00, v17;
	v17 =	vshll.u32 v51, $0x2  }
0x19f: {  	v20 =	vand.u32 $0x7F, v51;
	v23 =	vld.idx.msk [tilespmem:v41+s20+$0x0], $0xffff;
	[tilespmem:s7+$0x230] =	vst v25;
	v51 =	vor.u32 $0x100, v6;
	v17 =	vand.u32 $0xFFFFFE00, v17  }
0x1a0: {  	[tilespmem:s7+$0x240] =	vst v36;
	v15 =	vor.u32 v16, v15;
	v16 =	vor.u32 v20, v17;
	v17 =	vld.idx.msk [tilespmem:v11+s20+$0x0], $0xffff;
	v20 =	vor.u32 $0x80, v5  }
0x1a1: {  	[tilespmem:s7+$0xC0] =	vst v27;
	v27 =	vld.idx.msk [tilespmem:v48+s20+$0x0], $0xffff  }
0x1a2: {  	v2 =	vor.u32 $0x180, v2;
	[tilespmem:s7+$0xD0] =	vst v28;
	v22 =	vld.idx.msk [tilespmem:v44+s20+$0x0], $0xffff  }
0x1a3: {  	[tilespmem:s7+$0xB0] =	vst v26;
	v25 =	vld.idx.msk [tilespmem:v52+s20+$0x0], $0xffff  }
0x1a4: {  	[tilespmem:s7+$0x3F0] =	vst v19;
	v19 =	vor.u32 $0x80, v3;
	v24 =	vld.idx.msk [tilespmem:v51+s20+$0x0], $0xffff  }
0x1a5: {  	v20 =	vld.idx.msk [tilespmem:v20+s20+$0x0], $0xffff;
	[tilespmem:s7+$0x210] =	vst v17;
	v17 =	vor.u32 $0x80, v8  }
0x1a6: {  	v43 =	vor.u32 $0x80, v11;
	[tilespmem:s7+$0x110] =	vst v27;
	v18 =	vld.idx.msk [tilespmem:v15+s20+$0x0], $0xffff  }
0x1a7: {  	[tilespmem:s7+$0xF0] =	vst v23;
	v45 =	vor.u32 $0x80, v15;
	v63 =	vld.idx.msk [tilespmem:v2+s20+$0x0], $0xffff  }
0x1a8: {  	v47 =	vor.u32 $0x100, v5;
	[tilespmem:s7+$0x2B0] =	vst v22;
	v39 =	vld.idx.msk [tilespmem:v16+s20+$0x0], $0xffff  }
0x1a9: {  	v42 =	vor.u32 $0x80, v9;
	[tilespmem:s7+$0x150] =	vst v25;
	v19 =	vld.idx.msk [tilespmem:v19+s20+$0x0], $0xffff  }
0x1aa: {  	[tilespmem:s7+$0x80] =	vst v20;
	v17 =	vld.idx.msk [tilespmem:v17+s20+$0x0], $0xffff;
	v20 =	vor.u32 $0x80, v14  }
0x1ab: {  	v49 =	vor.u32 $0x100, v3;
	v21 =	vld.idx.msk [tilespmem:v43+s20+$0x0], $0xffff;
	[tilespmem:s7+$0x250] =	vst v18  }
0x1ac: {  	v7 =	vor.u32 $0x180, v7;
	[tilespmem:s7+$0x140] =	vst v24;
	v50 =	vld.idx.msk [tilespmem:v45+s20+$0x0], $0xffff  }
0x1ad: {  	[tilespmem:s7+$0x190] =	vst v63;
	v18 =	vor.u32 $0x80, v12;
	v26 =	vld.idx.msk [tilespmem:v47+s20+$0x0], $0xffff  }
0x1ae: {  	v46 =	vor.u32 $0x80, v16;
	[tilespmem:s7+$0xA0] =	vst v19;
	v19 =	vld.idx.msk [tilespmem:v42+s20+$0x0], $0xffff  }
0x1af: {  	[tilespmem:s7+$0xE0] =	vst v17;
	v17 =	vld.idx.msk [tilespmem:v20+s20+$0x0], $0xffff;
	v20 =	vor.u32 $0x100, v4  }
0x1b0: {  	v53 =	vor.u32 $0x100, v8;
	v54 =	vor.u32 $0x100, v9;
	[tilespmem:s7+$0x260] =	vst v39;
	v28 =	vld.idx.msk [tilespmem:v49+s20+$0x0], $0xffff  }
0x1b1: {  	v62 =	vor.u32 $0x180, v8;
	v57 =	vor.u32 $0x100, v15;
	v8 =	vor.u32 $0x180, v9;
	v9 =	vld.idx.msk [tilespmem:v7+s20+$0x0], $0xffff;
	[tilespmem:s7+$0x290] =	vst v21  }
0x1b2: {  	v5 =	vor.u32 $0x180, v5;
	v18 =	vld.idx.msk [tilespmem:v18+s20+$0x0], $0xffff;
	[tilespmem:s7+$0x2D0] =	vst v50  }
0x1b3: {  	[tilespmem:s7+$0x280] =	vst v19;
	v19 =	vld.idx.msk [tilespmem:v46+s20+$0x0], $0xffff  }
0x1b4: {  	v55 =	vor.u32 $0x100, v12;
	[tilespmem:s7+$0x100] =	vst v26;
	v20 =	vld.idx.msk [tilespmem:v20+s20+$0x0], $0xffff  }
0x1b5: {  	v56 =	vor.u32 $0x100, v14;
	v21 =	vld.idx.msk [tilespmem:v53+s20+$0x0], $0xffff;
	[tilespmem:s7+$0x120] =	vst v28  }
0x1b6: {  	v60 =	vld.idx.msk [tilespmem:v57+s20+$0x0], $0xffff;
	[tilespmem:s7+$0x2C0] =	vst v17;
	v17 =	vor.u32 $0x100, v11  }
0x1b7: {  	v5 =	vld.idx.msk [tilespmem:v5+s20+$0x0], $0xffff;
	[tilespmem:s7+$0x2A0] =	vst v18;
	v18 =	vor.u32 $0x100, v10  }
0x1b8: {  	v58 =	vor.u32 $0x100, v16;
	v22 =	vld.idx.msk [tilespmem:v54+s20+$0x0], $0xffff;
	[tilespmem:s7+$0x2E0] =	vst v19  }
0x1b9: {  	v19 =	vor.u32 $0x100, v13;
	[tilespmem:s7+$0x130] =	vst v20;
	v20 =	vld.idx.msk [tilespmem:v55+s20+$0x0], $0xffff  }
0x1ba: {  	v3 =	vor.u32 $0x180, v3;
	[tilespmem:s7+$0x160] =	vst v21;
	v59 =	vld.idx.msk [tilespmem:v56+s20+$0x0], $0xffff  }
0x1bb: {  	v4 =	vor.u32 $0x180, v4;
	[tilespmem:s7+$0x350] =	vst v60;
	v17 =	vld.idx.msk [tilespmem:v17+s20+$0x0], $0xffff  }
0x1bc: {  	v6 =	vor.u32 $0x180, v6;
	[tilespmem:s7+$0x180] =	vst v5;
	v18 =	vld.idx.msk [tilespmem:v18+s20+$0x0], $0xffff  }
0x1bd: {  	[tilespmem:s7+$0x300] =	vst v22;
	v61 =	vld.idx.msk [tilespmem:v58+s20+$0x0], $0xffff  }
0x1be: {  	v19 =	vld.idx.msk [tilespmem:v19+s20+$0x0], $0xffff;
	[tilespmem:s7+$0x320] =	vst v20;
	v20 =	vor.u32 $0x180, v10  }
0x1bf: {  	[tilespmem:s7+$0x340] =	vst v59;
	v10 =	vld.idx.msk [tilespmem:v3+s20+$0x0], $0xffff  }
0x1c0: {  	[tilespmem:s7+$0x310] =	vst v17;
	v17 =	vld.idx.msk [tilespmem:v4+s20+$0x0], $0xffff  }
0x1c1: {  	[tilespmem:s7+$0x170] =	vst v18;
	v18 =	vld.idx.msk [tilespmem:v6+s20+$0x0], $0xffff  }
0x1c2: {  	v2 =	vor.u32 $0x180, v16;
	v7 =	vor.u32 $0x180, v11;
	v11 =	vld.idx.msk [tilespmem:v62+s20+$0x0], $0xffff;
	v5 =	vor.u32 $0x180, v14;
	[tilespmem:s7+$0x360] =	vst v61  }
0x1c3: {  	s2 =	simm.s32 $0x280;
	s22 =	simm.s32 $0x100;
	v6 =	vor.u32 $0x180, v12;
	v4 =	vor.u32 $0x180, v13;
	v3 =	vor.u32 $0x180, v15;
	[tilespmem:s7+$0x330] =	vst v19;
	v12 =	vld.idx.msk [tilespmem:v20+s20+$0x0], $0xffff  }
.LBB2_5:
0x1c4: {  	v13 =	vld [tilespmem:s2+$0x70];
	s22 =	sadd.s32 $0x100, s22;
	[tilespmem:s7+$0x1A0] =	vst v10  }
0x1c5: {  	v10 =	vld [tilespmem:s2+$0xFFFFFF90];
	p1 =	slt.u32 s22, $0xF00;
	[tilespmem:s7+$0x1B0] =	vst v17  }
0x1c6: {  	v14 =	vld [tilespmem:s2+$0xFFFFFFA0];
	[tilespmem:s7+$0x1C0] =	vst v18  }
0x1c7: {  	v15 =	vld [tilespmem:s2+$0xFFFFFFB0];
	[tilespmem:s7+$0x1D0] =	vst v9  }
0x1c8: {  	v9 =	vld [tilespmem:s2+$0xFFFFFFC0];
	[tilespmem:s7+$0x1E0] =	vst v11  }
0x1c9: {  	v11 =	vld [tilespmem:s2+$0xFFFFFFD0];
	v16 =	vshll.u32 v13, $0x2;
	[tilespmem:s7+$0x1F0] =	vst v12  }
0x1ca: {  	v13 =	vand.u32 $0x7F, v13;
	v12 =	vshll.u32 v10, $0x2;
	v17 =	vld [tilespmem:s2+$0xFFFFFFE0];
	v16 =	vand.u32 $0xFFFFFE00, v16;
	[tilespmem:s15+$0x3D0] =	vst v0  }
0x1cb: {  	v0 =	vand.u32 $0xFFFFFE00, v12;
	v12 =	vshll.u32 v14, $0x2;
	v18 =	vld [tilespmem:s2+$0xFFFFFFF0];
	v13 =	vor.u32 v13, v16;
	[tilespmem:s15+$0x3E0] =	vst v1;
	s15 =	smov.u32 s7  }
0x1cc: {  	v1 =	vand.u32 $0x7F, v10;
	v10 =	vand.u32 $0xFFFFFE00, v12;
	v12 =	vshll.u32 v15, $0x2;
	v16 =	vld [tilespmem:s2+$0x0]  }
0x1cd: {  	v14 =	vand.u32 $0x7F, v14;
	v12 =	vand.u32 $0xFFFFFE00, v12;
	v19 =	vshll.u32 v9, $0x2;
	v20 =	vld [tilespmem:s2+$0x10]  }
0x1ce: {  	v15 =	vand.u32 $0x7F, v15;
	v19 =	vand.u32 $0xFFFFFE00, v19;
	v21 =	vshll.u32 v11, $0x2;
	v22 =	vld [tilespmem:s2+$0x20]  }
0x1cf: {  	v9 =	vand.u32 $0x7F, v9;
	v21 =	vand.u32 $0xFFFFFE00, v21;
	v23 =	vshll.u32 v17, $0x2;
	v24 =	vld [tilespmem:s2+$0x30]  }
0x1d0: {  	v11 =	vand.u32 $0x7F, v11;
	v23 =	vand.u32 $0xFFFFFE00, v23;
	v25 =	vshll.u32 v18, $0x2;
	v26 =	vld.idx.msk [tilespmem:v13+s20+$0x0], $0xffff  }
0x1d1: {  	v17 =	vand.u32 $0x7F, v17;
	v25 =	vand.u32 $0xFFFFFE00, v25;
	v27 =	vshll.u32 v16, $0x2;
	v28 =	vld [tilespmem:s2+$0x40]  }
0x1d2: {  	v31 =	vor.u32 $0x80, v13;
	v27 =	vand.u32 $0xFFFFFE00, v27;
	v29 =	vshll.u32 v20, $0x2;
	v30 =	vld [tilespmem:s2+$0x50]  }
0x1d3: {  	v18 =	vand.u32 $0x7F, v18;
	v29 =	vand.u32 $0xFFFFFE00, v29;
	v32 =	vshll.u32 v22, $0x2;
	v33 =	vld [tilespmem:s2+$0x60]  }
0x1d4: {  	v16 =	vand.u32 $0x7F, v16;
	v34 =	vld [tilespmem:s2+$0xFFFFFF80];
	v32 =	vand.u32 $0xFFFFFE00, v32;
	v35 =	vshll.u32 v24, $0x2  }
0x1d5: {  	s7 =	sadd.s32 $0x400, s7;
	v20 =	vand.u32 $0x7F, v20;
	v22 =	vand.u32 $0x7F, v22;
	v35 =	vand.u32 $0xFFFFFE00, v35;
	v8 =	vld.idx.msk [tilespmem:v8+s20+$0x0], $0xffff  }
0x1d6: {  	v24 =	vand.u32 $0x7F, v24;
	v36 =	vand.u32 $0x7F, v28;
	v28 =	vshll.u32 v28, $0x2;
	[tilespmem:s7+$0x270] =	vst v26;
	v7 =	vld.idx.msk [tilespmem:v7+s20+$0x0], $0xffff  }
0x1d7: {  	v26 =	vand.u32 $0xFFFFFE00, v28;
	v28 =	vand.u32 $0x7F, v30;
	v30 =	vshll.u32 v30, $0x2;
	v31 =	vld.idx.msk [tilespmem:v31+s20+$0x0], $0xffff  }
0x1d8: {  	v30 =	vand.u32 $0xFFFFFE00, v30;
	v37 =	vand.u32 $0x7F, v33;
	v33 =	vshll.u32 v33, $0x2;
	v6 =	vld.idx.msk [tilespmem:v6+s20+$0x0], $0xffff  }
0x1d9: {  	v39 =	vor.u32 $0x100, v13;
	v38 =	vshll.u32 v34, $0x2;
	v33 =	vand.u32 $0xFFFFFE00, v33;
	v4 =	vld.idx.msk [tilespmem:v4+s20+$0x0], $0xffff  }
0x1da: {  	v40 =	vor.u32 v1, v0;
	v34 =	vand.u32 $0x7F, v34;
	v38 =	vand.u32 $0xFFFFFE00, v38;
	v5 =	vld.idx.msk [tilespmem:v5+s20+$0x0], $0xffff  }
0x1db: {  	v10 =	vor.u32 v14, v10;
	v12 =	vor.u32 v15, v12;
	v34 =	vor.u32 v34, v38;
	v0 =	vld.idx.msk [tilespmem:v3+s20+$0x0], $0xffff  }
0x1dc: {  	v3 =	vor.u32 v9, v19;
	v9 =	vor.u32 v11, v21;
	v11 =	vor.u32 v17, v23;
	v1 =	vld.idx.msk [tilespmem:v2+s20+$0x0], $0xffff  }
0x1dd: {  	v14 =	vor.u32 v16, v27;
	v15 =	vor.u32 v20, v29;
	v2 =	vor.u32 v18, v25;
	[tilespmem:s7+$0x2F0] =	vst v31  }
0x1de: {  	v16 =	vor.u32 v22, v32;
	v17 =	vor.u32 v24, v35;
	v18 =	vor.u32 v36, v26;
	v19 =	vld.idx.msk [tilespmem:v39+s20+$0x0], $0xffff  }
0x1df: {  	v22 =	vor.u32 v28, v30;
	v23 =	vor.u32 v37, v33;
	v20 =	vor.u32 $0x80, v34;
	v21 =	vld.idx.msk [tilespmem:v40+s20+$0x0], $0xffff;
	[tilespmem:s15+$0x380] =	vst v8  }
0x1e0: {  	v13 =	vor.u32 $0x180, v13;
	v24 =	vor.u32 $0x80, v40;
	v25 =	vor.u32 $0x80, v10;
	v8 =	vld.idx.msk [tilespmem:v34+s20+$0x0], $0xffff;
	[tilespmem:s15+$0x390] =	vst v7  }
0x1e1: {  	v26 =	vor.u32 $0x80, v12;
	v27 =	vor.u32 $0x80, v3;
	v28 =	vor.u32 $0x80, v9;
	v7 =	vld.idx.msk [tilespmem:v10+s20+$0x0], $0xffff;
	[tilespmem:s15+$0x3A0] =	vst v6  }
0x1e2: {  	v29 =	vor.u32 $0x80, v11;
	v30 =	vor.u32 $0x80, v2;
	v31 =	vor.u32 $0x80, v14;
	v6 =	vld.idx.msk [tilespmem:v12+s20+$0x0], $0xffff;
	[tilespmem:s15+$0x3B0] =	vst v4  }
0x1e3: {  	v32 =	vor.u32 $0x80, v15;
	v33 =	vor.u32 $0x80, v16;
	v35 =	vor.u32 $0x80, v17;
	v4 =	vld.idx.msk [tilespmem:v3+s20+$0x0], $0xffff;
	[tilespmem:s15+$0x3C0] =	vst v5  }
0x1e4: {  	v37 =	vor.u32 $0x80, v22;
	v38 =	vor.u32 $0x80, v23;
	v36 =	vor.u32 $0x80, v18;
	v5 =	vld.idx.msk [tilespmem:v9+s20+$0x0], $0xffff;
	[tilespmem:s7+$0x370] =	vst v19  }
0x1e5: {  	v39 =	vor.u32 $0x100, v10;
	v19 =	vor.u32 $0x100, v34;
	[tilespmem:s7+$0x10] =	vst v21;
	v21 =	vor.u32 $0x100, v40;
	v13 =	vld.idx.msk [tilespmem:v13+s20+$0x0], $0xffff  }
0x1e6: {  	v41 =	vor.u32 $0x100, v12;
	v42 =	vor.u32 $0x100, v3;
	v43 =	vor.u32 $0x100, v9;
	[tilespmem:s7+$0x0] =	vst v8;
	v8 =	vld.idx.msk [tilespmem:v11+s20+$0x0], $0xffff  }
0x1e7: {  	v46 =	vor.u32 $0x100, v14;
	v44 =	vor.u32 $0x100, v11;
	v45 =	vor.u32 $0x100, v2;
	[tilespmem:s7+$0x20] =	vst v7;
	v7 =	vld.idx.msk [tilespmem:v2+s20+$0x0], $0xffff  }
0x1e8: {  	v48 =	vor.u32 $0x100, v15;
	v49 =	vor.u32 $0x100, v16;
	v50 =	vor.u32 $0x100, v17;
	[tilespmem:s7+$0x30] =	vst v6;
	v47 =	vld.idx.msk [tilespmem:v14+s20+$0x0], $0xffff  }
0x1e9: {  	v53 =	vor.u32 $0x100, v22;
	v54 =	vor.u32 $0x100, v23;
	v52 =	vor.u32 $0x100, v18;
	[tilespmem:s7+$0x40] =	vst v4;
	v51 =	vld.idx.msk [tilespmem:v15+s20+$0x0], $0xffff  }
0x1ea: {  	v10 =	vor.u32 $0x180, v10;
	v34 =	vor.u32 $0x180, v34;
	v40 =	vor.u32 $0x180, v40;
	[tilespmem:s7+$0x50] =	vst v5;
	v55 =	vld.idx.msk [tilespmem:v16+s20+$0x0], $0xffff  }
0x1eb: {  	v56 =	vor.u32 $0x180, v3;
	v12 =	vor.u32 $0x180, v12;
	v9 =	vor.u32 $0x180, v9;
	v57 =	vld.idx.msk [tilespmem:v17+s20+$0x0], $0xffff;
	[tilespmem:s7+$0x3F0] =	vst v13  }
0x1ec: {  	v11 =	vor.u32 $0x180, v11;
	v13 =	vor.u32 $0x180, v2;
	[tilespmem:s7+$0x60] =	vst v8;
	v8 =	vor.u32 $0x180, v14;
	v14 =	vld.idx.msk [tilespmem:v18+s20+$0x0], $0xffff  }
0x1ed: {  	v6 =	vor.u32 $0x180, v16;
	v4 =	vor.u32 $0x180, v17;
	[tilespmem:s7+$0x70] =	vst v7;
	v7 =	vor.u32 $0x180, v15;
	v15 =	vld.idx.msk [tilespmem:v22+s20+$0x0], $0xffff  }
0x1ee: {  	v3 =	vor.u32 $0x180, v22;
	v5 =	vor.u32 $0x180, v18;
	v2 =	vor.u32 $0x180, v23;
	[tilespmem:s7+$0x200] =	vst v47;
	v16 =	vld.idx.msk [tilespmem:v23+s20+$0x0], $0xffff  }
0x1ef: {  	v17 =	vld.idx.msk [tilespmem:v20+s20+$0x0], $0xffff;
	[tilespmem:s7+$0x210] =	vst v51  }
0x1f0: {  	v18 =	vld.idx.msk [tilespmem:v24+s20+$0x0], $0xffff;
	[tilespmem:s7+$0x220] =	vst v55  }
0x1f1: {  	v20 =	vld.idx.msk [tilespmem:v25+s20+$0x0], $0xffff;
	[tilespmem:s7+$0x230] =	vst v57  }
0x1f2: {  	v22 =	vld.idx.msk [tilespmem:v26+s20+$0x0], $0xffff;
	[tilespmem:s7+$0x240] =	vst v14  }
0x1f3: {  	v14 =	vld.idx.msk [tilespmem:v27+s20+$0x0], $0xffff;
	[tilespmem:s7+$0x250] =	vst v15  }
0x1f4: {  	v15 =	vld.idx.msk [tilespmem:v28+s20+$0x0], $0xffff;
	[tilespmem:s7+$0x260] =	vst v16  }
0x1f5: {  	[tilespmem:s7+$0x80] =	vst v17;
	v16 =	vld.idx.msk [tilespmem:v29+s20+$0x0], $0xffff  }
0x1f6: {  	[tilespmem:s7+$0x90] =	vst v18;
	v17 =	vld.idx.msk [tilespmem:v30+s20+$0x0], $0xffff  }
0x1f7: {  	[tilespmem:s7+$0xA0] =	vst v20;
	v18 =	vld.idx.msk [tilespmem:v31+s20+$0x0], $0xffff  }
0x1f8: {  	[tilespmem:s7+$0xB0] =	vst v22;
	v20 =	vld.idx.msk [tilespmem:v32+s20+$0x0], $0xffff  }
0x1f9: {  	[tilespmem:s7+$0xC0] =	vst v14;
	v14 =	vld.idx.msk [tilespmem:v33+s20+$0x0], $0xffff  }
0x1fa: {  	[tilespmem:s7+$0xD0] =	vst v15;
	v15 =	vld.idx.msk [tilespmem:v35+s20+$0x0], $0xffff  }
0x1fb: {  	[tilespmem:s7+$0xE0] =	vst v16;
	v16 =	vld.idx.msk [tilespmem:v36+s20+$0x0], $0xffff  }
0x1fc: {  	[tilespmem:s7+$0xF0] =	vst v17;
	v17 =	vld.idx.msk [tilespmem:v37+s20+$0x0], $0xffff  }
0x1fd: {  	[tilespmem:s7+$0x280] =	vst v18;
	v18 =	vld.idx.msk [tilespmem:v38+s20+$0x0], $0xffff  }
0x1fe: {  	v19 =	vld.idx.msk [tilespmem:v19+s20+$0x0], $0xffff;
	[tilespmem:s7+$0x290] =	vst v20  }
0x1ff: {  	v20 =	vld.idx.msk [tilespmem:v21+s20+$0x0], $0xffff;
	[tilespmem:s7+$0x2A0] =	vst v14  }
0x200: {  	v14 =	vld.idx.msk [tilespmem:v39+s20+$0x0], $0xffff;
	[tilespmem:s7+$0x2B0] =	vst v15  }
0x201: {  	v15 =	vld.idx.msk [tilespmem:v41+s20+$0x0], $0xffff;
	[tilespmem:s7+$0x2C0] =	vst v16  }
0x202: {  	v16 =	vld.idx.msk [tilespmem:v42+s20+$0x0], $0xffff;
	[tilespmem:s7+$0x2D0] =	vst v17  }
0x203: {  	v17 =	vld.idx.msk [tilespmem:v43+s20+$0x0], $0xffff;
	[tilespmem:s7+$0x2E0] =	vst v18  }
0x204: {  	[tilespmem:s7+$0x100] =	vst v19;
	v18 =	vld.idx.msk [tilespmem:v44+s20+$0x0], $0xffff  }
0x205: {  	[tilespmem:s7+$0x110] =	vst v20;
	v19 =	vld.idx.msk [tilespmem:v45+s20+$0x0], $0xffff  }
0x206: {  	[tilespmem:s7+$0x120] =	vst v14;
	v14 =	vld.idx.msk [tilespmem:v46+s20+$0x0], $0xffff  }
0x207: {  	[tilespmem:s7+$0x130] =	vst v15;
	v15 =	vld.idx.msk [tilespmem:v48+s20+$0x0], $0xffff  }
0x208: {  	[tilespmem:s7+$0x140] =	vst v16;
	v16 =	vld.idx.msk [tilespmem:v49+s20+$0x0], $0xffff  }
0x209: {  	[tilespmem:s7+$0x150] =	vst v17;
	v17 =	vld.idx.msk [tilespmem:v50+s20+$0x0], $0xffff  }
0x20a: {  	[tilespmem:s7+$0x160] =	vst v18;
	v18 =	vld.idx.msk [tilespmem:v52+s20+$0x0], $0xffff  }
0x20b: {  	[tilespmem:s7+$0x170] =	vst v19;
	v19 =	vld.idx.msk [tilespmem:v53+s20+$0x0], $0xffff  }
0x20c: {  	[tilespmem:s7+$0x300] =	vst v14;
	v14 =	vld.idx.msk [tilespmem:v54+s20+$0x0], $0xffff  }
0x20d: {  	v20 =	vld.idx.msk [tilespmem:v34+s20+$0x0], $0xffff;
	[tilespmem:s7+$0x310] =	vst v15  }
0x20e: {  	v15 =	vld.idx.msk [tilespmem:v40+s20+$0x0], $0xffff;
	[tilespmem:s7+$0x320] =	vst v16  }
0x20f: {  	v10 =	vld.idx.msk [tilespmem:v10+s20+$0x0], $0xffff;
	[tilespmem:s7+$0x330] =	vst v17  }
.Ltmp1:
0x210: {  	v17 =	vld.idx.msk [tilespmem:v12+s20+$0x0], $0xffff;
	[tilespmem:s7+$0x340] =	vst v18;
	(pc) =	sbr.rel @p1 .LBB2_5-.Ltmp1, $4  }
0x211: {  	v18 =	vld.idx.msk [tilespmem:v56+s20+$0x0], $0xffff;
	[tilespmem:s7+$0x350] =	vst v19  }
0x212: {  	v9 =	vld.idx.msk [tilespmem:v9+s20+$0x0], $0xffff;
	[tilespmem:s7+$0x360] =	vst v14  }
0x213: {  	[tilespmem:s7+$0x180] =	vst v20;
	v11 =	vld.idx.msk [tilespmem:v11+s20+$0x0], $0xffff  }
0x214: {  	s2 =	sadd.s32 $0x100, s2;
	[tilespmem:s7+$0x190] =	vst v15;
	v12 =	vld.idx.msk [tilespmem:v13+s20+$0x0], $0xffff  }
0x215: {  	_ = 	snop  }
0x216: {  	[tilespmem:s7+$0x1A0] =	vst v10  }
0x217: {  	[tilespmem:s7+$0x1B0] =	vst v17  }
0x218: {  	[tilespmem:s15+$0x3D0] =	vst v0  }
0x219: {  	v8 =	vld.idx.msk [tilespmem:v8+s20+$0x0], $0xffff;
	[tilespmem:s15+$0x3E0] =	vst v1  }
0x21a: {  	v7 =	vld.idx.msk [tilespmem:v7+s20+$0x0], $0xffff;
	[tilespmem:s7+$0x1C0] =	vst v18  }
0x21b: {  	v6 =	vld.idx.msk [tilespmem:v6+s20+$0x0], $0xffff;
	[tilespmem:s7+$0x1D0] =	vst v9  }
0x21c: {  	v0 =	vld.idx.msk [tilespmem:v4+s20+$0x0], $0xffff;
	[tilespmem:s7+$0x1E0] =	vst v11  }
0x21d: {  	v1 =	vld.idx.msk [tilespmem:v5+s20+$0x0], $0xffff;
	[tilespmem:s7+$0x1F0] =	vst v12  }
0x21e: {  	v3 =	vld.idx.msk [tilespmem:v3+s20+$0x0], $0xffff;
	[tilespmem:s7+$0x380] =	vst v8  }
0x21f: {  	v2 =	vld.idx.msk [tilespmem:v2+s20+$0x0], $0xffff;
	[tilespmem:s7+$0x390] =	vst v7  }
0x220: {  	[tilespmem:s7+$0x3A0] =	vst v6  }
0x221: {  	[tilespmem:s7+$0x3B0] =	vst v0  }
0x222: {  	[tilespmem:s7+$0x3C0] =	vst v1  }
0x223: {  	[tilespmem:s7+$0x3D0] =	vst v3  }
0x224: {  	s2 =	sadd.s32 s9, s12;
	[tilespmem:s7+$0x3E0] =	vst v2  }
0x225: {  	[hbm4b:s2+s17] =	stream.strided.scatter [tilespmem:s28], [sflag:$0x6], $0x4000, s18, s17, $0x38;
	[tilespmem:$0x19000] =	vst v63  }
0x226: {  	_ =	swait.ge [sflag:s29], $0x4000  }
0x227: {  	s9 =	simm.s32 @!p0 $0x400;
	s15 =	simm.s32 @!p0 $0x5000;
	[sflag:s29] =	ssyncset.done $0x0  }
0x228: {  	s7 =	simm.s32 @!p0 $0x200;
	s2 =	sadd.s32 @!p0 s8, s13;
	[sflag:s29] =	ssyncadd.s32 $0xFFFFC000  }
0x229: {  	[tilespmem:s15], [sflag:$0x2] =	stream.strided.gather @!p0 [hbm4b:s2+s7], $0x4000, s9, s7, $0x38;
	[tilespmem:$0x19000] =	vst v63  }
0x22a: {  	_ =	swait.ge [sflag:s30], $0x4000  }
0x22b: {  	[sflag:s30] =	ssyncset.done $0x0  }
0x22c: {  	s15 =	simm.s32 $0x80;
	[sflag:s30] =	ssyncadd.s32 $0xFFFFC000  }
0x22d: {  	v0 =	vld [tilespmem:s15+$0x70];
	_ =	sdelay $0x4  }
0x22e: {  	v1 =	vshll.u32 v0, $0x2  }
0x22f: {  	v0 =	vand.u32 $0x7F, v0;
	v1 =	vand.u32 $0xFFFFFE00, v1  }
0x230: {  	v2 =	vld [tilespmem:s15+$0xFFFFFF90];
	v0 =	vor.u32 v0, v1  }
0x231: {  	v3 =	vld [tilespmem:s15+$0xFFFFFFB0]  }
0x232: {  	v4 =	vld [tilespmem:s15+$0xFFFFFFC0]  }
0x233: {  	v13 =	vld [tilespmem:s15+$0xFFFFFFF0]  }
0x234: {  	v1 =	vld [tilespmem:s15+$0xFFFFFFA0]  }
0x235: {  	v6 =	vld.idx.msk [tilespmem:v0+s21+$0x0], $0xffff  }
0x236: {  	v5 =	vld [tilespmem:s15+$0xFFFFFFD0];
	v7 =	vor.u32 $0x80, v0  }
0x237: {  	v10 =	vld [tilespmem:s15+$0xFFFFFF80]  }
0x238: {  	v8 =	vld [tilespmem:s15+$0xFFFFFFE0];
	v9 =	vshll.u32 v2, $0x2;
	v2 =	vand.u32 $0x7F, v2;
	v23 =	vshll.u32 v13, $0x2  }
0x239: {  	s9 =	simm.s32 $0x11200;
	v14 =	vld [tilespmem:s15+$0x0];
	v9 =	vand.u32 $0xFFFFFE00, v9;
	v20 =	vor.u32 $0x100, v0;
	v11 =	vshll.u32 v1, $0x2  }
0x23a: {  	v16 =	vld [tilespmem:s15+$0x10];
	v1 =	vand.u32 $0x7F, v1;
	v12 =	vand.u32 $0xFFFFFE00, v11;
	v11 =	vshll.u32 v3, $0x2;
	[tilespmem:s9+$0x70] =	vst v6  }
0x23b: {  	v3 =	vand.u32 $0x7F, v3;
	v15 =	vand.u32 $0xFFFFFE00, v11;
	v11 =	vshll.u32 v4, $0x2;
	v17 =	vld.idx.msk [tilespmem:v7+s21+$0x0], $0xffff  }
0x23c: {  	v18 =	vld [tilespmem:s15+$0x20];
	v6 =	vand.u32 $0xFFFFFE00, v11;
	v11 =	vshll.u32 v5, $0x2;
	v7 =	vshll.u32 v10, $0x2  }
0x23d: {  	v21 =	vld [tilespmem:s15+$0x30];
	v19 =	vand.u32 $0xFFFFFE00, v11;
	v11 =	vand.u32 $0xFFFFFE00, v7;
	v7 =	vor.u32 v2, v9  }
0x23e: {  	v22 =	vld [tilespmem:s15+$0x40];
	v4 =	vand.u32 $0x7F, v4;
	v5 =	vand.u32 $0x7F, v5;
	v9 =	vor.u32 v1, v12  }
0x23f: {  	v24 =	vld [tilespmem:s15+$0x50];
	v10 =	vand.u32 $0x7F, v10;
	v2 =	vshll.u32 v8, $0x2;
	v12 =	vor.u32 v4, v6  }
0x240: {  	v25 =	vld [tilespmem:s15+$0x60];
	v1 =	vand.u32 $0x7F, v8;
	v8 =	vshll.u32 v14, $0x2;
	v11 =	vor.u32 v10, v11;
	[tilespmem:s9+$0xF0] =	vst v17  }
0x241: {  	v6 =	vshll.u32 v16, $0x2;
	v2 =	vand.u32 $0xFFFFFE00, v2;
	v10 =	vor.u32 v3, v15;
	v4 =	vld.idx.msk [tilespmem:v20+s21+$0x0], $0xffff  }
0x242: {  	v3 =	vand.u32 $0xFFFFFE00, v23;
	v15 =	vand.u32 $0x7F, v13;
	v13 =	vor.u32 v5, v19;
	v17 =	vld.idx.msk [tilespmem:v7+s21+$0x0], $0xffff  }
0x243: {  	v5 =	vand.u32 $0xFFFFFE00, v6;
	v6 =	vshll.u32 v18, $0x2;
	v15 =	vor.u32 v15, v3;
	v47 =	vld.idx.msk [tilespmem:v9+s21+$0x0], $0xffff  }
0x244: {  	v20 =	vor.u32 $0x180, v0;
	v0 =	vand.u32 $0x7F, v14;
	v14 =	vor.u32 v1, v2;
	v26 =	vld.idx.msk [tilespmem:v12+s21+$0x0], $0xffff  }
0x245: {  	v6 =	vand.u32 $0xFFFFFE00, v6;
	v1 =	vshll.u32 v21, $0x2;
	v2 =	vand.u32 $0x7F, v16;
	v19 =	vld.idx.msk [tilespmem:v11+s21+$0x0], $0xffff  }
0x246: {  	v3 =	vand.u32 $0x7F, v18;
	v16 =	vld.idx.msk [tilespmem:v10+s21+$0x0], $0xffff;
	v18 =	vand.u32 $0xFFFFFE00, v1;
	v1 =	vor.u32 v2, v5  }
0x247: {  	v8 =	vand.u32 $0xFFFFFE00, v8;
	v27 =	vld.idx.msk [tilespmem:v13+s21+$0x0], $0xffff;
	v2 =	vor.u32 v3, v6  }
0x248: {  	v28 =	vor.u32 $0x80, v7;
	v30 =	vor.u32 $0x80, v9;
	v21 =	vand.u32 $0x7F, v21;
	v49 =	vld.idx.msk [tilespmem:v15+s21+$0x0], $0xffff  }
0x249: {  	v0 =	vor.u32 v0, v8;
	v8 =	vshll.u32 v22, $0x2;
	v3 =	vor.u32 v21, v18;
	[tilespmem:s9+$0x170] =	vst v4;
	v18 =	vld.idx.msk [tilespmem:v14+s21+$0x0], $0xffff  }
0x24a: {  	v34 =	vor.u32 $0x80, v12;
	v5 =	vand.u32 $0xFFFFFE00, v8;
	v8 =	vld.idx.msk [tilespmem:v20+s21+$0x0], $0xffff  }
0x24b: {  	[tilespmem:s9+$0xFFFFFE10] =	vst v17;
	v51 =	vld.idx.msk [tilespmem:v1+s21+$0x0], $0xffff  }
0x24c: {  	v52 =	vor.u32 $0x80, v11;
	[tilespmem:s9+$0xFFFFFE20] =	vst v47;
	v53 =	vld.idx.msk [tilespmem:v2+s21+$0x0], $0xffff  }
0x24d: {  	v32 =	vor.u32 $0x80, v10;
	[tilespmem:s9+$0xFFFFFE40] =	vst v26;
	v55 =	vld.idx.msk [tilespmem:v28+s21+$0x0], $0xffff  }
0x24e: {  	[tilespmem:s9+$0xFFFFFE30] =	vst v16;
	v16 =	vld.idx.msk [tilespmem:v30+s21+$0x0], $0xffff  }
0x24f: {  	v35 =	vor.u32 $0x80, v13;
	v4 =	vand.u32 $0x7F, v22;
	v60 =	vld.idx.msk [tilespmem:v34+s21+$0x0], $0xffff  }
0x250: {  	v4 =	vor.u32 v4, v5;
	[tilespmem:s9+$0xFFFFFE00] =	vst v19;
	v29 =	vld.idx.msk [tilespmem:v3+s21+$0x0], $0xffff  }
0x251: {  	v54 =	vor.u32 $0x80, v14;
	v20 =	vshll.u32 v24, $0x2;
	v17 =	vld.idx.msk [tilespmem:v52+s21+$0x0], $0xffff  }
0x252: {  	v6 =	vand.u32 $0x7F, v24;
	v20 =	vand.u32 $0xFFFFFE00, v20;
	v58 =	vld.idx.msk [tilespmem:v32+s21+$0x0], $0xffff  }
0x253: {  	v59 =	vor.u32 $0x80, v1;
	[tilespmem:s9+$0xFFFFFE50] =	vst v27;
	v5 =	vor.u32 v6, v20;
	v20 =	vld.idx.msk [tilespmem:v0+s21+$0x0], $0xffff  }
0x254: {  	v61 =	vor.u32 $0x80, v2;
	[tilespmem:s9+$0xFFFFFE60] =	vst v18;
	v18 =	vld.idx.msk [tilespmem:v35+s21+$0x0], $0xffff  }
0x255: {  	v43 =	vor.u32 $0x100, v7;
	v31 =	vld.idx.msk [tilespmem:v4+s21+$0x0], $0xffff  }
0x256: {  	s22 =	simm.s32 $0x180;
	v45 =	vor.u32 $0x100, v9;
	v63 =	vld.idx.msk [tilespmem:v54+s21+$0x0], $0xffff;
	[tilespmem:s9+$0x10] =	vst v51  }
0x257: {  	[tilespmem:s9+$0x1F0] =	vst v8;
	v8 =	vld [tilespmem:s22+$0x0]  }
0x258: {  	v48 =	vshll.u32 v25, $0x2;
	[tilespmem:s9+$0x20] =	vst v53;
	v40 =	vld.idx.msk [tilespmem:v59+s21+$0x0], $0xffff  }
0x259: {  	v50 =	vand.u32 $0x7F, v25;
	v21 =	vand.u32 $0xFFFFFE00, v48;
	[tilespmem:s9+$0xFFFFFE90] =	vst v55;
	v42 =	vld.idx.msk [tilespmem:v61+s21+$0x0], $0xffff  }
0x25a: {  	v6 =	vor.u32 v50, v21;
	[tilespmem:s9+$0xFFFFFEA0] =	vst v16;
	v16 =	vld.idx.msk [tilespmem:v43+s21+$0x0], $0xffff  }
0x25b: {  	v56 =	vor.u32 $0x80, v15;
	v52 =	vld.idx.msk [tilespmem:v45+s21+$0x0], $0xffff  }
0x25c: {  	v62 =	vor.u32 $0x80, v3;
	v43 =	vld [tilespmem:s22+$0xFFFFFFF0]  }
0x25d: {  	v41 =	vor.u32 $0x100, v11;
	v45 =	vld [tilespmem:s22+$0x20]  }
0x25e: {  	v46 =	vor.u32 $0x100, v10;
	[tilespmem:s9+$0xFFFFFE70] =	vst v49;
	v33 =	vld.idx.msk [tilespmem:v5+s21+$0x0], $0xffff  }
0x25f: {  	[tilespmem:s9+$0x30] =	vst v29;
	v19 =	vld.idx.msk [tilespmem:v6+s21+$0x0], $0xffff  }
0x260: {  	v57 =	vor.u32 $0x80, v0;
	[tilespmem:s9+$0x0] =	vst v20;
	v20 =	vld.idx.msk [tilespmem:v56+s21+$0x0], $0xffff  }
0x261: {  	v47 =	vor.u32 $0x100, v12;
	[tilespmem:s9+$0xFFFFFE80] =	vst v17;
	v44 =	vld.idx.msk [tilespmem:v62+s21+$0x0], $0xffff  }
0x262: {  	v48 =	vor.u32 $0x100, v13;
	[tilespmem:s9+$0xFFFFFEB0] =	vst v58;
	v49 =	vld.idx.msk [tilespmem:v41+s21+$0x0], $0xffff  }
0x263: {  	v36 =	vor.u32 $0x80, v4;
	v54 =	vld.idx.msk [tilespmem:v46+s21+$0x0], $0xffff  }
0x264: {  	v46 =	vld [tilespmem:s22+$0x30]  }
0x265: {  	[tilespmem:s9+$0xFFFFFEC0] =	vst v60;
	v38 =	vld.idx.msk [tilespmem:v57+s21+$0x0], $0xffff  }
0x266: {  	[tilespmem:s9+$0xFFFFFED0] =	vst v18;
	v18 =	vld.idx.msk [tilespmem:v47+s21+$0x0], $0xffff  }
0x267: {  	v50 =	vor.u32 $0x100, v14;
	[tilespmem:s9+$0x40] =	vst v31;
	v57 =	vld.idx.msk [tilespmem:v48+s21+$0x0], $0xffff  }
0x268: {  	v55 =	vor.u32 $0x100, v1;
	[tilespmem:s9+$0xFFFFFEE0] =	vst v63;
	v24 =	vld.idx.msk [tilespmem:v36+s21+$0x0], $0xffff  }
0x269: {  	v56 =	vor.u32 $0x100, v2;
	[tilespmem:s9+$0xFFFFFF10] =	vst v16;
	v16 =	vld [tilespmem:s22+$0x70]  }
0x26a: {  	v7 =	vor.u32 $0x180, v7;
	[tilespmem:s9+$0x90] =	vst v40;
	v40 =	vld [tilespmem:s22+$0xFFFFFFD0]  }
0x26b: {  	v9 =	vor.u32 $0x180, v9;
	[tilespmem:s9+$0xA0] =	vst v42;
	v42 =	vld [tilespmem:s22+$0xFFFFFFE0]  }
0x26c: {  	[tilespmem:s9+$0xFFFFFEF0] =	vst v20;
	v20 =	vld.idx.msk [tilespmem:v50+s21+$0x0], $0xffff  }
0x26d: {  	[tilespmem:s9+$0x50] =	vst v33;
	v33 =	vld.idx.msk [tilespmem:v55+s21+$0x0], $0xffff  }
0x26e: {  	v37 =	vor.u32 $0x80, v5;
	v28 =	vld.idx.msk [tilespmem:v56+s21+$0x0], $0xffff  }
0x26f: {  	v39 =	vor.u32 $0x80, v6;
	[tilespmem:s9+$0xFFFFFF20] =	vst v52;
	v7 =	vld.idx.msk [tilespmem:v7+s21+$0x0], $0xffff  }
0x270: {  	v51 =	vor.u32 $0x100, v15;
	v9 =	vld.idx.msk [tilespmem:v9+s21+$0x0], $0xffff  }
0x271: {  	v58 =	vor.u32 $0x100, v3;
	[tilespmem:s9+$0xB0] =	vst v44;
	v44 =	vld [tilespmem:s22+$0x10]  }
0x272: {  	v11 =	vor.u32 $0x180, v11;
	v50 =	vld [tilespmem:s22+$0xFFFFFF80]  }
0x273: {  	v10 =	vor.u32 $0x180, v10;
	[tilespmem:s9+$0x60] =	vst v19;
	v19 =	vld.idx.msk [tilespmem:v37+s21+$0x0], $0xffff  }
0x274: {  	v17 =	vld.idx.msk [tilespmem:v39+s21+$0x0], $0xffff  }
0x275: {  	v60 =	vld.idx.msk [tilespmem:v51+s21+$0x0], $0xffff  }
0x276: {  	[tilespmem:s9+$0xFFFFFF00] =	vst v49;
	v36 =	vld.idx.msk [tilespmem:v58+s21+$0x0], $0xffff  }
0x277: {  	v53 =	vor.u32 $0x100, v0;
	[tilespmem:s9+$0xFFFFFF30] =	vst v54;
	v11 =	vld.idx.msk [tilespmem:v11+s21+$0x0], $0xffff  }
0x278: {  	v10 =	vld.idx.msk [tilespmem:v10+s21+$0x0], $0xffff  }
0x279: {  	v12 =	vor.u32 $0x180, v12;
	[tilespmem:s9+$0x80] =	vst v38;
	v38 =	vld [tilespmem:s22+$0xFFFFFFB0]  }
0x27a: {  	v13 =	vor.u32 $0x180, v13;
	v39 =	vld [tilespmem:s22+$0xFFFFFFC0];
	[tilespmem:s9+$0xFFFFFF40] =	vst v18  }
0x27b: {  	v51 =	vld [tilespmem:s22+$0x60];
	[tilespmem:s9+$0xFFFFFF50] =	vst v57  }
0x27c: {  	v59 =	vor.u32 $0x100, v4;
	v62 =	vld.idx.msk [tilespmem:v53+s21+$0x0], $0xffff;
	[tilespmem:s9+$0xC0] =	vst v24  }
0x27d: {  	v14 =	vor.u32 $0x180, v14;
	v18 =	vld [tilespmem:s22+$0xFFFFFF90];
	[tilespmem:s9+$0xFFFFFF60] =	vst v20  }
0x27e: {  	v1 =	vor.u32 $0x180, v1;
	v12 =	vld.idx.msk [tilespmem:v12+s21+$0x0], $0xffff;
	[tilespmem:s9+$0x110] =	vst v33  }
0x27f: {  	v2 =	vor.u32 $0x180, v2;
	v13 =	vld.idx.msk [tilespmem:v13+s21+$0x0], $0xffff;
	[tilespmem:s9+$0x120] =	vst v28  }
0x280: {  	v61 =	vor.u32 $0x100, v5;
	v20 =	vld [tilespmem:s22+$0xFFFFFFA0];
	[tilespmem:s9+$0xFFFFFF90] =	vst v7  }
0x281: {  	v63 =	vor.u32 $0x100, v6;
	[tilespmem:s9+$0xD0] =	vst v19;
	v19 =	vld.idx.msk [tilespmem:v59+s21+$0x0], $0xffff  }
0x282: {  	v15 =	vor.u32 $0x180, v15;
	[tilespmem:s9+$0xFFFFFFA0] =	vst v9;
	v14 =	vld.idx.msk [tilespmem:v14+s21+$0x0], $0xffff  }
0x283: {  	v0 =	vor.u32 $0x180, v0;
	v41 =	vshll.u32 v16, $0x2;
	[tilespmem:s9+$0xE0] =	vst v17;
	v53 =	vld.idx.msk [tilespmem:v1+s21+$0x0], $0xffff  }
0x284: {  	v3 =	vor.u32 $0x180, v3;
	v16 =	vand.u32 $0x7F, v16;
	v27 =	vand.u32 $0xFFFFFE00, v41;
	[tilespmem:s9+$0xFFFFFF70] =	vst v60;
	v54 =	vld.idx.msk [tilespmem:v2+s21+$0x0], $0xffff  }
0x285: {  	v4 =	vor.u32 $0x180, v4;
	v6 =	vor.u32 $0x180, v6;
	v16 =	vor.u32 v16, v27;
	[tilespmem:s9+$0x130] =	vst v36;
	v17 =	vld.idx.msk [tilespmem:v61+s21+$0x0], $0xffff  }
0x286: {  	v49 =	vor.u32 $0x180, v5;
	v55 =	vshll.u32 v43, $0x2;
	v57 =	vand.u32 $0x7F, v43;
	[tilespmem:s9+$0xFFFFFF80] =	vst v11;
	v37 =	vld.idx.msk [tilespmem:v63+s21+$0x0], $0xffff  }
0x287: {  	v21 =	vand.u32 $0x7F, v38;
	v22 =	vand.u32 $0x7F, v39;
	v1 =	vand.u32 $0x7F, v50;
	v15 =	vld.idx.msk [tilespmem:v15+s21+$0x0], $0xffff;
	[tilespmem:s9+$0x100] =	vst v62  }
0x288: {  	[tilespmem:s9+$0xFFFFFFB0] =	vst v10;
	v60 =	vand.u32 $0x7F, v8;
	v48 =	vor.u32 $0x80, v16;
	v5 =	vshll.u32 v18, $0x2;
	v52 =	vld.idx.msk [tilespmem:v0+s21+$0x0], $0xffff  }
0x289: {  	v18 =	vand.u32 $0x7F, v18;
	v5 =	vand.u32 $0xFFFFFE00, v5;
	v0 =	vshll.u32 v39, $0x2;
	[tilespmem:s9+$0xFFFFFFC0] =	vst v12;
	v12 =	vld.idx.msk [tilespmem:v3+s21+$0x0], $0xffff  }
0x28a: {  	v3 =	vshll.u32 v42, $0x2;
	v9 =	vand.u32 $0xFFFFFE00, v0;
	v0 =	vshll.u32 v40, $0x2;
	[tilespmem:s9+$0xFFFFFFD0] =	vst v13;
	v47 =	vld.idx.msk [tilespmem:v16+s21+$0x0], $0xffff  }
0x28b: {  	v2 =	vor.u32 v18, v5;
	v10 =	vand.u32 $0xFFFFFE00, v0;
	v0 =	vshll.u32 v50, $0x2;
	[tilespmem:s9+$0x140] =	vst v19;
	v19 =	vld [tilespmem:s22+$0x40]  }
0x28c: {  	v11 =	vshll.u32 v20, $0x2;
	v20 =	vand.u32 $0x7F, v20;
	v0 =	vand.u32 $0xFFFFFE00, v0;
	[tilespmem:s9+$0x150] =	vst v17;
	v17 =	vld [tilespmem:s22+$0x50]  }
0x28d: {  	v7 =	vand.u32 $0xFFFFFE00, v11;
	v11 =	vshll.u32 v38, $0x2;
	[tilespmem:s9+$0xFFFFFFE0] =	vst v14;
	v18 =	vld.idx.msk [tilespmem:v4+s21+$0x0], $0xffff;
	v5 =	vor.u32 v1, v0  }
0x28e: {  	v14 =	vand.u32 $0xFFFFFE00, v3;
	[tilespmem:s9+$0x160] =	vst v37;
	v11 =	vand.u32 $0xFFFFFE00, v11;
	v3 =	vor.u32 v20, v7;
	v0 =	vld.idx.msk [tilespmem:v49+s21+$0x0], $0xffff  }
0x28f: {  	s7 =	simm.s32 $0x11600;
	v13 =	vand.u32 $0x7F, v40;
	v7 =	vshll.u32 v8, $0x2;
	[tilespmem:s9+$0xFFFFFFF0] =	vst v15;
	v4 =	vor.u32 v21, v11;
	v1 =	vld.idx.msk [tilespmem:v6+s21+$0x0], $0xffff  }
0x290: {  	v15 =	vand.u32 $0xFFFFFE00, v7;
	v6 =	vor.u32 v22, v9;
	v7 =	vor.u32 v13, v10;
	v13 =	vld.idx.msk [tilespmem:v2+s21+$0x0], $0xffff;
	[tilespmem:s7+$0x70] =	vst v47  }
0x291: {  	v36 =	vor.u32 $0x100, v16;
	v35 =	vor.u32 $0x80, v2;
	[tilespmem:s9+$0x190] =	vst v53;
	v20 =	vand.u32 $0x7F, v42;
	v29 =	vld.idx.msk [tilespmem:v48+s21+$0x0], $0xffff  }
0x292: {  	[tilespmem:s9+$0x1A0] =	vst v54;
	v11 =	vand.u32 $0xFFFFFE00, v55;
	v9 =	vshll.u32 v44, $0x2;
	v8 =	vor.u32 v20, v14;
	v59 =	vld.idx.msk [tilespmem:v5+s21+$0x0], $0xffff  }
0x293: {  	[tilespmem:s9+$0x180] =	vst v52;
	v58 =	vand.u32 $0xFFFFFE00, v9;
	v9 =	vshll.u32 v45, $0x2;
	v10 =	vor.u32 v57, v11;
	v20 =	vld.idx.msk [tilespmem:v3+s21+$0x0], $0xffff  }
0x294: {  	v14 =	vand.u32 $0x7F, v44;
	[tilespmem:s9+$0x1B0] =	vst v12;
	v61 =	vand.u32 $0xFFFFFE00, v9;
	v9 =	vshll.u32 v46, $0x2;
	v62 =	vld.idx.msk [tilespmem:v4+s21+$0x0], $0xffff  }
0x295: {  	v12 =	vand.u32 $0x7F, v45;
	v63 =	vand.u32 $0xFFFFFE00, v9;
	v9 =	vor.u32 v60, v15;
	[tilespmem:s9+$0x1C0] =	vst v18;
	v30 =	vld.idx.msk [tilespmem:v6+s21+$0x0], $0xffff  }
0x296: {  	v11 =	vor.u32 v14, v58;
	v15 =	vand.u32 $0x7F, v46;
	v18 =	vshll.u32 v19, $0x2;
	v31 =	vld.idx.msk [tilespmem:v7+s21+$0x0], $0xffff;
	[tilespmem:s7+$0xFFFFFE10] =	vst v13  }
0x297: {  	v14 =	vand.u32 $0x7F, v19;
	v12 =	vor.u32 v12, v61;
	v18 =	vand.u32 $0xFFFFFE00, v18;
	v32 =	vld.idx.msk [tilespmem:v8+s21+$0x0], $0xffff;
	[tilespmem:s7+$0xF0] =	vst v29  }
0x298: {  	v13 =	vor.u32 v15, v63;
	v14 =	vor.u32 v14, v18;
	v18 =	vld.idx.msk [tilespmem:v10+s21+$0x0], $0xffff;
	[tilespmem:s7+$0xFFFFFE00] =	vst v59  }
0x299: {  	v24 =	vld.idx.msk [tilespmem:v35+s21+$0x0], $0xffff;
	[tilespmem:s7+$0xFFFFFE20] =	vst v20  }
0x29a: {  	v38 =	vor.u32 $0x80, v6;
	v33 =	vld.idx.msk [tilespmem:v9+s21+$0x0], $0xffff;
	[tilespmem:s7+$0xFFFFFE30] =	vst v62  }
0x29b: {  	v40 =	vor.u32 $0x80, v7;
	v56 =	vld.idx.msk [tilespmem:v36+s21+$0x0], $0xffff;
	[tilespmem:s7+$0xFFFFFE40] =	vst v30  }
0x29c: {  	v16 =	vor.u32 $0x180, v16;
	v34 =	vld.idx.msk [tilespmem:v12+s21+$0x0], $0xffff;
	[tilespmem:s7+$0xFFFFFE50] =	vst v31  }
0x29d: {  	v37 =	vor.u32 $0x80, v4;
	[tilespmem:s7+$0xFFFFFE60] =	vst v32;
	v25 =	vld.idx.msk [tilespmem:v13+s21+$0x0], $0xffff  }
0x29e: {  	v41 =	vor.u32 $0x80, v10;
	v36 =	vld.idx.msk [tilespmem:v14+s21+$0x0], $0xffff;
	[tilespmem:s7+$0xFFFFFE70] =	vst v18  }
0x29f: {  	v27 =	vld.idx.msk [tilespmem:v38+s21+$0x0], $0xffff;
	[tilespmem:s7+$0xFFFFFE90] =	vst v24  }
0x2a0: {  	v48 =	vor.u32 $0x100, v2;
	v28 =	vld.idx.msk [tilespmem:v40+s21+$0x0], $0xffff;
	[tilespmem:s7+$0x170] =	vst v56  }
0x2a1: {  	v44 =	vor.u32 $0x80, v13;
	[tilespmem:s7+$0x0] =	vst v33;
	v19 =	vld.idx.msk [tilespmem:v16+s21+$0x0], $0xffff;
	v16 =	vand.u32 $0x7F, v17;
	v17 =	vshll.u32 v17, $0x2  }
0x2a2: {  	v52 =	vor.u32 $0x100, v7;
	v26 =	vld.idx.msk [tilespmem:v37+s21+$0x0], $0xffff;
	[tilespmem:s7+$0x20] =	vst v34;
	v15 =	vand.u32 $0xFFFFFE00, v17;
	v17 =	vshll.u32 v51, $0x2  }
0x2a3: {  	v20 =	vand.u32 $0x7F, v51;
	v23 =	vld.idx.msk [tilespmem:v41+s21+$0x0], $0xffff;
	[tilespmem:s7+$0x30] =	vst v25;
	v51 =	vor.u32 $0x100, v6;
	v17 =	vand.u32 $0xFFFFFE00, v17  }
0x2a4: {  	[tilespmem:s7+$0x40] =	vst v36;
	v15 =	vor.u32 v16, v15;
	v16 =	vor.u32 v20, v17;
	v17 =	vld.idx.msk [tilespmem:v11+s21+$0x0], $0xffff;
	v20 =	vor.u32 $0x80, v5  }
0x2a5: {  	[tilespmem:s7+$0xFFFFFEC0] =	vst v27;
	v27 =	vld.idx.msk [tilespmem:v48+s21+$0x0], $0xffff  }
0x2a6: {  	v2 =	vor.u32 $0x180, v2;
	[tilespmem:s7+$0xFFFFFED0] =	vst v28;
	v22 =	vld.idx.msk [tilespmem:v44+s21+$0x0], $0xffff  }
0x2a7: {  	[tilespmem:s7+$0xFFFFFEB0] =	vst v26;
	v25 =	vld.idx.msk [tilespmem:v52+s21+$0x0], $0xffff  }
0x2a8: {  	[tilespmem:s7+$0x1F0] =	vst v19;
	v19 =	vor.u32 $0x80, v3;
	v24 =	vld.idx.msk [tilespmem:v51+s21+$0x0], $0xffff  }
0x2a9: {  	v20 =	vld.idx.msk [tilespmem:v20+s21+$0x0], $0xffff;
	[tilespmem:s7+$0x10] =	vst v17;
	v17 =	vor.u32 $0x80, v8  }
0x2aa: {  	v43 =	vor.u32 $0x80, v11;
	[tilespmem:s7+$0xFFFFFF10] =	vst v27;
	v18 =	vld.idx.msk [tilespmem:v15+s21+$0x0], $0xffff  }
0x2ab: {  	[tilespmem:s7+$0xFFFFFEF0] =	vst v23;
	v45 =	vor.u32 $0x80, v15;
	v63 =	vld.idx.msk [tilespmem:v2+s21+$0x0], $0xffff  }
0x2ac: {  	v47 =	vor.u32 $0x100, v5;
	[tilespmem:s7+$0xB0] =	vst v22;
	v39 =	vld.idx.msk [tilespmem:v16+s21+$0x0], $0xffff  }
0x2ad: {  	v42 =	vor.u32 $0x80, v9;
	[tilespmem:s7+$0xFFFFFF50] =	vst v25;
	v19 =	vld.idx.msk [tilespmem:v19+s21+$0x0], $0xffff  }
0x2ae: {  	[tilespmem:s7+$0xFFFFFE80] =	vst v20;
	v17 =	vld.idx.msk [tilespmem:v17+s21+$0x0], $0xffff;
	v20 =	vor.u32 $0x80, v14  }
0x2af: {  	v49 =	vor.u32 $0x100, v3;
	v21 =	vld.idx.msk [tilespmem:v43+s21+$0x0], $0xffff;
	[tilespmem:s7+$0x50] =	vst v18  }
0x2b0: {  	v7 =	vor.u32 $0x180, v7;
	[tilespmem:s7+$0xFFFFFF40] =	vst v24;
	v50 =	vld.idx.msk [tilespmem:v45+s21+$0x0], $0xffff  }
0x2b1: {  	[tilespmem:s7+$0xFFFFFF90] =	vst v63;
	v18 =	vor.u32 $0x80, v12;
	v26 =	vld.idx.msk [tilespmem:v47+s21+$0x0], $0xffff  }
0x2b2: {  	v46 =	vor.u32 $0x80, v16;
	[tilespmem:s7+$0xFFFFFEA0] =	vst v19;
	v19 =	vld.idx.msk [tilespmem:v42+s21+$0x0], $0xffff  }
0x2b3: {  	[tilespmem:s7+$0xFFFFFEE0] =	vst v17;
	v17 =	vld.idx.msk [tilespmem:v20+s21+$0x0], $0xffff;
	v20 =	vor.u32 $0x100, v4  }
0x2b4: {  	v53 =	vor.u32 $0x100, v8;
	v54 =	vor.u32 $0x100, v9;
	[tilespmem:s7+$0x60] =	vst v39;
	v28 =	vld.idx.msk [tilespmem:v49+s21+$0x0], $0xffff  }
0x2b5: {  	v62 =	vor.u32 $0x180, v8;
	v57 =	vor.u32 $0x100, v15;
	v8 =	vor.u32 $0x180, v9;
	v9 =	vld.idx.msk [tilespmem:v7+s21+$0x0], $0xffff;
	[tilespmem:s7+$0x90] =	vst v21  }
0x2b6: {  	v5 =	vor.u32 $0x180, v5;
	v18 =	vld.idx.msk [tilespmem:v18+s21+$0x0], $0xffff;
	[tilespmem:s7+$0xD0] =	vst v50  }
0x2b7: {  	[tilespmem:s7+$0x80] =	vst v19;
	v19 =	vld.idx.msk [tilespmem:v46+s21+$0x0], $0xffff  }
0x2b8: {  	v55 =	vor.u32 $0x100, v12;
	[tilespmem:s7+$0xFFFFFF00] =	vst v26;
	v20 =	vld.idx.msk [tilespmem:v20+s21+$0x0], $0xffff  }
0x2b9: {  	v56 =	vor.u32 $0x100, v14;
	v21 =	vld.idx.msk [tilespmem:v53+s21+$0x0], $0xffff;
	[tilespmem:s7+$0xFFFFFF20] =	vst v28  }
0x2ba: {  	v60 =	vld.idx.msk [tilespmem:v57+s21+$0x0], $0xffff;
	[tilespmem:s7+$0xC0] =	vst v17;
	v17 =	vor.u32 $0x100, v11  }
0x2bb: {  	v5 =	vld.idx.msk [tilespmem:v5+s21+$0x0], $0xffff;
	[tilespmem:s7+$0xA0] =	vst v18;
	v18 =	vor.u32 $0x100, v10  }
0x2bc: {  	v58 =	vor.u32 $0x100, v16;
	v22 =	vld.idx.msk [tilespmem:v54+s21+$0x0], $0xffff;
	[tilespmem:s7+$0xE0] =	vst v19  }
0x2bd: {  	v19 =	vor.u32 $0x100, v13;
	[tilespmem:s7+$0xFFFFFF30] =	vst v20;
	v20 =	vld.idx.msk [tilespmem:v55+s21+$0x0], $0xffff  }
0x2be: {  	v3 =	vor.u32 $0x180, v3;
	[tilespmem:s7+$0xFFFFFF60] =	vst v21;
	v59 =	vld.idx.msk [tilespmem:v56+s21+$0x0], $0xffff  }
0x2bf: {  	v4 =	vor.u32 $0x180, v4;
	[tilespmem:s7+$0x150] =	vst v60;
	v17 =	vld.idx.msk [tilespmem:v17+s21+$0x0], $0xffff  }
0x2c0: {  	v6 =	vor.u32 $0x180, v6;
	[tilespmem:s7+$0xFFFFFF80] =	vst v5;
	v18 =	vld.idx.msk [tilespmem:v18+s21+$0x0], $0xffff  }
0x2c1: {  	[tilespmem:s7+$0x100] =	vst v22;
	v61 =	vld.idx.msk [tilespmem:v58+s21+$0x0], $0xffff  }
0x2c2: {  	v19 =	vld.idx.msk [tilespmem:v19+s21+$0x0], $0xffff;
	[tilespmem:s7+$0x120] =	vst v20;
	v20 =	vor.u32 $0x180, v10  }
0x2c3: {  	[tilespmem:s7+$0x140] =	vst v59;
	v10 =	vld.idx.msk [tilespmem:v3+s21+$0x0], $0xffff  }
0x2c4: {  	[tilespmem:s7+$0x110] =	vst v17;
	v17 =	vld.idx.msk [tilespmem:v4+s21+$0x0], $0xffff  }
0x2c5: {  	[tilespmem:s7+$0xFFFFFF70] =	vst v18;
	v18 =	vld.idx.msk [tilespmem:v6+s21+$0x0], $0xffff  }
0x2c6: {  	v2 =	vor.u32 $0x180, v16;
	v7 =	vor.u32 $0x180, v11;
	v11 =	vld.idx.msk [tilespmem:v62+s21+$0x0], $0xffff;
	v5 =	vor.u32 $0x180, v14;
	[tilespmem:s7+$0x160] =	vst v61  }
0x2c7: {  	s2 =	simm.s32 $0x280;
	s15 =	simm.s32 $0x100;
	v6 =	vor.u32 $0x180, v12;
	v4 =	vor.u32 $0x180, v13;
	v3 =	vor.u32 $0x180, v15;
	[tilespmem:s7+$0x130] =	vst v19;
	v12 =	vld.idx.msk [tilespmem:v20+s21+$0x0], $0xffff  }
.LBB2_7:
0x2c8: {  	v13 =	vld [tilespmem:s2+$0x70];
	s15 =	sadd.s32 $0x100, s15;
	[tilespmem:s7+$0xFFFFFFA0] =	vst v10  }
0x2c9: {  	v10 =	vld [tilespmem:s2+$0xFFFFFF90];
	p1 =	slt.u32 s15, $0xF00;
	[tilespmem:s7+$0xFFFFFFB0] =	vst v17  }
0x2ca: {  	v14 =	vld [tilespmem:s2+$0xFFFFFFA0];
	[tilespmem:s7+$0xFFFFFFC0] =	vst v18  }
0x2cb: {  	v15 =	vld [tilespmem:s2+$0xFFFFFFB0];
	[tilespmem:s7+$0xFFFFFFD0] =	vst v9  }
0x2cc: {  	v9 =	vld [tilespmem:s2+$0xFFFFFFC0];
	[tilespmem:s7+$0xFFFFFFE0] =	vst v11  }
0x2cd: {  	v11 =	vld [tilespmem:s2+$0xFFFFFFD0];
	v16 =	vshll.u32 v13, $0x2;
	[tilespmem:s7+$0xFFFFFFF0] =	vst v12  }
0x2ce: {  	v13 =	vand.u32 $0x7F, v13;
	v12 =	vshll.u32 v10, $0x2;
	v17 =	vld [tilespmem:s2+$0xFFFFFFE0];
	v16 =	vand.u32 $0xFFFFFE00, v16;
	[tilespmem:s9+$0x1D0] =	vst v0  }
0x2cf: {  	v0 =	vand.u32 $0xFFFFFE00, v12;
	v12 =	vshll.u32 v14, $0x2;
	v18 =	vld [tilespmem:s2+$0xFFFFFFF0];
	v13 =	vor.u32 v13, v16;
	[tilespmem:s9+$0x1E0] =	vst v1;
	s9 =	smov.u32 s7  }
0x2d0: {  	v1 =	vand.u32 $0x7F, v10;
	v10 =	vand.u32 $0xFFFFFE00, v12;
	v12 =	vshll.u32 v15, $0x2;
	v16 =	vld [tilespmem:s2+$0x0]  }
0x2d1: {  	v14 =	vand.u32 $0x7F, v14;
	v12 =	vand.u32 $0xFFFFFE00, v12;
	v19 =	vshll.u32 v9, $0x2;
	v20 =	vld [tilespmem:s2+$0x10]  }
0x2d2: {  	v15 =	vand.u32 $0x7F, v15;
	v19 =	vand.u32 $0xFFFFFE00, v19;
	v21 =	vshll.u32 v11, $0x2;
	v22 =	vld [tilespmem:s2+$0x20]  }
0x2d3: {  	v9 =	vand.u32 $0x7F, v9;
	v21 =	vand.u32 $0xFFFFFE00, v21;
	v23 =	vshll.u32 v17, $0x2;
	v24 =	vld [tilespmem:s2+$0x30]  }
0x2d4: {  	v11 =	vand.u32 $0x7F, v11;
	v23 =	vand.u32 $0xFFFFFE00, v23;
	v25 =	vshll.u32 v18, $0x2;
	v26 =	vld.idx.msk [tilespmem:v13+s21+$0x0], $0xffff  }
0x2d5: {  	v17 =	vand.u32 $0x7F, v17;
	v25 =	vand.u32 $0xFFFFFE00, v25;
	v27 =	vshll.u32 v16, $0x2;
	v28 =	vld [tilespmem:s2+$0x40]  }
0x2d6: {  	v31 =	vor.u32 $0x80, v13;
	v27 =	vand.u32 $0xFFFFFE00, v27;
	v29 =	vshll.u32 v20, $0x2;
	v30 =	vld [tilespmem:s2+$0x50]  }
0x2d7: {  	v18 =	vand.u32 $0x7F, v18;
	v29 =	vand.u32 $0xFFFFFE00, v29;
	v32 =	vshll.u32 v22, $0x2;
	v33 =	vld [tilespmem:s2+$0x60]  }
0x2d8: {  	v16 =	vand.u32 $0x7F, v16;
	v34 =	vld [tilespmem:s2+$0xFFFFFF80];
	v32 =	vand.u32 $0xFFFFFE00, v32;
	v35 =	vshll.u32 v24, $0x2  }
0x2d9: {  	s7 =	sadd.s32 $0x400, s7;
	v20 =	vand.u32 $0x7F, v20;
	v22 =	vand.u32 $0x7F, v22;
	v35 =	vand.u32 $0xFFFFFE00, v35;
	v8 =	vld.idx.msk [tilespmem:v8+s21+$0x0], $0xffff  }
0x2da: {  	v24 =	vand.u32 $0x7F, v24;
	v36 =	vand.u32 $0x7F, v28;
	v28 =	vshll.u32 v28, $0x2;
	[tilespmem:s7+$0x70] =	vst v26;
	v7 =	vld.idx.msk [tilespmem:v7+s21+$0x0], $0xffff  }
0x2db: {  	v26 =	vand.u32 $0xFFFFFE00, v28;
	v28 =	vand.u32 $0x7F, v30;
	v30 =	vshll.u32 v30, $0x2;
	v31 =	vld.idx.msk [tilespmem:v31+s21+$0x0], $0xffff  }
0x2dc: {  	v30 =	vand.u32 $0xFFFFFE00, v30;
	v37 =	vand.u32 $0x7F, v33;
	v33 =	vshll.u32 v33, $0x2;
	v6 =	vld.idx.msk [tilespmem:v6+s21+$0x0], $0xffff  }
0x2dd: {  	v39 =	vor.u32 $0x100, v13;
	v38 =	vshll.u32 v34, $0x2;
	v33 =	vand.u32 $0xFFFFFE00, v33;
	v4 =	vld.idx.msk [tilespmem:v4+s21+$0x0], $0xffff  }
0x2de: {  	v40 =	vor.u32 v1, v0;
	v34 =	vand.u32 $0x7F, v34;
	v38 =	vand.u32 $0xFFFFFE00, v38;
	v5 =	vld.idx.msk [tilespmem:v5+s21+$0x0], $0xffff  }
0x2df: {  	v10 =	vor.u32 v14, v10;
	v12 =	vor.u32 v15, v12;
	v34 =	vor.u32 v34, v38;
	v0 =	vld.idx.msk [tilespmem:v3+s21+$0x0], $0xffff  }
0x2e0: {  	v3 =	vor.u32 v9, v19;
	v9 =	vor.u32 v11, v21;
	v11 =	vor.u32 v17, v23;
	v1 =	vld.idx.msk [tilespmem:v2+s21+$0x0], $0xffff  }
0x2e1: {  	v14 =	vor.u32 v16, v27;
	v15 =	vor.u32 v20, v29;
	v2 =	vor.u32 v18, v25;
	[tilespmem:s7+$0xF0] =	vst v31  }
0x2e2: {  	v16 =	vor.u32 v22, v32;
	v17 =	vor.u32 v24, v35;
	v18 =	vor.u32 v36, v26;
	v19 =	vld.idx.msk [tilespmem:v39+s21+$0x0], $0xffff  }
0x2e3: {  	v22 =	vor.u32 v28, v30;
	v23 =	vor.u32 v37, v33;
	v20 =	vor.u32 $0x80, v34;
	v21 =	vld.idx.msk [tilespmem:v40+s21+$0x0], $0xffff;
	[tilespmem:s9+$0x180] =	vst v8  }
0x2e4: {  	v13 =	vor.u32 $0x180, v13;
	v24 =	vor.u32 $0x80, v40;
	v25 =	vor.u32 $0x80, v10;
	v8 =	vld.idx.msk [tilespmem:v34+s21+$0x0], $0xffff;
	[tilespmem:s9+$0x190] =	vst v7  }
0x2e5: {  	v26 =	vor.u32 $0x80, v12;
	v27 =	vor.u32 $0x80, v3;
	v28 =	vor.u32 $0x80, v9;
	v7 =	vld.idx.msk [tilespmem:v10+s21+$0x0], $0xffff;
	[tilespmem:s9+$0x1A0] =	vst v6  }
0x2e6: {  	v29 =	vor.u32 $0x80, v11;
	v30 =	vor.u32 $0x80, v2;
	v31 =	vor.u32 $0x80, v14;
	v6 =	vld.idx.msk [tilespmem:v12+s21+$0x0], $0xffff;
	[tilespmem:s9+$0x1B0] =	vst v4  }
0x2e7: {  	v32 =	vor.u32 $0x80, v15;
	v33 =	vor.u32 $0x80, v16;
	v35 =	vor.u32 $0x80, v17;
	v4 =	vld.idx.msk [tilespmem:v3+s21+$0x0], $0xffff;
	[tilespmem:s9+$0x1C0] =	vst v5  }
0x2e8: {  	v37 =	vor.u32 $0x80, v22;
	v38 =	vor.u32 $0x80, v23;
	v36 =	vor.u32 $0x80, v18;
	v5 =	vld.idx.msk [tilespmem:v9+s21+$0x0], $0xffff;
	[tilespmem:s7+$0x170] =	vst v19  }
0x2e9: {  	v39 =	vor.u32 $0x100, v10;
	v19 =	vor.u32 $0x100, v34;
	[tilespmem:s7+$0xFFFFFE10] =	vst v21;
	v21 =	vor.u32 $0x100, v40;
	v13 =	vld.idx.msk [tilespmem:v13+s21+$0x0], $0xffff  }
0x2ea: {  	v41 =	vor.u32 $0x100, v12;
	v42 =	vor.u32 $0x100, v3;
	v43 =	vor.u32 $0x100, v9;
	[tilespmem:s7+$0xFFFFFE00] =	vst v8;
	v8 =	vld.idx.msk [tilespmem:v11+s21+$0x0], $0xffff  }
0x2eb: {  	v46 =	vor.u32 $0x100, v14;
	v44 =	vor.u32 $0x100, v11;
	v45 =	vor.u32 $0x100, v2;
	[tilespmem:s7+$0xFFFFFE20] =	vst v7;
	v7 =	vld.idx.msk [tilespmem:v2+s21+$0x0], $0xffff  }
0x2ec: {  	v48 =	vor.u32 $0x100, v15;
	v49 =	vor.u32 $0x100, v16;
	v50 =	vor.u32 $0x100, v17;
	[tilespmem:s7+$0xFFFFFE30] =	vst v6;
	v47 =	vld.idx.msk [tilespmem:v14+s21+$0x0], $0xffff  }
0x2ed: {  	v53 =	vor.u32 $0x100, v22;
	v54 =	vor.u32 $0x100, v23;
	v52 =	vor.u32 $0x100, v18;
	[tilespmem:s7+$0xFFFFFE40] =	vst v4;
	v51 =	vld.idx.msk [tilespmem:v15+s21+$0x0], $0xffff  }
0x2ee: {  	v10 =	vor.u32 $0x180, v10;
	v34 =	vor.u32 $0x180, v34;
	v40 =	vor.u32 $0x180, v40;
	[tilespmem:s7+$0xFFFFFE50] =	vst v5;
	v55 =	vld.idx.msk [tilespmem:v16+s21+$0x0], $0xffff  }
0x2ef: {  	v56 =	vor.u32 $0x180, v3;
	v12 =	vor.u32 $0x180, v12;
	v9 =	vor.u32 $0x180, v9;
	v57 =	vld.idx.msk [tilespmem:v17+s21+$0x0], $0xffff;
	[tilespmem:s7+$0x1F0] =	vst v13  }
0x2f0: {  	v11 =	vor.u32 $0x180, v11;
	v13 =	vor.u32 $0x180, v2;
	[tilespmem:s7+$0xFFFFFE60] =	vst v8;
	v8 =	vor.u32 $0x180, v14;
	v14 =	vld.idx.msk [tilespmem:v18+s21+$0x0], $0xffff  }
0x2f1: {  	v6 =	vor.u32 $0x180, v16;
	v4 =	vor.u32 $0x180, v17;
	[tilespmem:s7+$0xFFFFFE70] =	vst v7;
	v7 =	vor.u32 $0x180, v15;
	v15 =	vld.idx.msk [tilespmem:v22+s21+$0x0], $0xffff  }
0x2f2: {  	v3 =	vor.u32 $0x180, v22;
	v5 =	vor.u32 $0x180, v18;
	v2 =	vor.u32 $0x180, v23;
	[tilespmem:s7+$0x0] =	vst v47;
	v16 =	vld.idx.msk [tilespmem:v23+s21+$0x0], $0xffff  }
0x2f3: {  	v17 =	vld.idx.msk [tilespmem:v20+s21+$0x0], $0xffff;
	[tilespmem:s7+$0x10] =	vst v51  }
0x2f4: {  	v18 =	vld.idx.msk [tilespmem:v24+s21+$0x0], $0xffff;
	[tilespmem:s7+$0x20] =	vst v55  }
0x2f5: {  	v20 =	vld.idx.msk [tilespmem:v25+s21+$0x0], $0xffff;
	[tilespmem:s7+$0x30] =	vst v57  }
0x2f6: {  	v22 =	vld.idx.msk [tilespmem:v26+s21+$0x0], $0xffff;
	[tilespmem:s7+$0x40] =	vst v14  }
0x2f7: {  	v14 =	vld.idx.msk [tilespmem:v27+s21+$0x0], $0xffff;
	[tilespmem:s7+$0x50] =	vst v15  }
0x2f8: {  	v15 =	vld.idx.msk [tilespmem:v28+s21+$0x0], $0xffff;
	[tilespmem:s7+$0x60] =	vst v16  }
0x2f9: {  	[tilespmem:s7+$0xFFFFFE80] =	vst v17;
	v16 =	vld.idx.msk [tilespmem:v29+s21+$0x0], $0xffff  }
0x2fa: {  	[tilespmem:s7+$0xFFFFFE90] =	vst v18;
	v17 =	vld.idx.msk [tilespmem:v30+s21+$0x0], $0xffff  }
0x2fb: {  	[tilespmem:s7+$0xFFFFFEA0] =	vst v20;
	v18 =	vld.idx.msk [tilespmem:v31+s21+$0x0], $0xffff  }
0x2fc: {  	[tilespmem:s7+$0xFFFFFEB0] =	vst v22;
	v20 =	vld.idx.msk [tilespmem:v32+s21+$0x0], $0xffff  }
0x2fd: {  	[tilespmem:s7+$0xFFFFFEC0] =	vst v14;
	v14 =	vld.idx.msk [tilespmem:v33+s21+$0x0], $0xffff  }
0x2fe: {  	[tilespmem:s7+$0xFFFFFED0] =	vst v15;
	v15 =	vld.idx.msk [tilespmem:v35+s21+$0x0], $0xffff  }
0x2ff: {  	[tilespmem:s7+$0xFFFFFEE0] =	vst v16;
	v16 =	vld.idx.msk [tilespmem:v36+s21+$0x0], $0xffff  }
0x300: {  	[tilespmem:s7+$0xFFFFFEF0] =	vst v17;
	v17 =	vld.idx.msk [tilespmem:v37+s21+$0x0], $0xffff  }
0x301: {  	[tilespmem:s7+$0x80] =	vst v18;
	v18 =	vld.idx.msk [tilespmem:v38+s21+$0x0], $0xffff  }
0x302: {  	v19 =	vld.idx.msk [tilespmem:v19+s21+$0x0], $0xffff;
	[tilespmem:s7+$0x90] =	vst v20  }
0x303: {  	v20 =	vld.idx.msk [tilespmem:v21+s21+$0x0], $0xffff;
	[tilespmem:s7+$0xA0] =	vst v14  }
0x304: {  	v14 =	vld.idx.msk [tilespmem:v39+s21+$0x0], $0xffff;
	[tilespmem:s7+$0xB0] =	vst v15  }
0x305: {  	v15 =	vld.idx.msk [tilespmem:v41+s21+$0x0], $0xffff;
	[tilespmem:s7+$0xC0] =	vst v16  }
0x306: {  	v16 =	vld.idx.msk [tilespmem:v42+s21+$0x0], $0xffff;
	[tilespmem:s7+$0xD0] =	vst v17  }
0x307: {  	v17 =	vld.idx.msk [tilespmem:v43+s21+$0x0], $0xffff;
	[tilespmem:s7+$0xE0] =	vst v18  }
0x308: {  	[tilespmem:s7+$0xFFFFFF00] =	vst v19;
	v18 =	vld.idx.msk [tilespmem:v44+s21+$0x0], $0xffff  }
0x309: {  	[tilespmem:s7+$0xFFFFFF10] =	vst v20;
	v19 =	vld.idx.msk [tilespmem:v45+s21+$0x0], $0xffff  }
0x30a: {  	[tilespmem:s7+$0xFFFFFF20] =	vst v14;
	v14 =	vld.idx.msk [tilespmem:v46+s21+$0x0], $0xffff  }
0x30b: {  	[tilespmem:s7+$0xFFFFFF30] =	vst v15;
	v15 =	vld.idx.msk [tilespmem:v48+s21+$0x0], $0xffff  }
0x30c: {  	[tilespmem:s7+$0xFFFFFF40] =	vst v16;
	v16 =	vld.idx.msk [tilespmem:v49+s21+$0x0], $0xffff  }
0x30d: {  	[tilespmem:s7+$0xFFFFFF50] =	vst v17;
	v17 =	vld.idx.msk [tilespmem:v50+s21+$0x0], $0xffff  }
0x30e: {  	[tilespmem:s7+$0xFFFFFF60] =	vst v18;
	v18 =	vld.idx.msk [tilespmem:v52+s21+$0x0], $0xffff  }
0x30f: {  	[tilespmem:s7+$0xFFFFFF70] =	vst v19;
	v19 =	vld.idx.msk [tilespmem:v53+s21+$0x0], $0xffff  }
0x310: {  	[tilespmem:s7+$0x100] =	vst v14;
	v14 =	vld.idx.msk [tilespmem:v54+s21+$0x0], $0xffff  }
0x311: {  	v20 =	vld.idx.msk [tilespmem:v34+s21+$0x0], $0xffff;
	[tilespmem:s7+$0x110] =	vst v15  }
0x312: {  	v15 =	vld.idx.msk [tilespmem:v40+s21+$0x0], $0xffff;
	[tilespmem:s7+$0x120] =	vst v16  }
0x313: {  	v10 =	vld.idx.msk [tilespmem:v10+s21+$0x0], $0xffff;
	[tilespmem:s7+$0x130] =	vst v17  }
.Ltmp2:
0x314: {  	v17 =	vld.idx.msk [tilespmem:v12+s21+$0x0], $0xffff;
	[tilespmem:s7+$0x140] =	vst v18;
	(pc) =	sbr.rel @p1 .LBB2_7-.Ltmp2, $4  }
0x315: {  	v18 =	vld.idx.msk [tilespmem:v56+s21+$0x0], $0xffff;
	[tilespmem:s7+$0x150] =	vst v19  }
0x316: {  	v9 =	vld.idx.msk [tilespmem:v9+s21+$0x0], $0xffff;
	[tilespmem:s7+$0x160] =	vst v14  }
0x317: {  	[tilespmem:s7+$0xFFFFFF80] =	vst v20;
	v11 =	vld.idx.msk [tilespmem:v11+s21+$0x0], $0xffff  }
0x318: {  	s2 =	sadd.s32 $0x100, s2;
	[tilespmem:s7+$0xFFFFFF90] =	vst v15;
	v12 =	vld.idx.msk [tilespmem:v13+s21+$0x0], $0xffff  }
0x319: {  	_ = 	snop  }
0x31a: {  	[tilespmem:s7+$0xFFFFFFA0] =	vst v10  }
0x31b: {  	[tilespmem:s7+$0xFFFFFFB0] =	vst v17  }
0x31c: {  	[tilespmem:s9+$0x1D0] =	vst v0  }
0x31d: {  	v8 =	vld.idx.msk [tilespmem:v8+s21+$0x0], $0xffff;
	[tilespmem:s9+$0x1E0] =	vst v1  }
0x31e: {  	v7 =	vld.idx.msk [tilespmem:v7+s21+$0x0], $0xffff;
	[tilespmem:s7+$0xFFFFFFC0] =	vst v18  }
0x31f: {  	v6 =	vld.idx.msk [tilespmem:v6+s21+$0x0], $0xffff;
	[tilespmem:s7+$0xFFFFFFD0] =	vst v9  }
0x320: {  	v0 =	vld.idx.msk [tilespmem:v4+s21+$0x0], $0xffff;
	[tilespmem:s7+$0xFFFFFFE0] =	vst v11  }
0x321: {  	v1 =	vld.idx.msk [tilespmem:v5+s21+$0x0], $0xffff;
	[tilespmem:s7+$0xFFFFFFF0] =	vst v12  }
0x322: {  	v3 =	vld.idx.msk [tilespmem:v3+s21+$0x0], $0xffff;
	[tilespmem:s7+$0x180] =	vst v8  }
0x323: {  	v2 =	vld.idx.msk [tilespmem:v2+s21+$0x0], $0xffff;
	[tilespmem:s7+$0x190] =	vst v7  }
0x324: {  	[tilespmem:s7+$0x1A0] =	vst v6  }
0x325: {  	[tilespmem:s7+$0x1B0] =	vst v0  }
0x326: {  	[tilespmem:s7+$0x1C0] =	vst v1  }
0x327: {  	[tilespmem:s7+$0x1D0] =	vst v3  }
0x328: {  	s2 =	sadd.s32 s16, s8;
	[tilespmem:s7+$0x1E0] =	vst v2  }
0x329: {  	[hbm4b:s2+s17] =	stream.strided.scatter [tilespmem:s25], [sflag:$0x5], $0x4000, s18, s17, $0x38;
	[tilespmem:$0x19000] =	vst v63  }
0x32a: {  	_ =	swait.ge [sflag:s31], $0x4000  }
0x32b: {  	s9 =	simm.s32 @!p0 $0x9000;
	s7 =	simm.s32 @!p0 $0x200;
	[sflag:s31] =	ssyncset.done $0x0  }
0x32c: {  	s2 =	sadd.s32 @!p0 s8, s14;
	s8 =	simm.s32 @!p0 $0x400;
	[sflag:s31] =	ssyncadd.s32 $0xFFFFC000  }
0x32d: {  	[tilespmem:s9], [sflag:$0x3] =	stream.strided.gather @!p0 [hbm4b:s2+s7], $0x4000, s8, s7, $0x38;
	[tilespmem:$0x19000] =	vst v63  }
0x32e: {  	_ =	swait.ge [sflag:s0], $0x4000  }
0x32f: {  	[sflag:s0] =	ssyncset.done $0x0  }
0x330: {  	s15 =	simm.s32 $0x80;
	[sflag:s0] =	ssyncadd.s32 $0xFFFFC000  }
0x331: {  	v0 =	vld [tilespmem:s15+$0x70];
	_ =	sdelay $0x4  }
0x332: {  	v1 =	vshll.u32 v0, $0x2  }
0x333: {  	v0 =	vand.u32 $0x7F, v0;
	v1 =	vand.u32 $0xFFFFFE00, v1  }
0x334: {  	v2 =	vld [tilespmem:s15+$0xFFFFFF90];
	v0 =	vor.u32 v0, v1  }
0x335: {  	v3 =	vld [tilespmem:s15+$0xFFFFFFB0]  }
0x336: {  	v4 =	vld [tilespmem:s15+$0xFFFFFFC0]  }
0x337: {  	v13 =	vld [tilespmem:s15+$0xFFFFFFF0]  }
0x338: {  	v1 =	vld [tilespmem:s15+$0xFFFFFFA0]  }
0x339: {  	v6 =	vld.idx.msk [tilespmem:v0+s24+$0x0], $0xffff  }
0x33a: {  	v5 =	vld [tilespmem:s15+$0xFFFFFFD0];
	v7 =	vor.u32 $0x80, v0  }
0x33b: {  	v10 =	vld [tilespmem:s15+$0xFFFFFF80]  }
0x33c: {  	v8 =	vld [tilespmem:s15+$0xFFFFFFE0];
	v9 =	vshll.u32 v2, $0x2;
	v2 =	vand.u32 $0x7F, v2;
	v23 =	vshll.u32 v13, $0x2  }
0x33d: {  	s8 =	simm.s32 $0x15000;
	v14 =	vld [tilespmem:s15+$0x0];
	v9 =	vand.u32 $0xFFFFFE00, v9;
	v20 =	vor.u32 $0x100, v0;
	v11 =	vshll.u32 v1, $0x2  }
0x33e: {  	v16 =	vld [tilespmem:s15+$0x10];
	v1 =	vand.u32 $0x7F, v1;
	v12 =	vand.u32 $0xFFFFFE00, v11;
	v11 =	vshll.u32 v3, $0x2;
	[tilespmem:s8+$0x270] =	vst v6  }
0x33f: {  	v3 =	vand.u32 $0x7F, v3;
	v15 =	vand.u32 $0xFFFFFE00, v11;
	v11 =	vshll.u32 v4, $0x2;
	v17 =	vld.idx.msk [tilespmem:v7+s24+$0x0], $0xffff  }
0x340: {  	v18 =	vld [tilespmem:s15+$0x20];
	v6 =	vand.u32 $0xFFFFFE00, v11;
	v11 =	vshll.u32 v5, $0x2;
	v7 =	vshll.u32 v10, $0x2  }
0x341: {  	v21 =	vld [tilespmem:s15+$0x30];
	v19 =	vand.u32 $0xFFFFFE00, v11;
	v11 =	vand.u32 $0xFFFFFE00, v7;
	v7 =	vor.u32 v2, v9  }
0x342: {  	v22 =	vld [tilespmem:s15+$0x40];
	v4 =	vand.u32 $0x7F, v4;
	v5 =	vand.u32 $0x7F, v5;
	v9 =	vor.u32 v1, v12  }
0x343: {  	v24 =	vld [tilespmem:s15+$0x50];
	v10 =	vand.u32 $0x7F, v10;
	v2 =	vshll.u32 v8, $0x2;
	v12 =	vor.u32 v4, v6  }
0x344: {  	v25 =	vld [tilespmem:s15+$0x60];
	v1 =	vand.u32 $0x7F, v8;
	v8 =	vshll.u32 v14, $0x2;
	v11 =	vor.u32 v10, v11;
	[tilespmem:s8+$0x2F0] =	vst v17  }
0x345: {  	v6 =	vshll.u32 v16, $0x2;
	v2 =	vand.u32 $0xFFFFFE00, v2;
	v10 =	vor.u32 v3, v15;
	v4 =	vld.idx.msk [tilespmem:v20+s24+$0x0], $0xffff  }
0x346: {  	v3 =	vand.u32 $0xFFFFFE00, v23;
	v15 =	vand.u32 $0x7F, v13;
	v13 =	vor.u32 v5, v19;
	v17 =	vld.idx.msk [tilespmem:v7+s24+$0x0], $0xffff  }
0x347: {  	v5 =	vand.u32 $0xFFFFFE00, v6;
	v6 =	vshll.u32 v18, $0x2;
	v15 =	vor.u32 v15, v3;
	v47 =	vld.idx.msk [tilespmem:v9+s24+$0x0], $0xffff  }
0x348: {  	v20 =	vor.u32 $0x180, v0;
	v0 =	vand.u32 $0x7F, v14;
	v14 =	vor.u32 v1, v2;
	v26 =	vld.idx.msk [tilespmem:v12+s24+$0x0], $0xffff  }
0x349: {  	v6 =	vand.u32 $0xFFFFFE00, v6;
	v1 =	vshll.u32 v21, $0x2;
	v2 =	vand.u32 $0x7F, v16;
	v19 =	vld.idx.msk [tilespmem:v11+s24+$0x0], $0xffff  }
0x34a: {  	v3 =	vand.u32 $0x7F, v18;
	v16 =	vld.idx.msk [tilespmem:v10+s24+$0x0], $0xffff;
	v18 =	vand.u32 $0xFFFFFE00, v1;
	v1 =	vor.u32 v2, v5  }
0x34b: {  	v8 =	vand.u32 $0xFFFFFE00, v8;
	v27 =	vld.idx.msk [tilespmem:v13+s24+$0x0], $0xffff;
	v2 =	vor.u32 v3, v6  }
0x34c: {  	v28 =	vor.u32 $0x80, v7;
	v30 =	vor.u32 $0x80, v9;
	v21 =	vand.u32 $0x7F, v21;
	v49 =	vld.idx.msk [tilespmem:v15+s24+$0x0], $0xffff  }
0x34d: {  	v0 =	vor.u32 v0, v8;
	v8 =	vshll.u32 v22, $0x2;
	v3 =	vor.u32 v21, v18;
	[tilespmem:s8+$0x370] =	vst v4;
	v18 =	vld.idx.msk [tilespmem:v14+s24+$0x0], $0xffff  }
0x34e: {  	v34 =	vor.u32 $0x80, v12;
	v5 =	vand.u32 $0xFFFFFE00, v8;
	v8 =	vld.idx.msk [tilespmem:v20+s24+$0x0], $0xffff  }
0x34f: {  	[tilespmem:s8+$0x10] =	vst v17;
	v51 =	vld.idx.msk [tilespmem:v1+s24+$0x0], $0xffff  }
0x350: {  	v52 =	vor.u32 $0x80, v11;
	[tilespmem:s8+$0x20] =	vst v47;
	v53 =	vld.idx.msk [tilespmem:v2+s24+$0x0], $0xffff  }
0x351: {  	v32 =	vor.u32 $0x80, v10;
	[tilespmem:s8+$0x40] =	vst v26;
	v55 =	vld.idx.msk [tilespmem:v28+s24+$0x0], $0xffff  }
0x352: {  	[tilespmem:s8+$0x30] =	vst v16;
	v16 =	vld.idx.msk [tilespmem:v30+s24+$0x0], $0xffff  }
0x353: {  	v35 =	vor.u32 $0x80, v13;
	v4 =	vand.u32 $0x7F, v22;
	v60 =	vld.idx.msk [tilespmem:v34+s24+$0x0], $0xffff  }
0x354: {  	v4 =	vor.u32 v4, v5;
	[tilespmem:s8+$0x0] =	vst v19;
	v29 =	vld.idx.msk [tilespmem:v3+s24+$0x0], $0xffff  }
0x355: {  	v54 =	vor.u32 $0x80, v14;
	v20 =	vshll.u32 v24, $0x2;
	v17 =	vld.idx.msk [tilespmem:v52+s24+$0x0], $0xffff  }
0x356: {  	v6 =	vand.u32 $0x7F, v24;
	v20 =	vand.u32 $0xFFFFFE00, v20;
	v58 =	vld.idx.msk [tilespmem:v32+s24+$0x0], $0xffff  }
0x357: {  	v59 =	vor.u32 $0x80, v1;
	[tilespmem:s8+$0x50] =	vst v27;
	v5 =	vor.u32 v6, v20;
	v20 =	vld.idx.msk [tilespmem:v0+s24+$0x0], $0xffff  }
0x358: {  	v61 =	vor.u32 $0x80, v2;
	[tilespmem:s8+$0x60] =	vst v18;
	v18 =	vld.idx.msk [tilespmem:v35+s24+$0x0], $0xffff  }
0x359: {  	v43 =	vor.u32 $0x100, v7;
	v31 =	vld.idx.msk [tilespmem:v4+s24+$0x0], $0xffff  }
0x35a: {  	s22 =	simm.s32 $0x180;
	v45 =	vor.u32 $0x100, v9;
	v63 =	vld.idx.msk [tilespmem:v54+s24+$0x0], $0xffff;
	[tilespmem:s8+$0x210] =	vst v51  }
0x35b: {  	[tilespmem:s8+$0x3F0] =	vst v8;
	v8 =	vld [tilespmem:s22+$0x0]  }
0x35c: {  	v48 =	vshll.u32 v25, $0x2;
	[tilespmem:s8+$0x220] =	vst v53;
	v40 =	vld.idx.msk [tilespmem:v59+s24+$0x0], $0xffff  }
0x35d: {  	v50 =	vand.u32 $0x7F, v25;
	v21 =	vand.u32 $0xFFFFFE00, v48;
	[tilespmem:s8+$0x90] =	vst v55;
	v42 =	vld.idx.msk [tilespmem:v61+s24+$0x0], $0xffff  }
0x35e: {  	v6 =	vor.u32 v50, v21;
	[tilespmem:s8+$0xA0] =	vst v16;
	v16 =	vld.idx.msk [tilespmem:v43+s24+$0x0], $0xffff  }
0x35f: {  	v56 =	vor.u32 $0x80, v15;
	v52 =	vld.idx.msk [tilespmem:v45+s24+$0x0], $0xffff  }
0x360: {  	v62 =	vor.u32 $0x80, v3;
	v43 =	vld [tilespmem:s22+$0xFFFFFFF0]  }
0x361: {  	v41 =	vor.u32 $0x100, v11;
	v45 =	vld [tilespmem:s22+$0x20]  }
0x362: {  	v46 =	vor.u32 $0x100, v10;
	[tilespmem:s8+$0x70] =	vst v49;
	v33 =	vld.idx.msk [tilespmem:v5+s24+$0x0], $0xffff  }
0x363: {  	[tilespmem:s8+$0x230] =	vst v29;
	v19 =	vld.idx.msk [tilespmem:v6+s24+$0x0], $0xffff  }
0x364: {  	v57 =	vor.u32 $0x80, v0;
	[tilespmem:s8+$0x200] =	vst v20;
	v20 =	vld.idx.msk [tilespmem:v56+s24+$0x0], $0xffff  }
0x365: {  	v47 =	vor.u32 $0x100, v12;
	[tilespmem:s8+$0x80] =	vst v17;
	v44 =	vld.idx.msk [tilespmem:v62+s24+$0x0], $0xffff  }
0x366: {  	v48 =	vor.u32 $0x100, v13;
	[tilespmem:s8+$0xB0] =	vst v58;
	v49 =	vld.idx.msk [tilespmem:v41+s24+$0x0], $0xffff  }
0x367: {  	v36 =	vor.u32 $0x80, v4;
	v54 =	vld.idx.msk [tilespmem:v46+s24+$0x0], $0xffff  }
0x368: {  	v46 =	vld [tilespmem:s22+$0x30]  }
0x369: {  	[tilespmem:s8+$0xC0] =	vst v60;
	v38 =	vld.idx.msk [tilespmem:v57+s24+$0x0], $0xffff  }
0x36a: {  	[tilespmem:s8+$0xD0] =	vst v18;
	v18 =	vld.idx.msk [tilespmem:v47+s24+$0x0], $0xffff  }
0x36b: {  	v50 =	vor.u32 $0x100, v14;
	[tilespmem:s8+$0x240] =	vst v31;
	v57 =	vld.idx.msk [tilespmem:v48+s24+$0x0], $0xffff  }
0x36c: {  	v55 =	vor.u32 $0x100, v1;
	[tilespmem:s8+$0xE0] =	vst v63;
	v24 =	vld.idx.msk [tilespmem:v36+s24+$0x0], $0xffff  }
0x36d: {  	v56 =	vor.u32 $0x100, v2;
	[tilespmem:s8+$0x110] =	vst v16;
	v16 =	vld [tilespmem:s22+$0x70]  }
0x36e: {  	v7 =	vor.u32 $0x180, v7;
	[tilespmem:s8+$0x290] =	vst v40;
	v40 =	vld [tilespmem:s22+$0xFFFFFFD0]  }
0x36f: {  	v9 =	vor.u32 $0x180, v9;
	[tilespmem:s8+$0x2A0] =	vst v42;
	v42 =	vld [tilespmem:s22+$0xFFFFFFE0]  }
0x370: {  	[tilespmem:s8+$0xF0] =	vst v20;
	v20 =	vld.idx.msk [tilespmem:v50+s24+$0x0], $0xffff  }
0x371: {  	[tilespmem:s8+$0x250] =	vst v33;
	v33 =	vld.idx.msk [tilespmem:v55+s24+$0x0], $0xffff  }
0x372: {  	v37 =	vor.u32 $0x80, v5;
	v28 =	vld.idx.msk [tilespmem:v56+s24+$0x0], $0xffff  }
0x373: {  	v39 =	vor.u32 $0x80, v6;
	[tilespmem:s8+$0x120] =	vst v52;
	v7 =	vld.idx.msk [tilespmem:v7+s24+$0x0], $0xffff  }
0x374: {  	v51 =	vor.u32 $0x100, v15;
	v9 =	vld.idx.msk [tilespmem:v9+s24+$0x0], $0xffff  }
0x375: {  	v58 =	vor.u32 $0x100, v3;
	[tilespmem:s8+$0x2B0] =	vst v44;
	v44 =	vld [tilespmem:s22+$0x10]  }
0x376: {  	v11 =	vor.u32 $0x180, v11;
	v50 =	vld [tilespmem:s22+$0xFFFFFF80]  }
0x377: {  	v10 =	vor.u32 $0x180, v10;
	[tilespmem:s8+$0x260] =	vst v19;
	v19 =	vld.idx.msk [tilespmem:v37+s24+$0x0], $0xffff  }
0x378: {  	v17 =	vld.idx.msk [tilespmem:v39+s24+$0x0], $0xffff  }
0x379: {  	v60 =	vld.idx.msk [tilespmem:v51+s24+$0x0], $0xffff  }
0x37a: {  	[tilespmem:s8+$0x100] =	vst v49;
	v36 =	vld.idx.msk [tilespmem:v58+s24+$0x0], $0xffff  }
0x37b: {  	v53 =	vor.u32 $0x100, v0;
	[tilespmem:s8+$0x130] =	vst v54;
	v11 =	vld.idx.msk [tilespmem:v11+s24+$0x0], $0xffff  }
0x37c: {  	v10 =	vld.idx.msk [tilespmem:v10+s24+$0x0], $0xffff  }
0x37d: {  	v12 =	vor.u32 $0x180, v12;
	[tilespmem:s8+$0x280] =	vst v38;
	v38 =	vld [tilespmem:s22+$0xFFFFFFB0]  }
0x37e: {  	v13 =	vor.u32 $0x180, v13;
	v39 =	vld [tilespmem:s22+$0xFFFFFFC0];
	[tilespmem:s8+$0x140] =	vst v18  }
0x37f: {  	v51 =	vld [tilespmem:s22+$0x60];
	[tilespmem:s8+$0x150] =	vst v57  }
0x380: {  	v59 =	vor.u32 $0x100, v4;
	v62 =	vld.idx.msk [tilespmem:v53+s24+$0x0], $0xffff;
	[tilespmem:s8+$0x2C0] =	vst v24  }
0x381: {  	v14 =	vor.u32 $0x180, v14;
	v18 =	vld [tilespmem:s22+$0xFFFFFF90];
	[tilespmem:s8+$0x160] =	vst v20  }
0x382: {  	v1 =	vor.u32 $0x180, v1;
	v12 =	vld.idx.msk [tilespmem:v12+s24+$0x0], $0xffff;
	[tilespmem:s8+$0x310] =	vst v33  }
0x383: {  	v2 =	vor.u32 $0x180, v2;
	v13 =	vld.idx.msk [tilespmem:v13+s24+$0x0], $0xffff;
	[tilespmem:s8+$0x320] =	vst v28  }
0x384: {  	v61 =	vor.u32 $0x100, v5;
	v20 =	vld [tilespmem:s22+$0xFFFFFFA0];
	[tilespmem:s8+$0x190] =	vst v7  }
0x385: {  	v63 =	vor.u32 $0x100, v6;
	[tilespmem:s8+$0x2D0] =	vst v19;
	v19 =	vld.idx.msk [tilespmem:v59+s24+$0x0], $0xffff  }
0x386: {  	v15 =	vor.u32 $0x180, v15;
	[tilespmem:s8+$0x1A0] =	vst v9;
	v14 =	vld.idx.msk [tilespmem:v14+s24+$0x0], $0xffff  }
0x387: {  	v0 =	vor.u32 $0x180, v0;
	v41 =	vshll.u32 v16, $0x2;
	[tilespmem:s8+$0x2E0] =	vst v17;
	v53 =	vld.idx.msk [tilespmem:v1+s24+$0x0], $0xffff  }
0x388: {  	v3 =	vor.u32 $0x180, v3;
	v16 =	vand.u32 $0x7F, v16;
	v27 =	vand.u32 $0xFFFFFE00, v41;
	[tilespmem:s8+$0x170] =	vst v60;
	v54 =	vld.idx.msk [tilespmem:v2+s24+$0x0], $0xffff  }
0x389: {  	v4 =	vor.u32 $0x180, v4;
	v6 =	vor.u32 $0x180, v6;
	v16 =	vor.u32 v16, v27;
	[tilespmem:s8+$0x330] =	vst v36;
	v17 =	vld.idx.msk [tilespmem:v61+s24+$0x0], $0xffff  }
0x38a: {  	v49 =	vor.u32 $0x180, v5;
	v55 =	vshll.u32 v43, $0x2;
	v57 =	vand.u32 $0x7F, v43;
	[tilespmem:s8+$0x180] =	vst v11;
	v37 =	vld.idx.msk [tilespmem:v63+s24+$0x0], $0xffff  }
0x38b: {  	v21 =	vand.u32 $0x7F, v38;
	v22 =	vand.u32 $0x7F, v39;
	v1 =	vand.u32 $0x7F, v50;
	v15 =	vld.idx.msk [tilespmem:v15+s24+$0x0], $0xffff;
	[tilespmem:s8+$0x300] =	vst v62  }
0x38c: {  	[tilespmem:s8+$0x1B0] =	vst v10;
	v60 =	vand.u32 $0x7F, v8;
	v48 =	vor.u32 $0x80, v16;
	v5 =	vshll.u32 v18, $0x2;
	v52 =	vld.idx.msk [tilespmem:v0+s24+$0x0], $0xffff  }
0x38d: {  	v18 =	vand.u32 $0x7F, v18;
	v5 =	vand.u32 $0xFFFFFE00, v5;
	v0 =	vshll.u32 v39, $0x2;
	[tilespmem:s8+$0x1C0] =	vst v12;
	v12 =	vld.idx.msk [tilespmem:v3+s24+$0x0], $0xffff  }
0x38e: {  	v3 =	vshll.u32 v42, $0x2;
	v9 =	vand.u32 $0xFFFFFE00, v0;
	v0 =	vshll.u32 v40, $0x2;
	[tilespmem:s8+$0x1D0] =	vst v13;
	v47 =	vld.idx.msk [tilespmem:v16+s24+$0x0], $0xffff  }
0x38f: {  	v2 =	vor.u32 v18, v5;
	v10 =	vand.u32 $0xFFFFFE00, v0;
	v0 =	vshll.u32 v50, $0x2;
	[tilespmem:s8+$0x340] =	vst v19;
	v19 =	vld [tilespmem:s22+$0x40]  }
0x390: {  	v11 =	vshll.u32 v20, $0x2;
	v20 =	vand.u32 $0x7F, v20;
	v0 =	vand.u32 $0xFFFFFE00, v0;
	[tilespmem:s8+$0x350] =	vst v17;
	v17 =	vld [tilespmem:s22+$0x50]  }
0x391: {  	v7 =	vand.u32 $0xFFFFFE00, v11;
	v11 =	vshll.u32 v38, $0x2;
	[tilespmem:s8+$0x1E0] =	vst v14;
	v18 =	vld.idx.msk [tilespmem:v4+s24+$0x0], $0xffff;
	v5 =	vor.u32 v1, v0  }
0x392: {  	v14 =	vand.u32 $0xFFFFFE00, v3;
	[tilespmem:s8+$0x360] =	vst v37;
	v11 =	vand.u32 $0xFFFFFE00, v11;
	v3 =	vor.u32 v20, v7;
	v0 =	vld.idx.msk [tilespmem:v49+s24+$0x0], $0xffff  }
0x393: {  	s7 =	simm.s32 $0x15400;
	v13 =	vand.u32 $0x7F, v40;
	v7 =	vshll.u32 v8, $0x2;
	[tilespmem:s8+$0x1F0] =	vst v15;
	v4 =	vor.u32 v21, v11;
	v1 =	vld.idx.msk [tilespmem:v6+s24+$0x0], $0xffff  }
0x394: {  	v15 =	vand.u32 $0xFFFFFE00, v7;
	v6 =	vor.u32 v22, v9;
	v7 =	vor.u32 v13, v10;
	v13 =	vld.idx.msk [tilespmem:v2+s24+$0x0], $0xffff;
	[tilespmem:s7+$0x270] =	vst v47  }
0x395: {  	v36 =	vor.u32 $0x100, v16;
	v35 =	vor.u32 $0x80, v2;
	[tilespmem:s8+$0x390] =	vst v53;
	v20 =	vand.u32 $0x7F, v42;
	v29 =	vld.idx.msk [tilespmem:v48+s24+$0x0], $0xffff  }
0x396: {  	[tilespmem:s8+$0x3A0] =	vst v54;
	v11 =	vand.u32 $0xFFFFFE00, v55;
	v9 =	vshll.u32 v44, $0x2;
	v8 =	vor.u32 v20, v14;
	v59 =	vld.idx.msk [tilespmem:v5+s24+$0x0], $0xffff  }
0x397: {  	[tilespmem:s8+$0x380] =	vst v52;
	v58 =	vand.u32 $0xFFFFFE00, v9;
	v9 =	vshll.u32 v45, $0x2;
	v10 =	vor.u32 v57, v11;
	v20 =	vld.idx.msk [tilespmem:v3+s24+$0x0], $0xffff  }
0x398: {  	v14 =	vand.u32 $0x7F, v44;
	[tilespmem:s8+$0x3B0] =	vst v12;
	v61 =	vand.u32 $0xFFFFFE00, v9;
	v9 =	vshll.u32 v46, $0x2;
	v62 =	vld.idx.msk [tilespmem:v4+s24+$0x0], $0xffff  }
0x399: {  	v12 =	vand.u32 $0x7F, v45;
	v63 =	vand.u32 $0xFFFFFE00, v9;
	v9 =	vor.u32 v60, v15;
	[tilespmem:s8+$0x3C0] =	vst v18;
	v30 =	vld.idx.msk [tilespmem:v6+s24+$0x0], $0xffff  }
0x39a: {  	v11 =	vor.u32 v14, v58;
	v15 =	vand.u32 $0x7F, v46;
	v18 =	vshll.u32 v19, $0x2;
	v31 =	vld.idx.msk [tilespmem:v7+s24+$0x0], $0xffff;
	[tilespmem:s7+$0x10] =	vst v13  }
0x39b: {  	v14 =	vand.u32 $0x7F, v19;
	v12 =	vor.u32 v12, v61;
	v18 =	vand.u32 $0xFFFFFE00, v18;
	v32 =	vld.idx.msk [tilespmem:v8+s24+$0x0], $0xffff;
	[tilespmem:s7+$0x2F0] =	vst v29  }
0x39c: {  	v13 =	vor.u32 v15, v63;
	v14 =	vor.u32 v14, v18;
	v18 =	vld.idx.msk [tilespmem:v10+s24+$0x0], $0xffff;
	[tilespmem:s7+$0x0] =	vst v59  }
0x39d: {  	v24 =	vld.idx.msk [tilespmem:v35+s24+$0x0], $0xffff;
	[tilespmem:s7+$0x20] =	vst v20  }
0x39e: {  	v38 =	vor.u32 $0x80, v6;
	v33 =	vld.idx.msk [tilespmem:v9+s24+$0x0], $0xffff;
	[tilespmem:s7+$0x30] =	vst v62  }
0x39f: {  	v40 =	vor.u32 $0x80, v7;
	v56 =	vld.idx.msk [tilespmem:v36+s24+$0x0], $0xffff;
	[tilespmem:s7+$0x40] =	vst v30  }
0x3a0: {  	v16 =	vor.u32 $0x180, v16;
	v34 =	vld.idx.msk [tilespmem:v12+s24+$0x0], $0xffff;
	[tilespmem:s7+$0x50] =	vst v31  }
0x3a1: {  	v37 =	vor.u32 $0x80, v4;
	[tilespmem:s7+$0x60] =	vst v32;
	v25 =	vld.idx.msk [tilespmem:v13+s24+$0x0], $0xffff  }
0x3a2: {  	v41 =	vor.u32 $0x80, v10;
	v36 =	vld.idx.msk [tilespmem:v14+s24+$0x0], $0xffff;
	[tilespmem:s7+$0x70] =	vst v18  }
0x3a3: {  	v27 =	vld.idx.msk [tilespmem:v38+s24+$0x0], $0xffff;
	[tilespmem:s7+$0x90] =	vst v24  }
0x3a4: {  	v48 =	vor.u32 $0x100, v2;
	v28 =	vld.idx.msk [tilespmem:v40+s24+$0x0], $0xffff;
	[tilespmem:s7+$0x370] =	vst v56  }
0x3a5: {  	v44 =	vor.u32 $0x80, v13;
	[tilespmem:s7+$0x200] =	vst v33;
	v19 =	vld.idx.msk [tilespmem:v16+s24+$0x0], $0xffff;
	v16 =	vand.u32 $0x7F, v17;
	v17 =	vshll.u32 v17, $0x2  }
0x3a6: {  	v52 =	vor.u32 $0x100, v7;
	v26 =	vld.idx.msk [tilespmem:v37+s24+$0x0], $0xffff;
	[tilespmem:s7+$0x220] =	vst v34;
	v15 =	vand.u32 $0xFFFFFE00, v17;
	v17 =	vshll.u32 v51, $0x2  }
0x3a7: {  	v20 =	vand.u32 $0x7F, v51;
	v23 =	vld.idx.msk [tilespmem:v41+s24+$0x0], $0xffff;
	[tilespmem:s7+$0x230] =	vst v25;
	v51 =	vor.u32 $0x100, v6;
	v17 =	vand.u32 $0xFFFFFE00, v17  }
0x3a8: {  	[tilespmem:s7+$0x240] =	vst v36;
	v15 =	vor.u32 v16, v15;
	v16 =	vor.u32 v20, v17;
	v17 =	vld.idx.msk [tilespmem:v11+s24+$0x0], $0xffff;
	v20 =	vor.u32 $0x80, v5  }
0x3a9: {  	[tilespmem:s7+$0xC0] =	vst v27;
	v27 =	vld.idx.msk [tilespmem:v48+s24+$0x0], $0xffff  }
0x3aa: {  	v2 =	vor.u32 $0x180, v2;
	[tilespmem:s7+$0xD0] =	vst v28;
	v22 =	vld.idx.msk [tilespmem:v44+s24+$0x0], $0xffff  }
0x3ab: {  	[tilespmem:s7+$0xB0] =	vst v26;
	v25 =	vld.idx.msk [tilespmem:v52+s24+$0x0], $0xffff  }
0x3ac: {  	[tilespmem:s7+$0x3F0] =	vst v19;
	v19 =	vor.u32 $0x80, v3;
	v24 =	vld.idx.msk [tilespmem:v51+s24+$0x0], $0xffff  }
0x3ad: {  	v20 =	vld.idx.msk [tilespmem:v20+s24+$0x0], $0xffff;
	[tilespmem:s7+$0x210] =	vst v17;
	v17 =	vor.u32 $0x80, v8  }
0x3ae: {  	v43 =	vor.u32 $0x80, v11;
	[tilespmem:s7+$0x110] =	vst v27;
	v18 =	vld.idx.msk [tilespmem:v15+s24+$0x0], $0xffff  }
0x3af: {  	[tilespmem:s7+$0xF0] =	vst v23;
	v45 =	vor.u32 $0x80, v15;
	v63 =	vld.idx.msk [tilespmem:v2+s24+$0x0], $0xffff  }
0x3b0: {  	v47 =	vor.u32 $0x100, v5;
	[tilespmem:s7+$0x2B0] =	vst v22;
	v39 =	vld.idx.msk [tilespmem:v16+s24+$0x0], $0xffff  }
0x3b1: {  	v42 =	vor.u32 $0x80, v9;
	[tilespmem:s7+$0x150] =	vst v25;
	v19 =	vld.idx.msk [tilespmem:v19+s24+$0x0], $0xffff  }
0x3b2: {  	[tilespmem:s7+$0x80] =	vst v20;
	v17 =	vld.idx.msk [tilespmem:v17+s24+$0x0], $0xffff;
	v20 =	vor.u32 $0x80, v14  }
0x3b3: {  	v49 =	vor.u32 $0x100, v3;
	v21 =	vld.idx.msk [tilespmem:v43+s24+$0x0], $0xffff;
	[tilespmem:s7+$0x250] =	vst v18  }
0x3b4: {  	v7 =	vor.u32 $0x180, v7;
	[tilespmem:s7+$0x140] =	vst v24;
	v50 =	vld.idx.msk [tilespmem:v45+s24+$0x0], $0xffff  }
0x3b5: {  	[tilespmem:s7+$0x190] =	vst v63;
	v18 =	vor.u32 $0x80, v12;
	v26 =	vld.idx.msk [tilespmem:v47+s24+$0x0], $0xffff  }
0x3b6: {  	v46 =	vor.u32 $0x80, v16;
	[tilespmem:s7+$0xA0] =	vst v19;
	v19 =	vld.idx.msk [tilespmem:v42+s24+$0x0], $0xffff  }
0x3b7: {  	[tilespmem:s7+$0xE0] =	vst v17;
	v17 =	vld.idx.msk [tilespmem:v20+s24+$0x0], $0xffff;
	v20 =	vor.u32 $0x100, v4  }
0x3b8: {  	v53 =	vor.u32 $0x100, v8;
	v54 =	vor.u32 $0x100, v9;
	[tilespmem:s7+$0x260] =	vst v39;
	v28 =	vld.idx.msk [tilespmem:v49+s24+$0x0], $0xffff  }
0x3b9: {  	v62 =	vor.u32 $0x180, v8;
	v57 =	vor.u32 $0x100, v15;
	v8 =	vor.u32 $0x180, v9;
	v9 =	vld.idx.msk [tilespmem:v7+s24+$0x0], $0xffff;
	[tilespmem:s7+$0x290] =	vst v21  }
0x3ba: {  	v5 =	vor.u32 $0x180, v5;
	v18 =	vld.idx.msk [tilespmem:v18+s24+$0x0], $0xffff;
	[tilespmem:s7+$0x2D0] =	vst v50  }
0x3bb: {  	[tilespmem:s7+$0x280] =	vst v19;
	v19 =	vld.idx.msk [tilespmem:v46+s24+$0x0], $0xffff  }
0x3bc: {  	v55 =	vor.u32 $0x100, v12;
	[tilespmem:s7+$0x100] =	vst v26;
	v20 =	vld.idx.msk [tilespmem:v20+s24+$0x0], $0xffff  }
0x3bd: {  	v56 =	vor.u32 $0x100, v14;
	v21 =	vld.idx.msk [tilespmem:v53+s24+$0x0], $0xffff;
	[tilespmem:s7+$0x120] =	vst v28  }
0x3be: {  	v60 =	vld.idx.msk [tilespmem:v57+s24+$0x0], $0xffff;
	[tilespmem:s7+$0x2C0] =	vst v17;
	v17 =	vor.u32 $0x100, v11  }
0x3bf: {  	v5 =	vld.idx.msk [tilespmem:v5+s24+$0x0], $0xffff;
	[tilespmem:s7+$0x2A0] =	vst v18;
	v18 =	vor.u32 $0x100, v10  }
0x3c0: {  	v58 =	vor.u32 $0x100, v16;
	v22 =	vld.idx.msk [tilespmem:v54+s24+$0x0], $0xffff;
	[tilespmem:s7+$0x2E0] =	vst v19  }
0x3c1: {  	v19 =	vor.u32 $0x100, v13;
	[tilespmem:s7+$0x130] =	vst v20;
	v20 =	vld.idx.msk [tilespmem:v55+s24+$0x0], $0xffff  }
0x3c2: {  	v3 =	vor.u32 $0x180, v3;
	[tilespmem:s7+$0x160] =	vst v21;
	v59 =	vld.idx.msk [tilespmem:v56+s24+$0x0], $0xffff  }
0x3c3: {  	v4 =	vor.u32 $0x180, v4;
	[tilespmem:s7+$0x350] =	vst v60;
	v17 =	vld.idx.msk [tilespmem:v17+s24+$0x0], $0xffff  }
0x3c4: {  	v6 =	vor.u32 $0x180, v6;
	[tilespmem:s7+$0x180] =	vst v5;
	v18 =	vld.idx.msk [tilespmem:v18+s24+$0x0], $0xffff  }
0x3c5: {  	[tilespmem:s7+$0x300] =	vst v22;
	v61 =	vld.idx.msk [tilespmem:v58+s24+$0x0], $0xffff  }
0x3c6: {  	v19 =	vld.idx.msk [tilespmem:v19+s24+$0x0], $0xffff;
	[tilespmem:s7+$0x320] =	vst v20;
	v20 =	vor.u32 $0x180, v10  }
0x3c7: {  	[tilespmem:s7+$0x340] =	vst v59;
	v10 =	vld.idx.msk [tilespmem:v3+s24+$0x0], $0xffff  }
0x3c8: {  	[tilespmem:s7+$0x310] =	vst v17;
	v17 =	vld.idx.msk [tilespmem:v4+s24+$0x0], $0xffff  }
0x3c9: {  	[tilespmem:s7+$0x170] =	vst v18;
	v18 =	vld.idx.msk [tilespmem:v6+s24+$0x0], $0xffff  }
0x3ca: {  	v2 =	vor.u32 $0x180, v16;
	v7 =	vor.u32 $0x180, v11;
	v11 =	vld.idx.msk [tilespmem:v62+s24+$0x0], $0xffff;
	v5 =	vor.u32 $0x180, v14;
	[tilespmem:s7+$0x360] =	vst v61  }
0x3cb: {  	s9 =	simm.s32 $0x100;
	s2 =	simm.s32 $0x280;
	v6 =	vor.u32 $0x180, v12;
	v4 =	vor.u32 $0x180, v13;
	v3 =	vor.u32 $0x180, v15;
	[tilespmem:s7+$0x330] =	vst v19;
	v12 =	vld.idx.msk [tilespmem:v20+s24+$0x0], $0xffff  }
.LBB2_9:
0x3cc: {  	v13 =	vld [tilespmem:s2+$0x70];
	s9 =	sadd.s32 $0x100, s9;
	[tilespmem:s7+$0x1A0] =	vst v10  }
0x3cd: {  	v10 =	vld [tilespmem:s2+$0xFFFFFF90];
	p0 =	slt.u32 s9, $0xF00;
	[tilespmem:s7+$0x1B0] =	vst v17  }
0x3ce: {  	v14 =	vld [tilespmem:s2+$0xFFFFFFA0];
	[tilespmem:s7+$0x1C0] =	vst v18  }
0x3cf: {  	v15 =	vld [tilespmem:s2+$0xFFFFFFB0];
	[tilespmem:s7+$0x1D0] =	vst v9  }
0x3d0: {  	v9 =	vld [tilespmem:s2+$0xFFFFFFC0];
	[tilespmem:s7+$0x1E0] =	vst v11  }
0x3d1: {  	v11 =	vld [tilespmem:s2+$0xFFFFFFD0];
	v16 =	vshll.u32 v13, $0x2;
	[tilespmem:s7+$0x1F0] =	vst v12  }
0x3d2: {  	v13 =	vand.u32 $0x7F, v13;
	v12 =	vshll.u32 v10, $0x2;
	v17 =	vld [tilespmem:s2+$0xFFFFFFE0];
	v16 =	vand.u32 $0xFFFFFE00, v16;
	[tilespmem:s8+$0x3D0] =	vst v0  }
0x3d3: {  	v0 =	vand.u32 $0xFFFFFE00, v12;
	v12 =	vshll.u32 v14, $0x2;
	v18 =	vld [tilespmem:s2+$0xFFFFFFF0];
	v13 =	vor.u32 v13, v16;
	[tilespmem:s8+$0x3E0] =	vst v1;
	s8 =	smov.u32 s7  }
0x3d4: {  	v1 =	vand.u32 $0x7F, v10;
	v10 =	vand.u32 $0xFFFFFE00, v12;
	v12 =	vshll.u32 v15, $0x2;
	v16 =	vld [tilespmem:s2+$0x0]  }
0x3d5: {  	v14 =	vand.u32 $0x7F, v14;
	v12 =	vand.u32 $0xFFFFFE00, v12;
	v19 =	vshll.u32 v9, $0x2;
	v20 =	vld [tilespmem:s2+$0x10]  }
0x3d6: {  	v15 =	vand.u32 $0x7F, v15;
	v19 =	vand.u32 $0xFFFFFE00, v19;
	v21 =	vshll.u32 v11, $0x2;
	v22 =	vld [tilespmem:s2+$0x20]  }
0x3d7: {  	v9 =	vand.u32 $0x7F, v9;
	v21 =	vand.u32 $0xFFFFFE00, v21;
	v23 =	vshll.u32 v17, $0x2;
	v24 =	vld [tilespmem:s2+$0x30]  }
0x3d8: {  	v11 =	vand.u32 $0x7F, v11;
	v23 =	vand.u32 $0xFFFFFE00, v23;
	v25 =	vshll.u32 v18, $0x2;
	v26 =	vld.idx.msk [tilespmem:v13+s24+$0x0], $0xffff  }
0x3d9: {  	v17 =	vand.u32 $0x7F, v17;
	v25 =	vand.u32 $0xFFFFFE00, v25;
	v27 =	vshll.u32 v16, $0x2;
	v28 =	vld [tilespmem:s2+$0x40]  }
0x3da: {  	v31 =	vor.u32 $0x80, v13;
	v27 =	vand.u32 $0xFFFFFE00, v27;
	v29 =	vshll.u32 v20, $0x2;
	v30 =	vld [tilespmem:s2+$0x50]  }
0x3db: {  	v18 =	vand.u32 $0x7F, v18;
	v29 =	vand.u32 $0xFFFFFE00, v29;
	v32 =	vshll.u32 v22, $0x2;
	v33 =	vld [tilespmem:s2+$0x60]  }
0x3dc: {  	v16 =	vand.u32 $0x7F, v16;
	v34 =	vld [tilespmem:s2+$0xFFFFFF80];
	v32 =	vand.u32 $0xFFFFFE00, v32;
	v35 =	vshll.u32 v24, $0x2  }
0x3dd: {  	s7 =	sadd.s32 $0x400, s7;
	v20 =	vand.u32 $0x7F, v20;
	v22 =	vand.u32 $0x7F, v22;
	v35 =	vand.u32 $0xFFFFFE00, v35;
	v8 =	vld.idx.msk [tilespmem:v8+s24+$0x0], $0xffff  }
0x3de: {  	v24 =	vand.u32 $0x7F, v24;
	v36 =	vand.u32 $0x7F, v28;
	v28 =	vshll.u32 v28, $0x2;
	[tilespmem:s7+$0x270] =	vst v26;
	v7 =	vld.idx.msk [tilespmem:v7+s24+$0x0], $0xffff  }
0x3df: {  	v26 =	vand.u32 $0xFFFFFE00, v28;
	v28 =	vand.u32 $0x7F, v30;
	v30 =	vshll.u32 v30, $0x2;
	v31 =	vld.idx.msk [tilespmem:v31+s24+$0x0], $0xffff  }
0x3e0: {  	v30 =	vand.u32 $0xFFFFFE00, v30;
	v37 =	vand.u32 $0x7F, v33;
	v33 =	vshll.u32 v33, $0x2;
	v6 =	vld.idx.msk [tilespmem:v6+s24+$0x0], $0xffff  }
0x3e1: {  	v39 =	vor.u32 $0x100, v13;
	v38 =	vshll.u32 v34, $0x2;
	v33 =	vand.u32 $0xFFFFFE00, v33;
	v4 =	vld.idx.msk [tilespmem:v4+s24+$0x0], $0xffff  }
0x3e2: {  	v40 =	vor.u32 v1, v0;
	v34 =	vand.u32 $0x7F, v34;
	v38 =	vand.u32 $0xFFFFFE00, v38;
	v5 =	vld.idx.msk [tilespmem:v5+s24+$0x0], $0xffff  }
0x3e3: {  	v10 =	vor.u32 v14, v10;
	v12 =	vor.u32 v15, v12;
	v34 =	vor.u32 v34, v38;
	v0 =	vld.idx.msk [tilespmem:v3+s24+$0x0], $0xffff  }
0x3e4: {  	v3 =	vor.u32 v9, v19;
	v9 =	vor.u32 v11, v21;
	v11 =	vor.u32 v17, v23;
	v1 =	vld.idx.msk [tilespmem:v2+s24+$0x0], $0xffff  }
0x3e5: {  	v14 =	vor.u32 v16, v27;
	v15 =	vor.u32 v20, v29;
	v2 =	vor.u32 v18, v25;
	[tilespmem:s7+$0x2F0] =	vst v31  }
0x3e6: {  	v16 =	vor.u32 v22, v32;
	v17 =	vor.u32 v24, v35;
	v18 =	vor.u32 v36, v26;
	v19 =	vld.idx.msk [tilespmem:v39+s24+$0x0], $0xffff  }
0x3e7: {  	v22 =	vor.u32 v28, v30;
	v23 =	vor.u32 v37, v33;
	v20 =	vor.u32 $0x80, v34;
	v21 =	vld.idx.msk [tilespmem:v40+s24+$0x0], $0xffff;
	[tilespmem:s8+$0x380] =	vst v8  }
0x3e8: {  	v13 =	vor.u32 $0x180, v13;
	v24 =	vor.u32 $0x80, v40;
	v25 =	vor.u32 $0x80, v10;
	v8 =	vld.idx.msk [tilespmem:v34+s24+$0x0], $0xffff;
	[tilespmem:s8+$0x390] =	vst v7  }
0x3e9: {  	v26 =	vor.u32 $0x80, v12;
	v27 =	vor.u32 $0x80, v3;
	v28 =	vor.u32 $0x80, v9;
	v7 =	vld.idx.msk [tilespmem:v10+s24+$0x0], $0xffff;
	[tilespmem:s8+$0x3A0] =	vst v6  }
0x3ea: {  	v29 =	vor.u32 $0x80, v11;
	v30 =	vor.u32 $0x80, v2;
	v31 =	vor.u32 $0x80, v14;
	v6 =	vld.idx.msk [tilespmem:v12+s24+$0x0], $0xffff;
	[tilespmem:s8+$0x3B0] =	vst v4  }
0x3eb: {  	v32 =	vor.u32 $0x80, v15;
	v33 =	vor.u32 $0x80, v16;
	v35 =	vor.u32 $0x80, v17;
	v4 =	vld.idx.msk [tilespmem:v3+s24+$0x0], $0xffff;
	[tilespmem:s8+$0x3C0] =	vst v5  }
0x3ec: {  	v37 =	vor.u32 $0x80, v22;
	v38 =	vor.u32 $0x80, v23;
	v36 =	vor.u32 $0x80, v18;
	v5 =	vld.idx.msk [tilespmem:v9+s24+$0x0], $0xffff;
	[tilespmem:s7+$0x370] =	vst v19  }
0x3ed: {  	v39 =	vor.u32 $0x100, v10;
	v19 =	vor.u32 $0x100, v34;
	[tilespmem:s7+$0x10] =	vst v21;
	v21 =	vor.u32 $0x100, v40;
	v13 =	vld.idx.msk [tilespmem:v13+s24+$0x0], $0xffff  }
0x3ee: {  	v41 =	vor.u32 $0x100, v12;
	v42 =	vor.u32 $0x100, v3;
	v43 =	vor.u32 $0x100, v9;
	[tilespmem:s7+$0x0] =	vst v8;
	v8 =	vld.idx.msk [tilespmem:v11+s24+$0x0], $0xffff  }
0x3ef: {  	v46 =	vor.u32 $0x100, v14;
	v44 =	vor.u32 $0x100, v11;
	v45 =	vor.u32 $0x100, v2;
	[tilespmem:s7+$0x20] =	vst v7;
	v7 =	vld.idx.msk [tilespmem:v2+s24+$0x0], $0xffff  }
0x3f0: {  	v48 =	vor.u32 $0x100, v15;
	v49 =	vor.u32 $0x100, v16;
	v50 =	vor.u32 $0x100, v17;
	[tilespmem:s7+$0x30] =	vst v6;
	v47 =	vld.idx.msk [tilespmem:v14+s24+$0x0], $0xffff  }
0x3f1: {  	v53 =	vor.u32 $0x100, v22;
	v54 =	vor.u32 $0x100, v23;
	v52 =	vor.u32 $0x100, v18;
	[tilespmem:s7+$0x40] =	vst v4;
	v51 =	vld.idx.msk [tilespmem:v15+s24+$0x0], $0xffff  }
0x3f2: {  	v10 =	vor.u32 $0x180, v10;
	v34 =	vor.u32 $0x180, v34;
	v40 =	vor.u32 $0x180, v40;
	[tilespmem:s7+$0x50] =	vst v5;
	v55 =	vld.idx.msk [tilespmem:v16+s24+$0x0], $0xffff  }
0x3f3: {  	v56 =	vor.u32 $0x180, v3;
	v12 =	vor.u32 $0x180, v12;
	v9 =	vor.u32 $0x180, v9;
	v57 =	vld.idx.msk [tilespmem:v17+s24+$0x0], $0xffff;
	[tilespmem:s7+$0x3F0] =	vst v13  }
0x3f4: {  	v11 =	vor.u32 $0x180, v11;
	v13 =	vor.u32 $0x180, v2;
	[tilespmem:s7+$0x60] =	vst v8;
	v8 =	vor.u32 $0x180, v14;
	v14 =	vld.idx.msk [tilespmem:v18+s24+$0x0], $0xffff  }
0x3f5: {  	v6 =	vor.u32 $0x180, v16;
	v4 =	vor.u32 $0x180, v17;
	[tilespmem:s7+$0x70] =	vst v7;
	v7 =	vor.u32 $0x180, v15;
	v15 =	vld.idx.msk [tilespmem:v22+s24+$0x0], $0xffff  }
0x3f6: {  	v3 =	vor.u32 $0x180, v22;
	v5 =	vor.u32 $0x180, v18;
	v2 =	vor.u32 $0x180, v23;
	[tilespmem:s7+$0x200] =	vst v47;
	v16 =	vld.idx.msk [tilespmem:v23+s24+$0x0], $0xffff  }
0x3f7: {  	v17 =	vld.idx.msk [tilespmem:v20+s24+$0x0], $0xffff;
	[tilespmem:s7+$0x210] =	vst v51  }
0x3f8: {  	v18 =	vld.idx.msk [tilespmem:v24+s24+$0x0], $0xffff;
	[tilespmem:s7+$0x220] =	vst v55  }
0x3f9: {  	v20 =	vld.idx.msk [tilespmem:v25+s24+$0x0], $0xffff;
	[tilespmem:s7+$0x230] =	vst v57  }
0x3fa: {  	v22 =	vld.idx.msk [tilespmem:v26+s24+$0x0], $0xffff;
	[tilespmem:s7+$0x240] =	vst v14  }
0x3fb: {  	v14 =	vld.idx.msk [tilespmem:v27+s24+$0x0], $0xffff;
	[tilespmem:s7+$0x250] =	vst v15  }
0x3fc: {  	v15 =	vld.idx.msk [tilespmem:v28+s24+$0x0], $0xffff;
	[tilespmem:s7+$0x260] =	vst v16  }
0x3fd: {  	[tilespmem:s7+$0x80] =	vst v17;
	v16 =	vld.idx.msk [tilespmem:v29+s24+$0x0], $0xffff  }
0x3fe: {  	[tilespmem:s7+$0x90] =	vst v18;
	v17 =	vld.idx.msk [tilespmem:v30+s24+$0x0], $0xffff  }
0x3ff: {  	[tilespmem:s7+$0xA0] =	vst v20;
	v18 =	vld.idx.msk [tilespmem:v31+s24+$0x0], $0xffff  }
0x400: {  	[tilespmem:s7+$0xB0] =	vst v22;
	v20 =	vld.idx.msk [tilespmem:v32+s24+$0x0], $0xffff  }
0x401: {  	[tilespmem:s7+$0xC0] =	vst v14;
	v14 =	vld.idx.msk [tilespmem:v33+s24+$0x0], $0xffff  }
0x402: {  	[tilespmem:s7+$0xD0] =	vst v15;
	v15 =	vld.idx.msk [tilespmem:v35+s24+$0x0], $0xffff  }
0x403: {  	[tilespmem:s7+$0xE0] =	vst v16;
	v16 =	vld.idx.msk [tilespmem:v36+s24+$0x0], $0xffff  }
0x404: {  	[tilespmem:s7+$0xF0] =	vst v17;
	v17 =	vld.idx.msk [tilespmem:v37+s24+$0x0], $0xffff  }
0x405: {  	[tilespmem:s7+$0x280] =	vst v18;
	v18 =	vld.idx.msk [tilespmem:v38+s24+$0x0], $0xffff  }
0x406: {  	v19 =	vld.idx.msk [tilespmem:v19+s24+$0x0], $0xffff;
	[tilespmem:s7+$0x290] =	vst v20  }
0x407: {  	v20 =	vld.idx.msk [tilespmem:v21+s24+$0x0], $0xffff;
	[tilespmem:s7+$0x2A0] =	vst v14  }
0x408: {  	v14 =	vld.idx.msk [tilespmem:v39+s24+$0x0], $0xffff;
	[tilespmem:s7+$0x2B0] =	vst v15  }
0x409: {  	v15 =	vld.idx.msk [tilespmem:v41+s24+$0x0], $0xffff;
	[tilespmem:s7+$0x2C0] =	vst v16  }
0x40a: {  	v16 =	vld.idx.msk [tilespmem:v42+s24+$0x0], $0xffff;
	[tilespmem:s7+$0x2D0] =	vst v17  }
0x40b: {  	v17 =	vld.idx.msk [tilespmem:v43+s24+$0x0], $0xffff;
	[tilespmem:s7+$0x2E0] =	vst v18  }
0x40c: {  	[tilespmem:s7+$0x100] =	vst v19;
	v18 =	vld.idx.msk [tilespmem:v44+s24+$0x0], $0xffff  }
0x40d: {  	[tilespmem:s7+$0x110] =	vst v20;
	v19 =	vld.idx.msk [tilespmem:v45+s24+$0x0], $0xffff  }
0x40e: {  	[tilespmem:s7+$0x120] =	vst v14;
	v14 =	vld.idx.msk [tilespmem:v46+s24+$0x0], $0xffff  }
0x40f: {  	[tilespmem:s7+$0x130] =	vst v15;
	v15 =	vld.idx.msk [tilespmem:v48+s24+$0x0], $0xffff  }
0x410: {  	[tilespmem:s7+$0x140] =	vst v16;
	v16 =	vld.idx.msk [tilespmem:v49+s24+$0x0], $0xffff  }
0x411: {  	[tilespmem:s7+$0x150] =	vst v17;
	v17 =	vld.idx.msk [tilespmem:v50+s24+$0x0], $0xffff  }
0x412: {  	[tilespmem:s7+$0x160] =	vst v18;
	v18 =	vld.idx.msk [tilespmem:v52+s24+$0x0], $0xffff  }
0x413: {  	[tilespmem:s7+$0x170] =	vst v19;
	v19 =	vld.idx.msk [tilespmem:v53+s24+$0x0], $0xffff  }
0x414: {  	[tilespmem:s7+$0x300] =	vst v14;
	v14 =	vld.idx.msk [tilespmem:v54+s24+$0x0], $0xffff  }
0x415: {  	v20 =	vld.idx.msk [tilespmem:v34+s24+$0x0], $0xffff;
	[tilespmem:s7+$0x310] =	vst v15  }
0x416: {  	v15 =	vld.idx.msk [tilespmem:v40+s24+$0x0], $0xffff;
	[tilespmem:s7+$0x320] =	vst v16  }
0x417: {  	v10 =	vld.idx.msk [tilespmem:v10+s24+$0x0], $0xffff;
	[tilespmem:s7+$0x330] =	vst v17  }
.Ltmp3:
0x418: {  	v17 =	vld.idx.msk [tilespmem:v12+s24+$0x0], $0xffff;
	[tilespmem:s7+$0x340] =	vst v18;
	(pc) =	sbr.rel @p0 .LBB2_9-.Ltmp3, $4  }
0x419: {  	v18 =	vld.idx.msk [tilespmem:v56+s24+$0x0], $0xffff;
	[tilespmem:s7+$0x350] =	vst v19  }
0x41a: {  	v9 =	vld.idx.msk [tilespmem:v9+s24+$0x0], $0xffff;
	[tilespmem:s7+$0x360] =	vst v14  }
0x41b: {  	[tilespmem:s7+$0x180] =	vst v20;
	v11 =	vld.idx.msk [tilespmem:v11+s24+$0x0], $0xffff  }
0x41c: {  	s2 =	sadd.s32 $0x100, s2;
	[tilespmem:s7+$0x190] =	vst v15;
	v12 =	vld.idx.msk [tilespmem:v13+s24+$0x0], $0xffff  }
0x41d: {  	_ = 	snop  }
0x41e: {  	[tilespmem:s7+$0x1A0] =	vst v10  }
0x41f: {  	[tilespmem:s7+$0x1B0] =	vst v17  }
0x420: {  	[tilespmem:s8+$0x3D0] =	vst v0  }
0x421: {  	v8 =	vld.idx.msk [tilespmem:v8+s24+$0x0], $0xffff;
	[tilespmem:s8+$0x3E0] =	vst v1  }
0x422: {  	v7 =	vld.idx.msk [tilespmem:v7+s24+$0x0], $0xffff;
	[tilespmem:s7+$0x1C0] =	vst v18  }
0x423: {  	v6 =	vld.idx.msk [tilespmem:v6+s24+$0x0], $0xffff;
	[tilespmem:s7+$0x1D0] =	vst v9  }
0x424: {  	v62 =	vld.idx.msk [tilespmem:v4+s24+$0x0], $0xffff;
	[tilespmem:s7+$0x1E0] =	vst v11  }
0x425: {  	v63 =	vld.idx.msk [tilespmem:v5+s24+$0x0], $0xffff;
	[tilespmem:s7+$0x1F0] =	vst v12  }
0x426: {  	v3 =	vld.idx.msk [tilespmem:v3+s24+$0x0], $0xffff;
	[tilespmem:s7+$0x380] =	vst v8  }
0x427: {  	v2 =	vld.idx.msk [tilespmem:v2+s24+$0x0], $0xffff;
	s3 =	sadd.s32 $0x1, s3;
	[tilespmem:s7+$0x390] =	vst v7  }
0x428: {  	p0 =	sne.s32 s3, $0x20;
	[tilespmem:s7+$0x3A0] =	vst v6  }
.Ltmp4:
0x429: {  	[tilespmem:s7+$0x3B0] =	vst v62;
	(pc) =	sbr.rel @p0 .LBB2_2-.Ltmp4, $4  }
0x42a: {  	[tilespmem:s7+$0x3C0] =	vst v63  }
0x42b: {  	[tilespmem:s7+$0x3D0] =	vst v3  }
0x42c: {  	s2 =	sadd.s32 s4, s5;
	[tilespmem:s7+$0x3E0] =	vst v2  }
0x42d: {  	[hbm4b:s2+s17] =	stream.strided.scatter [tilespmem:s28], [sflag:$0x6], $0x4000, s18, s17, $0x38;
	[tilespmem:$0x19000] =	vst v63  }
0x42e: {  	_ =	swait.ge [sflag:s30], $0x4000  }
0x42f: {  	[sflag:s30] =	ssyncset.done $0x0  }
0x430: {  	[sflag:s30] =	ssyncadd.s32 $0xFFFFC000  }
0x431: {  	_ =	swait.ge [sflag:s0], $0x4000  }
0x432: {  	s3 =	rddreg [dreg:$0x8]  }
0x433: {  	s2 =	rddreg [dreg:$0x7];
	s3 =	sadd.s32 $0x1, s3  }
0x434: {  	p0 =	sne.s32 s3, s2  }
.Ltmp5:
0x435: {  	_ = 	snop;
	(pc) =	sbr.rel @p0 .LBB2_1-.Ltmp5, $3  }
0x436: {  	_ =	sdelay $0x1  }
0x437: {  	[sflag:s0] =	ssyncset.done $0x0  }
0x438: {  	[sflag:s0] =	ssyncadd.s32 $0xFFFFC000  }
0x439: {  	_ =	sfence.sel $0x180000  }
0x43a: {  	[bflag:$0x0] =	sbarrier.arrive $0xFFFF  }
0x43b: {  	_ =	strace $0x90000047  }
0x43c: {  	s0 =	stileid.u32;
	[bflag:$0x2] =	sbarrier.arrive $0xFFFF  }
0x43d: {  	p0 =	sne.s32 s0, $0x0;
	s0 =	rddreg [dreg:$0x3]  }
0x43e: {  	s0 =	sadd.s32 @!p0 $0x100000, s0  }
0x43f: {  	[sflag:s0] =	ssyncadd.tile.s32 @!p0 $0x1;
	_ =	shalt  }
.Lfunc_end2:
_tile_overlayer_lowered:
.L_overlay_start_2:
0x440: {  	(tag) =	ssettag $0x2  }
0x441: {  	s0 =	rddreg [dreg:$0x0];
	s2 =	stileid.u32  }
0x442: {  	s1 =	rddreg [dreg:$0x1];
	p0 =	sne.s32 s2, $0x0  }
0x443: {  	s3 =	rddreg [dreg:$0x2];
	[bflag:$0x3] =	sbarrier.arrive $0xFFFF;
	s2 =	simm.s32 @!p0 $0x1C07  }
0x444: {  	[timem:s3], [sflag:s2] =	dma.local @!p0 [hbm:s0], s1  }
0x445: {  	s0 =	simm.s32 @!p0 $0x7  }
0x446: {  	_ =	swait.ge @!p0 [sflag:s0], s1  }
0x447: {  	s1 =	ssub.s32 @!p0 $0x0, s1;
	[sflag:s0] =	ssyncset.done @!p0 $0x0  }
0x448: {  	[sflag:s0] =	ssyncadd.s32 @!p0 s1  }
0x449: {  	[bflag:$0x3] =	sbarrier.arrive $0xFFFF  }
0x44a: {  	_ =	shalt  }

</sc_bundles>
